<compile_context>
chip_gen: v7x
topology: tpu7x:2x2x1
jax: 0.10.2.dev20260603
libtpu: 0.0.44.dev20260713+nightly
codegen_flags: <defaults>
</compile_context>

<pallas_src>
import dataclasses
import functools

import jax
import jax.numpy as jnp
from jax import lax
from jax.experimental import pallas as pl
from jax.experimental.pallas import tpu as pltpu
from jax.experimental.pallas import tpu_sc as plsc

_NC = 2
_NS = 16
_NW = _NC * _NS
_LANES = 128


def _sc_gather_t(user_t, item_t, user_idx, item_idx):
    D, V = user_t.shape
    B = user_idx.shape[0]
    bpw = B // _NW

    mesh = plsc.VectorSubcoreMesh(core_axis_name="c", subcore_axis_name="s")

    cp = pltpu.CompilerParams()
    if "needs_layout_passes" in pltpu.CompilerParams.__dataclass_fields__:
        cp = dataclasses.replace(cp, needs_layout_passes=False)

    @functools.partial(
        pl.kernel,
        mesh=mesh,
        compiler_params=cp,
        out_type=(jax.ShapeDtypeStruct((D, B), jnp.float32),
                  jax.ShapeDtypeStruct((D, B), jnp.float32)),
        scratch_types=[
            pltpu.VMEM((bpw,), jnp.int32),
            pltpu.VMEM((bpw,), jnp.int32),
            pltpu.VMEM((32, D, _LANES), jnp.float32),
            pltpu.VMEM((D, bpw), jnp.float32),
            pltpu.VMEM((D, bpw), jnp.float32),
            pltpu.SemaphoreType.DMA,
        ],
    )
    def sc_k(ut_hbm, it_hbm, ui_hbm, ii_hbm, uo_hbm, io_hbm,
             uidx_v, iidx_v, buf, uout, iout, sem):
        wid = lax.axis_index("s") * _NC + lax.axis_index("c")
        base = wid * bpw
        iota16 = lax.iota(jnp.int32, 16)
        pltpu.sync_copy(ui_hbm.at[pl.ds(base, bpw)], uidx_v)
        pltpu.sync_copy(ii_hbm.at[pl.ds(base, bpw)], iidx_v)
        nchunks = bpw // 16

        def run_pass(t_hbm, idx_v, out):
            @pl.loop(0, nchunks + 1)
            def _(c):
                @pl.when(c < nchunks)
                def _():
                    c16 = pl.multiple_of(c * 16, 16)
                    vecs = idx_v[pl.ds(c16, 16)]
                    s0 = lax.rem(c, 2) * 16
                    for j in range(16):
                        o = pl.multiple_of((vecs[j] >> 7) * _LANES, _LANES)
                        pltpu.async_copy(t_hbm.at[:, pl.ds(o, _LANES)],
                                         buf.at[s0 + j], sem)

                @pl.when(c > 0)
                def _():
                    cm16 = pl.multiple_of((c - 1) * 16, 16)
                    vecs = idx_v[pl.ds(cm16, 16)]
                    lanes = vecs & (_LANES - 1)
                    s0 = lax.rem(c - 1, 2) * 16
                    for j in range(16):
                        pltpu.make_async_copy(
                            t_hbm.at[:, pl.ds(0, _LANES)],
                            buf.at[s0 + j], sem).wait()
                        s16 = jnp.zeros((16,), jnp.int32) + (s0 + j)
                        g16 = jnp.zeros((16,), jnp.int32) + (cm16 + j)
                        lv = jnp.zeros((16,), jnp.int32) + lanes[j]
                        vec = plsc.load_gather(buf, [s16, iota16, lv])
                        plsc.store_scatter(out, [iota16, g16], vec)

        run_pass(ut_hbm, uidx_v, uout)
        run_pass(it_hbm, iidx_v, iout)
        pltpu.sync_copy(uout, uo_hbm.at[:, pl.ds(base, bpw)])
        pltpu.sync_copy(iout, io_hbm.at[:, pl.ds(base, bpw)])

    return sc_k(user_t, item_t, user_idx, item_idx)


def _mlp_body(xu_ref, xi_ref, w1u_ref, w1i_ref, b1_ref,
              w2_ref, b2_ref, w3_ref, b3_ref, wf_ref, bf_ref, o_ref):
    hp = jax.lax.Precision.HIGHEST
    h = jnp.dot(w1u_ref[...], xu_ref[...], precision=hp)
    h += jnp.dot(w1i_ref[...], xi_ref[...], precision=hp)
    h = jnp.maximum(h + b1_ref[...], 0.0)
    h = jnp.maximum(jnp.dot(w2_ref[...], h, precision=hp) + b2_ref[...], 0.0)
    h = jnp.maximum(jnp.dot(w3_ref[...], h, precision=hp) + b3_ref[...], 0.0)
    logits = jnp.dot(wf_ref[...], h, precision=hp) + bf_ref[...]
    o_ref[...] = jax.nn.sigmoid(logits)


def _tc_mlp_t(xu, xi, W1, b1, W2, b2, W3, b3, Wf, bf):
    D, B = xu.shape
    blk = 2048
    w1ut = W1[:D].T
    w1it = W1[D:].T
    w2t, w3t, wft = W2.T, W3.T, Wf.T
    b1c, b2c, b3c = b1.reshape(-1, 1), b2.reshape(-1, 1), b3.reshape(-1, 1)
    bfc = bf.reshape(1, 1)

    full = lambda shape: pl.BlockSpec(shape, lambda b: (0, 0))
    out = pl.pallas_call(
        _mlp_body,
        grid=(B // blk,),
        in_specs=[
            pl.BlockSpec((D, blk), lambda b: (0, b)),
            pl.BlockSpec((D, blk), lambda b: (0, b)),
            full(w1ut.shape), full(w1it.shape), full(b1c.shape),
            full(w2t.shape), full(b2c.shape),
            full(w3t.shape), full(b3c.shape),
            full(wft.shape), full(bfc.shape),
        ],
        out_specs=pl.BlockSpec((1, blk), lambda b: (0, b)),
        out_shape=jax.ShapeDtypeStruct((1, B), jnp.float32),
        compiler_params=pltpu.CompilerParams(
            dimension_semantics=("parallel",)),
    )(xu, xi, w1ut, w1it, b1c, w2t, b2c, w3t, b3c, wft, bfc)
    return out.reshape(B, 1)


def kernel(user_input, item_input, user_table, item_table,
           W1, b1, W2, b2, W3, b3, Wf, bf):
    xu, xi = _sc_gather_t(user_table.T, item_table.T, user_input, item_input)
    return _tc_mlp_t(xu, xi, W1, b1, W2, b2, W3, b3, Wf, bf)

# --- scband reference (transcript-rebuilt; emitter-appended) ---
"""Pipeline reference for scband-ncf-new-996432413156 (READ-ONLY COPY).

The authoritative reference and input builder live on the scoring server;
editing this copy changes nothing except your own understanding.
"""

import jax, jax.numpy as jnp
import numpy as np

NUM_USERS = 1000000
NUM_ITEMS = 1000000
MLP_DIM = 32
EMB_DIM = MLP_DIM // 2
BATCH = 16384


def setup_inputs(seed: int = 0) -> dict:
    key = jax.random.key(seed)
    ks = jax.random.split(key, 12)
    user_input = jax.random.randint(ks[0], (BATCH,), 0, NUM_USERS, dtype=jnp.int64 if jax.config.jax_enable_x64 else jnp.int32).astype(jnp.int32)
    item_input = jax.random.randint(ks[1], (BATCH,), 0, NUM_ITEMS, dtype=jnp.int32)
    user_table = jax.random.normal(ks[2], (NUM_USERS, EMB_DIM), dtype=jnp.float32) * 0.05
    item_table = jax.random.normal(ks[3], (NUM_ITEMS, EMB_DIM), dtype=jnp.float32) * 0.05
    W1 = jax.random.normal(ks[4], (MLP_DIM, MLP_DIM), dtype=jnp.float32) * (1.0 / np.sqrt(MLP_DIM))
    b1 = jnp.zeros((MLP_DIM,), dtype=jnp.float32)
    W2 = jax.random.normal(ks[5], (MLP_DIM, MLP_DIM), dtype=jnp.float32) * (1.0 / np.sqrt(MLP_DIM))
    b2 = jnp.zeros((MLP_DIM,), dtype=jnp.float32)
    W3 = jax.random.normal(ks[6], (MLP_DIM, MLP_DIM), dtype=jnp.float32) * (1.0 / np.sqrt(MLP_DIM))
    b3 = jnp.zeros((MLP_DIM,), dtype=jnp.float32)
    Wf = jax.random.normal(ks[7], (MLP_DIM, 1), dtype=jnp.float32) * (1.0 / np.sqrt(MLP_DIM))
    bf = jnp.zeros((1,), dtype=jnp.float32)
    return {"user_input": user_input, "item_input": item_input,
            "user_table": user_table, "item_table": item_table,
            "W1": W1, "b1": b1, "W2": W2, "b2": b2, "W3": W3, "b3": b3,
            "Wf": Wf, "bf": bf}


def reference(user_input, item_input, user_table, item_table, W1, b1, W2, b2, W3, b3, Wf, bf):
    # embedding lookups (gather)
    user_embedded = jnp.take(user_table, user_input, axis=0)
    item_embedded = jnp.take(item_table, item_input, axis=0)
    vector = jnp.concatenate([user_embedded, item_embedded], axis=1)
    # MLP stack: n_mlp_layers=4 -> 3 hidden MLP blocks (Linear + ReLU)
    vector = jax.nn.relu(vector @ W1 + b1)
    vector = jax.nn.relu(vector @ W2 + b2)
    vector = jax.nn.relu(vector @ W3 + b3)
    # final MLP(mlp_layers_dim, 1, False, False, False): plain Linear, no norm/act/dropout
    logits = vector @ Wf + bf
    pred = jax.nn.sigmoid(logits)
    return pred

if __name__ == "__main__":
    import jax
    _d = setup_inputs()
    print(jax.jit(kernel)(*tuple(_d.values())))

</pallas_src>

<mosaic_0001>
#map = affine_map<(d0, d1) -> (0, 0)>
#map1 = affine_map<(d0, d1) -> (0)>
module attributes {stable_mosaic.version = 14 : i64} {
  func.func @sc_k(%arg0: i32, %arg1: i32, %arg2: memref<16x1000000xf32, #tpu.memory_space<hbm>>, %arg3: memref<16x1000000xf32, #tpu.memory_space<hbm>>, %arg4: memref<16384xi32, #tpu.memory_space<hbm>>, %arg5: memref<16384xi32, #tpu.memory_space<hbm>>, %arg6: memref<16x16384xf32, #tpu.memory_space<hbm>>, %arg7: memref<16x16384xf32, #tpu.memory_space<hbm>>, %arg8: memref<512xi32, #tpu.memory_space<vmem>>, %arg9: memref<512xi32, #tpu.memory_space<vmem>>, %arg10: memref<32x16x128xf32, #tpu.memory_space<vmem>>, %arg11: memref<16x512xf32, #tpu.memory_space<vmem>>, %arg12: memref<16x512xf32, #tpu.memory_space<vmem>>, %arg13: memref<!tpu.dma_semaphore, #tpu.memory_space<semaphore_mem>>) attributes {dimension_semantics = [#tpu.dimension_semantics<core_parallel>, #tpu.dimension_semantics<subcore_parallel>], iteration_bounds = array<i64: 2, 16>, scalar_prefetch = 0 : i64, scratch_operands = 6 : i64, tpu.core_type = #tpu.core_type<sc_vector_subcore>, window_params = [{transform_indices = #map}, {transform_indices = #map}, {transform_indices = #map1}, {transform_indices = #map1}, {transform_indices = #map}, {transform_indices = #map}]} {
    %mul3A = arith.constant 2 : i32
    %mul3A_0 = arith.muli %arg1, %mul3A : i32
    %add3A = arith.addi %mul3A_0, %arg0 : i32
    %mul3A_1 = arith.constant 512 : i32
    %mul3A_2 = arith.muli %add3A, %mul3A_1 : i32
    %iota3A = tpu.iota {dimensions = array<i32: 0>} : vector<16xi32>
    "tpu.region"() ({
      %run_scoped3A = tpu.sem_alloc : memref<!tpu.dma_semaphore, #tpu.memory_space<semaphore_mem>>
      %dma_start3A = tpu.memref_slice %arg4[%mul3A_2] : memref<16384xi32, #tpu.memory_space<hbm>> -> memref<512xi32, #tpu.memory_space<hbm>>
      %dma_start3A_12 = tpu.memref_slice %arg4[%mul3A_2] : memref<16384xi32, #tpu.memory_space<hbm>> -> memref<512xi32, #tpu.memory_space<hbm>>
      tpu.enqueue_dma source(%dma_start3A_12 : memref<512xi32, #tpu.memory_space<hbm>>) target(%arg8 : memref<512xi32, #tpu.memory_space<vmem>>) target_semaphore(%run_scoped3A : memref<!tpu.dma_semaphore, #tpu.memory_space<semaphore_mem>>)
      %dma_wait3A = tpu.memref_slice %arg4[%mul3A_2] : memref<16384xi32, #tpu.memory_space<hbm>> -> memref<512xi32, #tpu.memory_space<hbm>>
      %dma_wait3A_13 = tpu.memref_slice %arg4[%mul3A_2] : memref<16384xi32, #tpu.memory_space<hbm>> -> memref<512xi32, #tpu.memory_space<hbm>>
      tpu.wait_dma2 semaphore(%run_scoped3A : memref<!tpu.dma_semaphore, #tpu.memory_space<semaphore_mem>>) src(%dma_wait3A_13 : memref<512xi32, #tpu.memory_space<hbm>>) dst(%arg8 : memref<512xi32, #tpu.memory_space<vmem>>)
      tpu.yield
    }) : () -> ()
    "tpu.region"() ({
      %run_scoped3A = tpu.sem_alloc : memref<!tpu.dma_semaphore, #tpu.memory_space<semaphore_mem>>
      %dma_start3A = tpu.memref_slice %arg5[%mul3A_2] : memref<16384xi32, #tpu.memory_space<hbm>> -> memref<512xi32, #tpu.memory_space<hbm>>
      %dma_start3A_12 = tpu.memref_slice %arg5[%mul3A_2] : memref<16384xi32, #tpu.memory_space<hbm>> -> memref<512xi32, #tpu.memory_space<hbm>>
      tpu.enqueue_dma source(%dma_start3A_12 : memref<512xi32, #tpu.memory_space<hbm>>) target(%arg9 : memref<512xi32, #tpu.memory_space<vmem>>) target_semaphore(%run_scoped3A : memref<!tpu.dma_semaphore, #tpu.memory_space<semaphore_mem>>)
      %dma_wait3A = tpu.memref_slice %arg5[%mul3A_2] : memref<16384xi32, #tpu.memory_space<hbm>> -> memref<512xi32, #tpu.memory_space<hbm>>
      %dma_wait3A_13 = tpu.memref_slice %arg5[%mul3A_2] : memref<16384xi32, #tpu.memory_space<hbm>> -> memref<512xi32, #tpu.memory_space<hbm>>
      tpu.wait_dma2 semaphore(%run_scoped3A : memref<!tpu.dma_semaphore, #tpu.memory_space<semaphore_mem>>) src(%dma_wait3A_13 : memref<512xi32, #tpu.memory_space<hbm>>) dst(%arg9 : memref<512xi32, #tpu.memory_space<vmem>>)
      tpu.yield
    }) : () -> ()
    %scan3A = arith.constant 0 : i32
    %scan3A_3 = arith.constant 33 : i32
    %scan3A_4 = arith.addi %scan3A, %scan3A_3 : i32
    %scan3A_5 = arith.constant 1 : i32
    scf.for %scan3A_12 = %scan3A to %scan3A_4 step %scan3A_5  : i32 {
      %mul3A_13 = arith.constant 1 : i32
      %mul3A_14 = arith.muli %scan3A_12, %mul3A_13 : i32
      %add3A_15 = arith.constant 0 : i32
      %add3A_16 = arith.addi %add3A_15, %mul3A_14 : i32
      %lt3A = arith.constant 32 : i32
      %lt3A_17 = arith.cmpi slt, %add3A_16, %lt3A : i32
      %convert_element_type3A = arith.extui %lt3A_17 : i1 to i32
      %cond3A = arith.constant 0 : i32
      %cond3A_18 = arith.cmpi ne, %convert_element_type3A, %cond3A : i32
      scf.if %cond3A_18 {
        %mul3A_23 = arith.constant 16 : i32
        %mul3A_24 = arith.muli %add3A_16, %mul3A_23 : i32
        %multiple_of3A = tpu.assume_multiple %mul3A_24, 16 : i32
        %get3A = arith.index_cast %multiple_of3A : i32 to index
        %get3A_25 = tpu.vector_load %arg8[%get3A] {strides = array<i32>} : memref<512xi32, #tpu.memory_space<vmem>>, vector<16xi32>,
        %rem3A = arith.constant 2 : i32
        %rem3A_26 = arith.remsi %add3A_16, %rem3A : i32
        %mul3A_27 = arith.constant 16 : i32
        %mul3A_28 = arith.muli %rem3A_26, %mul3A_27 : i32
        %slice3A = vector.extract_strided_slice %get3A_25 {offsets = [0], sizes = [1], strides = [1]} : vector<16xi32> to vector<1xi32>
        %squeeze3A = vector.extract %slice3A[0] : i32 from vector<1xi32>
        %shift_right_arithmetic3A = arith.constant 7 : i32
        %shift_right_arithmetic3A_29 = arith.shrsi %squeeze3A, %shift_right_arithmetic3A : i32
        %mul3A_30 = arith.constant 128 : i32
        %mul3A_31 = arith.muli %shift_right_arithmetic3A_29, %mul3A_30 : i32
        %multiple_of3A_32 = tpu.assume_multiple %mul3A_31, 128 : i32
        %add3A_33 = arith.constant 0 : i32
        %add3A_34 = arith.addi %mul3A_28, %add3A_33 : i32
        %dma_start3A = arith.constant 0 : i32
        %dma_start3A_35 = arith.constant 0 : i32
        %dma_start3A_36 = tpu.memref_slice %arg10[%add3A_34, %dma_start3A, %dma_start3A_35] : memref<32x16x128xf32, #tpu.memory_space<vmem>> -> memref<1x16x128xf32, #tpu.memory_space<vmem>>
        %dma_start3A_37 = tpu.memref_squeeze %dma_start3A_36 : memref<1x16x128xf32, #tpu.memory_space<vmem>> -> memref<16x128xf32, #tpu.memory_space<vmem>>
        %dma_start3A_38 = arith.constant 0 : i32
        %dma_start3A_39 = tpu.memref_slice %arg2[%dma_start3A_38, %multiple_of3A_32] : memref<16x1000000xf32, #tpu.memory_space<hbm>> -> memref<16x128xf32, #tpu.memory_space<hbm>>
        %dma_start3A_40 = arith.constant 0 : i32
        %dma_start3A_41 = arith.constant 0 : i32
        %dma_start3A_42 = tpu.memref_slice %arg10[%add3A_34, %dma_start3A_40, %dma_start3A_41] : memref<32x16x128xf32, #tpu.memory_space<vmem>> -> memref<1x16x128xf32, #tpu.memory_space<vmem>>
        %dma_start3A_43 = tpu.memref_squeeze %dma_start3A_42 : memref<1x16x128xf32, #tpu.memory_space<vmem>> -> memref<16x128xf32, #tpu.memory_space<vmem>>
        %dma_start3A_44 = arith.constant 0 : i32
        %dma_start3A_45 = tpu.memref_slice %arg2[%dma_start3A_44, %multiple_of3A_32] : memref<16x1000000xf32, #tpu.memory_space<hbm>> -> memref<16x128xf32, #tpu.memory_space<hbm>>
        tpu.enqueue_dma source(%dma_start3A_45 : memref<16x128xf32, #tpu.memory_space<hbm>>) target(%dma_start3A_43 : memref<16x128xf32, #tpu.memory_space<vmem>>) target_semaphore(%arg13 : memref<!tpu.dma_semaphore, #tpu.memory_space<semaphore_mem>>)
        %slice3A_46 = vector.extract_strided_slice %get3A_25 {offsets = [1], sizes = [1], strides = [1]} : vector<16xi32> to vector<1xi32>
        %squeeze3A_47 = vector.extract %slice3A_46[0] : i32 from vector<1xi32>
        %shift_right_arithmetic3A_48 = arith.constant 7 : i32
        %shift_right_arithmetic3A_49 = arith.shrsi %squeeze3A_47, %shift_right_arithmetic3A_48 : i32
        %mul3A_50 = arith.constant 128 : i32
        %mul3A_51 = arith.muli %shift_right_arithmetic3A_49, %mul3A_50 : i32
        %multiple_of3A_52 = tpu.assume_multiple %mul3A_51, 128 : i32
        %add3A_53 = arith.constant 1 : i32
        %add3A_54 = arith.addi %mul3A_28, %add3A_53 : i32
        %dma_start3A_55 = arith.constant 0 : i32
        %dma_start3A_56 = arith.constant 0 : i32
        %dma_start3A_57 = tpu.memref_slice %arg10[%add3A_54, %dma_start3A_55, %dma_start3A_56] : memref<32x16x128xf32, #tpu.memory_space<vmem>> -> memref<1x16x128xf32, #tpu.memory_space<vmem>>
        %dma_start3A_58 = tpu.memref_squeeze %dma_start3A_57 : memref<1x16x128xf32, #tpu.memory_space<vmem>> -> memref<16x128xf32, #tpu.memory_space<vmem>>
        %dma_start3A_59 = arith.constant 0 : i32
        %dma_start3A_60 = tpu.memref_slice %arg2[%dma_start3A_59, %multiple_of3A_52] : memref<16x1000000xf32, #tpu.memory_space<hbm>> -> memref<16x128xf32, #tpu.memory_space<hbm>>
        %dma_start3A_61 = arith.constant 0 : i32
        %dma_start3A_62 = arith.constant 0 : i32
        %dma_start3A_63 = tpu.memref_slice %arg10[%add3A_54, %dma_start3A_61, %dma_start3A_62] : memref<32x16x128xf32, #tpu.memory_space<vmem>> -> memref<1x16x128xf32, #tpu.memory_space<vmem>>
        %dma_start3A_64 = tpu.memref_squeeze %dma_start3A_63 : memref<1x16x128xf32, #tpu.memory_space<vmem>> -> memref<16x128xf32, #tpu.memory_space<vmem>>
        %dma_start3A_65 = arith.constant 0 : i32
        %dma_start3A_66 = tpu.memref_slice %arg2[%dma_start3A_65, %multiple_of3A_52] : memref<16x1000000xf32, #tpu.memory_space<hbm>> -> memref<16x128xf32, #tpu.memory_space<hbm>>
        tpu.enqueue_dma source(%dma_start3A_66 : memref<16x128xf32, #tpu.memory_space<hbm>>) target(%dma_start3A_64 : memref<16x128xf32, #tpu.memory_space<vmem>>) target_semaphore(%arg13 : memref<!tpu.dma_semaphore, #tpu.memory_space<semaphore_mem>>)
        %slice3A_67 = vector.extract_strided_slice %get3A_25 {offsets = [2], sizes = [1], strides = [1]} : vector<16xi32> to vector<1xi32>
        %squeeze3A_68 = vector.extract %slice3A_67[0] : i32 from vector<1xi32>
        %shift_right_arithmetic3A_69 = arith.constant 7 : i32
        %shift_right_arithmetic3A_70 = arith.shrsi %squeeze3A_68, %shift_right_arithmetic3A_69 : i32
        %mul3A_71 = arith.constant 128 : i32
        %mul3A_72 = arith.muli %shift_right_arithmetic3A_70, %mul3A_71 : i32
        %multiple_of3A_73 = tpu.assume_multiple %mul3A_72, 128 : i32
        %add3A_74 = arith.constant 2 : i32
        %add3A_75 = arith.addi %mul3A_28, %add3A_74 : i32
        %dma_start3A_76 = arith.constant 0 : i32
        %dma_start3A_77 = arith.constant 0 : i32
        %dma_start3A_78 = tpu.memref_slice %arg10[%add3A_75, %dma_start3A_76, %dma_start3A_77] : memref<32x16x128xf32, #tpu.memory_space<vmem>> -> memref<1x16x128xf32, #tpu.memory_space<vmem>>
        %dma_start3A_79 = tpu.memref_squeeze %dma_start3A_78 : memref<1x16x128xf32, #tpu.memory_space<vmem>> -> memref<16x128xf32, #tpu.memory_space<vmem>>
        %dma_start3A_80 = arith.constant 0 : i32
        %dma_start3A_81 = tpu.memref_slice %arg2[%dma_start3A_80, %multiple_of3A_73] : memref<16x1000000xf32, #tpu.memory_space<hbm>> -> memref<16x128xf32, #tpu.memory_space<hbm>>
        %dma_start3A_82 = arith.constant 0 : i32
        %dma_start3A_83 = arith.constant 0 : i32
        %dma_start3A_84 = tpu.memref_slice %arg10[%add3A_75, %dma_start3A_82, %dma_start3A_83] : memref<32x16x128xf32, #tpu.memory_space<vmem>> -> memref<1x16x128xf32, #tpu.memory_space<vmem>>
        %dma_start3A_85 = tpu.memref_squeeze %dma_start3A_84 : memref<1x16x128xf32, #tpu.memory_space<vmem>> -> memref<16x128xf32, #tpu.memory_space<vmem>>
        %dma_start3A_86 = arith.constant 0 : i32
        %dma_start3A_87 = tpu.memref_slice %arg2[%dma_start3A_86, %multiple_of3A_73] : memref<16x1000000xf32, #tpu.memory_space<hbm>> -> memref<16x128xf32, #tpu.memory_space<hbm>>
        tpu.enqueue_dma source(%dma_start3A_87 : memref<16x128xf32, #tpu.memory_space<hbm>>) target(%dma_start3A_85 : memref<16x128xf32, #tpu.memory_space<vmem>>) target_semaphore(%arg13 : memref<!tpu.dma_semaphore, #tpu.memory_space<semaphore_mem>>)
        %slice3A_88 = vector.extract_strided_slice %get3A_25 {offsets = [3], sizes = [1], strides = [1]} : vector<16xi32> to vector<1xi32>
        %squeeze3A_89 = vector.extract %slice3A_88[0] : i32 from vector<1xi32>
        %shift_right_arithmetic3A_90 = arith.constant 7 : i32
        %shift_right_arithmetic3A_91 = arith.shrsi %squeeze3A_89, %shift_right_arithmetic3A_90 : i32
        %mul3A_92 = arith.constant 128 : i32
        %mul3A_93 = arith.muli %shift_right_arithmetic3A_91, %mul3A_92 : i32
        %multiple_of3A_94 = tpu.assume_multiple %mul3A_93, 128 : i32
        %add3A_95 = arith.constant 3 : i32
        %add3A_96 = arith.addi %mul3A_28, %add3A_95 : i32
        %dma_start3A_97 = arith.constant 0 : i32
        %dma_start3A_98 = arith.constant 0 : i32
        %dma_start3A_99 = tpu.memref_slice %arg10[%add3A_96, %dma_start3A_97, %dma_start3A_98] : memref<32x16x128xf32, #tpu.memory_space<vmem>> -> memref<1x16x128xf32, #tpu.memory_space<vmem>>
        %dma_start3A_100 = tpu.memref_squeeze %dma_start3A_99 : memref<1x16x128xf32, #tpu.memory_space<vmem>> -> memref<16x128xf32, #tpu.memory_space<vmem>>
        %dma_start3A_101 = arith.constant 0 : i32
        %dma_start3A_102 = tpu.memref_slice %arg2[%dma_start3A_101, %multiple_of3A_94] : memref<16x1000000xf32, #tpu.memory_space<hbm>> -> memref<16x128xf32, #tpu.memory_space<hbm>>
        %dma_start3A_103 = arith.constant 0 : i32
        %dma_start3A_104 = arith.constant 0 : i32
        %dma_start3A_105 = tpu.memref_slice %arg10[%add3A_96, %dma_start3A_103, %dma_start3A_104] : memref<32x16x128xf32, #tpu.memory_space<vmem>> -> memref<1x16x128xf32, #tpu.memory_space<vmem>>
        %dma_start3A_106 = tpu.memref_squeeze %dma_start3A_105 : memref<1x16x128xf32, #tpu.memory_space<vmem>> -> memref<16x128xf32, #tpu.memory_space<vmem>>
        %dma_start3A_107 = arith.constant 0 : i32
        %dma_start3A_108 = tpu.memref_slice %arg2[%dma_start3A_107, %multiple_of3A_94] : memref<16x1000000xf32, #tpu.memory_space<hbm>> -> memref<16x128xf32, #tpu.memory_space<hbm>>
        tpu.enqueue_dma source(%dma_start3A_108 : memref<16x128xf32, #tpu.memory_space<hbm>>) target(%dma_start3A_106 : memref<16x128xf32, #tpu.memory_space<vmem>>) target_semaphore(%arg13 : memref<!tpu.dma_semaphore, #tpu.memory_space<semaphore_mem>>)
        %slice3A_109 = vector.extract_strided_slice %get3A_25 {offsets = [4], sizes = [1], strides = [1]} : vector<16xi32> to vector<1xi32>
        %squeeze3A_110 = vector.extract %slice3A_109[0] : i32 from vector<1xi32>
        %shift_right_arithmetic3A_111 = arith.constant 7 : i32
        %shift_right_arithmetic3A_112 = arith.shrsi %squeeze3A_110, %shift_right_arithmetic3A_111 : i32
        %mul3A_113 = arith.constant 128 : i32
        %mul3A_114 = arith.muli %shift_right_arithmetic3A_112, %mul3A_113 : i32
        %multiple_of3A_115 = tpu.assume_multiple %mul3A_114, 128 : i32
        %add3A_116 = arith.constant 4 : i32
        %add3A_117 = arith.addi %mul3A_28, %add3A_116 : i32
        %dma_start3A_118 = arith.constant 0 : i32
        %dma_start3A_119 = arith.constant 0 : i32
        %dma_start3A_120 = tpu.memref_slice %arg10[%add3A_117, %dma_start3A_118, %dma_start3A_119] : memref<32x16x128xf32, #tpu.memory_space<vmem>> -> memref<1x16x128xf32, #tpu.memory_space<vmem>>
        %dma_start3A_121 = tpu.memref_squeeze %dma_start3A_120 : memref<1x16x128xf32, #tpu.memory_space<vmem>> -> memref<16x128xf32, #tpu.memory_space<vmem>>
        %dma_start3A_122 = arith.constant 0 : i32
        %dma_start3A_123 = tpu.memref_slice %arg2[%dma_start3A_122, %multiple_of3A_115] : memref<16x1000000xf32, #tpu.memory_space<hbm>> -> memref<16x128xf32, #tpu.memory_space<hbm>>
        %dma_start3A_124 = arith.constant 0 : i32
        %dma_start3A_125 = arith.constant 0 : i32
        %dma_start3A_126 = tpu.memref_slice %arg10[%add3A_117, %dma_start3A_124, %dma_start3A_125] : memref<32x16x128xf32, #tpu.memory_space<vmem>> -> memref<1x16x128xf32, #tpu.memory_space<vmem>>
        %dma_start3A_127 = tpu.memref_squeeze %dma_start3A_126 : memref<1x16x128xf32, #tpu.memory_space<vmem>> -> memref<16x128xf32, #tpu.memory_space<vmem>>
        %dma_start3A_128 = arith.constant 0 : i32
        %dma_start3A_129 = tpu.memref_slice %arg2[%dma_start3A_128, %multiple_of3A_115] : memref<16x1000000xf32, #tpu.memory_space<hbm>> -> memref<16x128xf32, #tpu.memory_space<hbm>>
        tpu.enqueue_dma source(%dma_start3A_129 : memref<16x128xf32, #tpu.memory_space<hbm>>) target(%dma_start3A_127 : memref<16x128xf32, #tpu.memory_space<vmem>>) target_semaphore(%arg13 : memref<!tpu.dma_semaphore, #tpu.memory_space<semaphore_mem>>)
        %slice3A_130 = vector.extract_strided_slice %get3A_25 {offsets = [5], sizes = [1], strides = [1]} : vector<16xi32> to vector<1xi32>
        %squeeze3A_131 = vector.extract %slice3A_130[0] : i32 from vector<1xi32>
        %shift_right_arithmetic3A_132 = arith.constant 7 : i32
        %shift_right_arithmetic3A_133 = arith.shrsi %squeeze3A_131, %shift_right_arithmetic3A_132 : i32
        %mul3A_134 = arith.constant 128 : i32
        %mul3A_135 = arith.muli %shift_right_arithmetic3A_133, %mul3A_134 : i32
        %multiple_of3A_136 = tpu.assume_multiple %mul3A_135, 128 : i32
        %add3A_137 = arith.constant 5 : i32
        %add3A_138 = arith.addi %mul3A_28, %add3A_137 : i32
        %dma_start3A_139 = arith.constant 0 : i32
        %dma_start3A_140 = arith.constant 0 : i32
        %dma_start3A_141 = tpu.memref_slice %arg10[%add3A_138, %dma_start3A_139, %dma_start3A_140] : memref<32x16x128xf32, #tpu.memory_space<vmem>> -> memref<1x16x128xf32, #tpu.memory_space<vmem>>
        %dma_start3A_142 = tpu.memref_squeeze %dma_start3A_141 : memref<1x16x128xf32, #tpu.memory_space<vmem>> -> memref<16x128xf32, #tpu.memory_space<vmem>>
        %dma_start3A_143 = arith.constant 0 : i32
        %dma_start3A_144 = tpu.memref_slice %arg2[%dma_start3A_143, %multiple_of3A_136] : memref<16x1000000xf32, #tpu.memory_space<hbm>> -> memref<16x128xf32, #tpu.memory_space<hbm>>
        %dma_start3A_145 = arith.constant 0 : i32
        %dma_start3A_146 = arith.constant 0 : i32
        %dma_start3A_147 = tpu.memref_slice %arg10[%add3A_138, %dma_start3A_145, %dma_start3A_146] : memref<32x16x128xf32, #tpu.memory_space<vmem>> -> memref<1x16x128xf32, #tpu.memory_space<vmem>>
        %dma_start3A_148 = tpu.memref_squeeze %dma_start3A_147 : memref<1x16x128xf32, #tpu.memory_space<vmem>> -> memref<16x128xf32, #tpu.memory_space<vmem>>
        %dma_start3A_149 = arith.constant 0 : i32
        %dma_start3A_150 = tpu.memref_slice %arg2[%dma_start3A_149, %multiple_of3A_136] : memref<16x1000000xf32, #tpu.memory_space<hbm>> -> memref<16x128xf32, #tpu.memory_space<hbm>>
        tpu.enqueue_dma source(%dma_start3A_150 : memref<16x128xf32, #tpu.memory_space<hbm>>) target(%dma_start3A_148 : memref<16x128xf32, #tpu.memory_space<vmem>>) target_semaphore(%arg13 : memref<!tpu.dma_semaphore, #tpu.memory_space<semaphore_mem>>)
        %slice3A_151 = vector.extract_strided_slice %get3A_25 {offsets = [6], sizes = [1], strides = [1]} : vector<16xi32> to vector<1xi32>
        %squeeze3A_152 = vector.extract %slice3A_151[0] : i32 from vector<1xi32>
        %shift_right_arithmetic3A_153 = arith.constant 7 : i32
        %shift_right_arithmetic3A_154 = arith.shrsi %squeeze3A_152, %shift_right_arithmetic3A_153 : i32
        %mul3A_155 = arith.constant 128 : i32
        %mul3A_156 = arith.muli %shift_right_arithmetic3A_154, %mul3A_155 : i32
        %multiple_of3A_157 = tpu.assume_multiple %mul3A_156, 128 : i32
        %add3A_158 = arith.constant 6 : i32
        %add3A_159 = arith.addi %mul3A_28, %add3A_158 : i32
        %dma_start3A_160 = arith.constant 0 : i32
        %dma_start3A_161 = arith.constant 0 : i32
        %dma_start3A_162 = tpu.memref_slice %arg10[%add3A_159, %dma_start3A_160, %dma_start3A_161] : memref<32x16x128xf32, #tpu.memory_space<vmem>> -> memref<1x16x128xf32, #tpu.memory_space<vmem>>
        %dma_start3A_163 = tpu.memref_squeeze %dma_start3A_162 : memref<1x16x128xf32, #tpu.memory_space<vmem>> -> memref<16x128xf32, #tpu.memory_space<vmem>>
        %dma_start3A_164 = arith.constant 0 : i32
        %dma_start3A_165 = tpu.memref_slice %arg2[%dma_start3A_164, %multiple_of3A_157] : memref<16x1000000xf32, #tpu.memory_space<hbm>> -> memref<16x128xf32, #tpu.memory_space<hbm>>
        %dma_start3A_166 = arith.constant 0 : i32
        %dma_start3A_167 = arith.constant 0 : i32
        %dma_start3A_168 = tpu.memref_slice %arg10[%add3A_159, %dma_start3A_166, %dma_start3A_167] : memref<32x16x128xf32, #tpu.memory_space<vmem>> -> memref<1x16x128xf32, #tpu.memory_space<vmem>>
        %dma_start3A_169 = tpu.memref_squeeze %dma_start3A_168 : memref<1x16x128xf32, #tpu.memory_space<vmem>> -> memref<16x128xf32, #tpu.memory_space<vmem>>
        %dma_start3A_170 = arith.constant 0 : i32
        %dma_start3A_171 = tpu.memref_slice %arg2[%dma_start3A_170, %multiple_of3A_157] : memref<16x1000000xf32, #tpu.memory_space<hbm>> -> memref<16x128xf32, #tpu.memory_space<hbm>>
        tpu.enqueue_dma source(%dma_start3A_171 : memref<16x128xf32, #tpu.memory_space<hbm>>) target(%dma_start3A_169 : memref<16x128xf32, #tpu.memory_space<vmem>>) target_semaphore(%arg13 : memref<!tpu.dma_semaphore, #tpu.memory_space<semaphore_mem>>)
        %slice3A_172 = vector.extract_strided_slice %get3A_25 {offsets = [7], sizes = [1], strides = [1]} : vector<16xi32> to vector<1xi32>
        %squeeze3A_173 = vector.extract %slice3A_172[0] : i32 from vector<1xi32>
        %shift_right_arithmetic3A_174 = arith.constant 7 : i32
        %shift_right_arithmetic3A_175 = arith.shrsi %squeeze3A_173, %shift_right_arithmetic3A_174 : i32
        %mul3A_176 = arith.constant 128 : i32
        %mul3A_177 = arith.muli %shift_right_arithmetic3A_175, %mul3A_176 : i32
        %multiple_of3A_178 = tpu.assume_multiple %mul3A_177, 128 : i32
        %add3A_179 = arith.constant 7 : i32
        %add3A_180 = arith.addi %mul3A_28, %add3A_179 : i32
        %dma_start3A_181 = arith.constant 0 : i32
        %dma_start3A_182 = arith.constant 0 : i32
        %dma_start3A_183 = tpu.memref_slice %arg10[%add3A_180, %dma_start3A_181, %dma_start3A_182] : memref<32x16x128xf32, #tpu.memory_space<vmem>> -> memref<1x16x128xf32, #tpu.memory_space<vmem>>
        %dma_start3A_184 = tpu.memref_squeeze %dma_start3A_183 : memref<1x16x128xf32, #tpu.memory_space<vmem>> -> memref<16x128xf32, #tpu.memory_space<vmem>>
        %dma_start3A_185 = arith.constant 0 : i32
        %dma_start3A_186 = tpu.memref_slice %arg2[%dma_start3A_185, %multiple_of3A_178] : memref<16x1000000xf32, #tpu.memory_space<hbm>> -> memref<16x128xf32, #tpu.memory_space<hbm>>
        %dma_start3A_187 = arith.constant 0 : i32
        %dma_start3A_188 = arith.constant 0 : i32
        %dma_start3A_189 = tpu.memref_slice %arg10[%add3A_180, %dma_start3A_187, %dma_start3A_188] : memref<32x16x128xf32, #tpu.memory_space<vmem>> -> memref<1x16x128xf32, #tpu.memory_space<vmem>>
        %dma_start3A_190 = tpu.memref_squeeze %dma_start3A_189 : memref<1x16x128xf32, #tpu.memory_space<vmem>> -> memref<16x128xf32, #tpu.memory_space<vmem>>
        %dma_start3A_191 = arith.constant 0 : i32
        %dma_start3A_192 = tpu.memref_slice %arg2[%dma_start3A_191, %multiple_of3A_178] : memref<16x1000000xf32, #tpu.memory_space<hbm>> -> memref<16x128xf32, #tpu.memory_space<hbm>>
        tpu.enqueue_dma source(%dma_start3A_192 : memref<16x128xf32, #tpu.memory_space<hbm>>) target(%dma_start3A_190 : memref<16x128xf32, #tpu.memory_space<vmem>>) target_semaphore(%arg13 : memref<!tpu.dma_semaphore, #tpu.memory_space<semaphore_mem>>)
        %slice3A_193 = vector.extract_strided_slice %get3A_25 {offsets = [8], sizes = [1], strides = [1]} : vector<16xi32> to vector<1xi32>
        %squeeze3A_194 = vector.extract %slice3A_193[0] : i32 from vector<1xi32>
        %shift_right_arithmetic3A_195 = arith.constant 7 : i32
        %shift_right_arithmetic3A_196 = arith.shrsi %squeeze3A_194, %shift_right_arithmetic3A_195 : i32
        %mul3A_197 = arith.constant 128 : i32
        %mul3A_198 = arith.muli %shift_right_arithmetic3A_196, %mul3A_197 : i32
        %multiple_of3A_199 = tpu.assume_multiple %mul3A_198, 128 : i32
        %add3A_200 = arith.constant 8 : i32
        %add3A_201 = arith.addi %mul3A_28, %add3A_200 : i32
        %dma_start3A_202 = arith.constant 0 : i32
        %dma_start3A_203 = arith.constant 0 : i32
        %dma_start3A_204 = tpu.memref_slice %arg10[%add3A_201, %dma_start3A_202, %dma_start3A_203] : memref<32x16x128xf32, #tpu.memory_space<vmem>> -> memref<1x16x128xf32, #tpu.memory_space<vmem>>
        %dma_start3A_205 = tpu.memref_squeeze %dma_start3A_204 : memref<1x16x128xf32, #tpu.memory_space<vmem>> -> memref<16x128xf32, #tpu.memory_space<vmem>>
        %dma_start3A_206 = arith.constant 0 : i32
        %dma_start3A_207 = tpu.memref_slice %arg2[%dma_start3A_206, %multiple_of3A_199] : memref<16x1000000xf32, #tpu.memory_space<hbm>> -> memref<16x128xf32, #tpu.memory_space<hbm>>
        %dma_start3A_208 = arith.constant 0 : i32
        %dma_start3A_209 = arith.constant 0 : i32
        %dma_start3A_210 = tpu.memref_slice %arg10[%add3A_201, %dma_start3A_208, %dma_start3A_209] : memref<32x16x128xf32, #tpu.memory_space<vmem>> -> memref<1x16x128xf32, #tpu.memory_space<vmem>>
        %dma_start3A_211 = tpu.memref_squeeze %dma_start3A_210 : memref<1x16x128xf32, #tpu.memory_space<vmem>> -> memref<16x128xf32, #tpu.memory_space<vmem>>
        %dma_start3A_212 = arith.constant 0 : i32
        %dma_start3A_213 = tpu.memref_slice %arg2[%dma_start3A_212, %multiple_of3A_199] : memref<16x1000000xf32, #tpu.memory_space<hbm>> -> memref<16x128xf32, #tpu.memory_space<hbm>>
        tpu.enqueue_dma source(%dma_start3A_213 : memref<16x128xf32, #tpu.memory_space<hbm>>) target(%dma_start3A_211 : memref<16x128xf32, #tpu.memory_space<vmem>>) target_semaphore(%arg13 : memref<!tpu.dma_semaphore, #tpu.memory_space<semaphore_mem>>)
        %slice3A_214 = vector.extract_strided_slice %get3A_25 {offsets = [9], sizes = [1], strides = [1]} : vector<16xi32> to vector<1xi32>
        %squeeze3A_215 = vector.extract %slice3A_214[0] : i32 from vector<1xi32>
        %shift_right_arithmetic3A_216 = arith.constant 7 : i32
        %shift_right_arithmetic3A_217 = arith.shrsi %squeeze3A_215, %shift_right_arithmetic3A_216 : i32
        %mul3A_218 = arith.constant 128 : i32
        %mul3A_219 = arith.muli %shift_right_arithmetic3A_217, %mul3A_218 : i32
        %multiple_of3A_220 = tpu.assume_multiple %mul3A_219, 128 : i32
        %add3A_221 = arith.constant 9 : i32
        %add3A_222 = arith.addi %mul3A_28, %add3A_221 : i32
        %dma_start3A_223 = arith.constant 0 : i32
        %dma_start3A_224 = arith.constant 0 : i32
        %dma_start3A_225 = tpu.memref_slice %arg10[%add3A_222, %dma_start3A_223, %dma_start3A_224] : memref<32x16x128xf32, #tpu.memory_space<vmem>> -> memref<1x16x128xf32, #tpu.memory_space<vmem>>
        %dma_start3A_226 = tpu.memref_squeeze %dma_start3A_225 : memref<1x16x128xf32, #tpu.memory_space<vmem>> -> memref<16x128xf32, #tpu.memory_space<vmem>>
        %dma_start3A_227 = arith.constant 0 : i32
        %dma_start3A_228 = tpu.memref_slice %arg2[%dma_start3A_227, %multiple_of3A_220] : memref<16x1000000xf32, #tpu.memory_space<hbm>> -> memref<16x128xf32, #tpu.memory_space<hbm>>
        %dma_start3A_229 = arith.constant 0 : i32
        %dma_start3A_230 = arith.constant 0 : i32
        %dma_start3A_231 = tpu.memref_slice %arg10[%add3A_222, %dma_start3A_229, %dma_start3A_230] : memref<32x16x128xf32, #tpu.memory_space<vmem>> -> memref<1x16x128xf32, #tpu.memory_space<vmem>>
        %dma_start3A_232 = tpu.memref_squeeze %dma_start3A_231 : memref<1x16x128xf32, #tpu.memory_space<vmem>> -> memref<16x128xf32, #tpu.memory_space<vmem>>
        %dma_start3A_233 = arith.constant 0 : i32
        %dma_start3A_234 = tpu.memref_slice %arg2[%dma_start3A_233, %multiple_of3A_220] : memref<16x1000000xf32, #tpu.memory_space<hbm>> -> memref<16x128xf32, #tpu.memory_space<hbm>>
        tpu.enqueue_dma source(%dma_start3A_234 : memref<16x128xf32, #tpu.memory_space<hbm>>) target(%dma_start3A_232 : memref<16x128xf32, #tpu.memory_space<vmem>>) target_semaphore(%arg13 : memref<!tpu.dma_semaphore, #tpu.memory_space<semaphore_mem>>)
        %slice3A_235 = vector.extract_strided_slice %get3A_25 {offsets = [10], sizes = [1], strides = [1]} : vector<16xi32> to vector<1xi32>
        %squeeze3A_236 = vector.extract %slice3A_235[0] : i32 from vector<1xi32>
        %shift_right_arithmetic3A_237 = arith.constant 7 : i32
        %shift_right_arithmetic3A_238 = arith.shrsi %squeeze3A_236, %shift_right_arithmetic3A_237 : i32
        %mul3A_239 = arith.constant 128 : i32
        %mul3A_240 = arith.muli %shift_right_arithmetic3A_238, %mul3A_239 : i32
        %multiple_of3A_241 = tpu.assume_multiple %mul3A_240, 128 : i32
        %add3A_242 = arith.constant 10 : i32
        %add3A_243 = arith.addi %mul3A_28, %add3A_242 : i32
        %dma_start3A_244 = arith.constant 0 : i32
        %dma_start3A_245 = arith.constant 0 : i32
        %dma_start3A_246 = tpu.memref_slice %arg10[%add3A_243, %dma_start3A_244, %dma_start3A_245] : memref<32x16x128xf32, #tpu.memory_space<vmem>> -> memref<1x16x128xf32, #tpu.memory_space<vmem>>
        %dma_start3A_247 = tpu.memref_squeeze %dma_start3A_246 : memref<1x16x128xf32, #tpu.memory_space<vmem>> -> memref<16x128xf32, #tpu.memory_space<vmem>>
        %dma_start3A_248 = arith.constant 0 : i32
        %dma_start3A_249 = tpu.memref_slice %arg2[%dma_start3A_248, %multiple_of3A_241] : memref<16x1000000xf32, #tpu.memory_space<hbm>> -> memref<16x128xf32, #tpu.memory_space<hbm>>
        %dma_start3A_250 = arith.constant 0 : i32
        %dma_start3A_251 = arith.constant 0 : i32
        %dma_start3A_252 = tpu.memref_slice %arg10[%add3A_243, %dma_start3A_250, %dma_start3A_251] : memref<32x16x128xf32, #tpu.memory_space<vmem>> -> memref<1x16x128xf32, #tpu.memory_space<vmem>>
        %dma_start3A_253 = tpu.memref_squeeze %dma_start3A_252 : memref<1x16x128xf32, #tpu.memory_space<vmem>> -> memref<16x128xf32, #tpu.memory_space<vmem>>
        %dma_start3A_254 = arith.constant 0 : i32
        %dma_start3A_255 = tpu.memref_slice %arg2[%dma_start3A_254, %multiple_of3A_241] : memref<16x1000000xf32, #tpu.memory_space<hbm>> -> memref<16x128xf32, #tpu.memory_space<hbm>>
        tpu.enqueue_dma source(%dma_start3A_255 : memref<16x128xf32, #tpu.memory_space<hbm>>) target(%dma_start3A_253 : memref<16x128xf32, #tpu.memory_space<vmem>>) target_semaphore(%arg13 : memref<!tpu.dma_semaphore, #tpu.memory_space<semaphore_mem>>)
        %slice3A_256 = vector.extract_strided_slice %get3A_25 {offsets = [11], sizes = [1], strides = [1]} : vector<16xi32> to vector<1xi32>
        %squeeze3A_257 = vector.extract %slice3A_256[0] : i32 from vector<1xi32>
        %shift_right_arithmetic3A_258 = arith.constant 7 : i32
        %shift_right_arithmetic3A_259 = arith.shrsi %squeeze3A_257, %shift_right_arithmetic3A_258 : i32
        %mul3A_260 = arith.constant 128 : i32
        %mul3A_261 = arith.muli %shift_right_arithmetic3A_259, %mul3A_260 : i32
        %multiple_of3A_262 = tpu.assume_multiple %mul3A_261, 128 : i32
        %add3A_263 = arith.constant 11 : i32
        %add3A_264 = arith.addi %mul3A_28, %add3A_263 : i32
        %dma_start3A_265 = arith.constant 0 : i32
        %dma_start3A_266 = arith.constant 0 : i32
        %dma_start3A_267 = tpu.memref_slice %arg10[%add3A_264, %dma_start3A_265, %dma_start3A_266] : memref<32x16x128xf32, #tpu.memory_space<vmem>> -> memref<1x16x128xf32, #tpu.memory_space<vmem>>
        %dma_start3A_268 = tpu.memref_squeeze %dma_start3A_267 : memref<1x16x128xf32, #tpu.memory_space<vmem>> -> memref<16x128xf32, #tpu.memory_space<vmem>>
        %dma_start3A_269 = arith.constant 0 : i32
        %dma_start3A_270 = tpu.memref_slice %arg2[%dma_start3A_269, %multiple_of3A_262] : memref<16x1000000xf32, #tpu.memory_space<hbm>> -> memref<16x128xf32, #tpu.memory_space<hbm>>
        %dma_start3A_271 = arith.constant 0 : i32
        %dma_start3A_272 = arith.constant 0 : i32
        %dma_start3A_273 = tpu.memref_slice %arg10[%add3A_264, %dma_start3A_271, %dma_start3A_272] : memref<32x16x128xf32, #tpu.memory_space<vmem>> -> memref<1x16x128xf32, #tpu.memory_space<vmem>>
        %dma_start3A_274 = tpu.memref_squeeze %dma_start3A_273 : memref<1x16x128xf32, #tpu.memory_space<vmem>> -> memref<16x128xf32, #tpu.memory_space<vmem>>
        %dma_start3A_275 = arith.constant 0 : i32
        %dma_start3A_276 = tpu.memref_slice %arg2[%dma_start3A_275, %multiple_of3A_262] : memref<16x1000000xf32, #tpu.memory_space<hbm>> -> memref<16x128xf32, #tpu.memory_space<hbm>>
        tpu.enqueue_dma source(%dma_start3A_276 : memref<16x128xf32, #tpu.memory_space<hbm>>) target(%dma_start3A_274 : memref<16x128xf32, #tpu.memory_space<vmem>>) target_semaphore(%arg13 : memref<!tpu.dma_semaphore, #tpu.memory_space<semaphore_mem>>)
        %slice3A_277 = vector.extract_strided_slice %get3A_25 {offsets = [12], sizes = [1], strides = [1]} : vector<16xi32> to vector<1xi32>
        %squeeze3A_278 = vector.extract %slice3A_277[0] : i32 from vector<1xi32>
        %shift_right_arithmetic3A_279 = arith.constant 7 : i32
        %shift_right_arithmetic3A_280 = arith.shrsi %squeeze3A_278, %shift_right_arithmetic3A_279 : i32
        %mul3A_281 = arith.constant 128 : i32
        %mul3A_282 = arith.muli %shift_right_arithmetic3A_280, %mul3A_281 : i32
        %multiple_of3A_283 = tpu.assume_multiple %mul3A_282, 128 : i32
        %add3A_284 = arith.constant 12 : i32
        %add3A_285 = arith.addi %mul3A_28, %add3A_284 : i32
        %dma_start3A_286 = arith.constant 0 : i32
        %dma_start3A_287 = arith.constant 0 : i32
        %dma_start3A_288 = tpu.memref_slice %arg10[%add3A_285, %dma_start3A_286, %dma_start3A_287] : memref<32x16x128xf32, #tpu.memory_space<vmem>> -> memref<1x16x128xf32, #tpu.memory_space<vmem>>
        %dma_start3A_289 = tpu.memref_squeeze %dma_start3A_288 : memref<1x16x128xf32, #tpu.memory_space<vmem>> -> memref<16x128xf32, #tpu.memory_space<vmem>>
        %dma_start3A_290 = arith.constant 0 : i32
        %dma_start3A_291 = tpu.memref_slice %arg2[%dma_start3A_290, %multiple_of3A_283] : memref<16x1000000xf32, #tpu.memory_space<hbm>> -> memref<16x128xf32, #tpu.memory_space<hbm>>
        %dma_start3A_292 = arith.constant 0 : i32
        %dma_start3A_293 = arith.constant 0 : i32
        %dma_start3A_294 = tpu.memref_slice %arg10[%add3A_285, %dma_start3A_292, %dma_start3A_293] : memref<32x16x128xf32, #tpu.memory_space<vmem>> -> memref<1x16x128xf32, #tpu.memory_space<vmem>>
        %dma_start3A_295 = tpu.memref_squeeze %dma_start3A_294 : memref<1x16x128xf32, #tpu.memory_space<vmem>> -> memref<16x128xf32, #tpu.memory_space<vmem>>
        %dma_start3A_296 = arith.constant 0 : i32
        %dma_start3A_297 = tpu.memref_slice %arg2[%dma_start3A_296, %multiple_of3A_283] : memref<16x1000000xf32, #tpu.memory_space<hbm>> -> memref<16x128xf32, #tpu.memory_space<hbm>>
        tpu.enqueue_dma source(%dma_start3A_297 : memref<16x128xf32, #tpu.memory_space<hbm>>) target(%dma_start3A_295 : memref<16x128xf32, #tpu.memory_space<vmem>>) target_semaphore(%arg13 : memref<!tpu.dma_semaphore, #tpu.memory_space<semaphore_mem>>)
        %slice3A_298 = vector.extract_strided_slice %get3A_25 {offsets = [13], sizes = [1], strides = [1]} : vector<16xi32> to vector<1xi32>
        %squeeze3A_299 = vector.extract %slice3A_298[0] : i32 from vector<1xi32>
        %shift_right_arithmetic3A_300 = arith.constant 7 : i32
        %shift_right_arithmetic3A_301 = arith.shrsi %squeeze3A_299, %shift_right_arithmetic3A_300 : i32
        %mul3A_302 = arith.constant 128 : i32
        %mul3A_303 = arith.muli %shift_right_arithmetic3A_301, %mul3A_302 : i32
        %multiple_of3A_304 = tpu.assume_multiple %mul3A_303, 128 : i32
        %add3A_305 = arith.constant 13 : i32
        %add3A_306 = arith.addi %mul3A_28, %add3A_305 : i32
        %dma_start3A_307 = arith.constant 0 : i32
        %dma_start3A_308 = arith.constant 0 : i32
        %dma_start3A_309 = tpu.memref_slice %arg10[%add3A_306, %dma_start3A_307, %dma_start3A_308] : memref<32x16x128xf32, #tpu.memory_space<vmem>> -> memref<1x16x128xf32, #tpu.memory_space<vmem>>
        %dma_start3A_310 = tpu.memref_squeeze %dma_start3A_309 : memref<1x16x128xf32, #tpu.memory_space<vmem>> -> memref<16x128xf32, #tpu.memory_space<vmem>>
        %dma_start3A_311 = arith.constant 0 : i32
        %dma_start3A_312 = tpu.memref_slice %arg2[%dma_start3A_311, %multiple_of3A_304] : memref<16x1000000xf32, #tpu.memory_space<hbm>> -> memref<16x128xf32, #tpu.memory_space<hbm>>
        %dma_start3A_313 = arith.constant 0 : i32
        %dma_start3A_314 = arith.constant 0 : i32
        %dma_start3A_315 = tpu.memref_slice %arg10[%add3A_306, %dma_start3A_313, %dma_start3A_314] : memref<32x16x128xf32, #tpu.memory_space<vmem>> -> memref<1x16x128xf32, #tpu.memory_space<vmem>>
        %dma_start3A_316 = tpu.memref_squeeze %dma_start3A_315 : memref<1x16x128xf32, #tpu.memory_space<vmem>> -> memref<16x128xf32, #tpu.memory_space<vmem>>
        %dma_start3A_317 = arith.constant 0 : i32
        %dma_start3A_318 = tpu.memref_slice %arg2[%dma_start3A_317, %multiple_of3A_304] : memref<16x1000000xf32, #tpu.memory_space<hbm>> -> memref<16x128xf32, #tpu.memory_space<hbm>>
        tpu.enqueue_dma source(%dma_start3A_318 : memref<16x128xf32, #tpu.memory_space<hbm>>) target(%dma_start3A_316 : memref<16x128xf32, #tpu.memory_space<vmem>>) target_semaphore(%arg13 : memref<!tpu.dma_semaphore, #tpu.memory_space<semaphore_mem>>)
        %slice3A_319 = vector.extract_strided_slice %get3A_25 {offsets = [14], sizes = [1], strides = [1]} : vector<16xi32> to vector<1xi32>
        %squeeze3A_320 = vector.extract %slice3A_319[0] : i32 from vector<1xi32>
        %shift_right_arithmetic3A_321 = arith.constant 7 : i32
        %shift_right_arithmetic3A_322 = arith.shrsi %squeeze3A_320, %shift_right_arithmetic3A_321 : i32
        %mul3A_323 = arith.constant 128 : i32
        %mul3A_324 = arith.muli %shift_right_arithmetic3A_322, %mul3A_323 : i32
        %multiple_of3A_325 = tpu.assume_multiple %mul3A_324, 128 : i32
        %add3A_326 = arith.constant 14 : i32
        %add3A_327 = arith.addi %mul3A_28, %add3A_326 : i32
        %dma_start3A_328 = arith.constant 0 : i32
        %dma_start3A_329 = arith.constant 0 : i32
        %dma_start3A_330 = tpu.memref_slice %arg10[%add3A_327, %dma_start3A_328, %dma_start3A_329] : memref<32x16x128xf32, #tpu.memory_space<vmem>> -> memref<1x16x128xf32, #tpu.memory_space<vmem>>
        %dma_start3A_331 = tpu.memref_squeeze %dma_start3A_330 : memref<1x16x128xf32, #tpu.memory_space<vmem>> -> memref<16x128xf32, #tpu.memory_space<vmem>>
        %dma_start3A_332 = arith.constant 0 : i32
        %dma_start3A_333 = tpu.memref_slice %arg2[%dma_start3A_332, %multiple_of3A_325] : memref<16x1000000xf32, #tpu.memory_space<hbm>> -> memref<16x128xf32, #tpu.memory_space<hbm>>
        %dma_start3A_334 = arith.constant 0 : i32
        %dma_start3A_335 = arith.constant 0 : i32
        %dma_start3A_336 = tpu.memref_slice %arg10[%add3A_327, %dma_start3A_334, %dma_start3A_335] : memref<32x16x128xf32, #tpu.memory_space<vmem>> -> memref<1x16x128xf32, #tpu.memory_space<vmem>>
        %dma_start3A_337 = tpu.memref_squeeze %dma_start3A_336 : memref<1x16x128xf32, #tpu.memory_space<vmem>> -> memref<16x128xf32, #tpu.memory_space<vmem>>
        %dma_start3A_338 = arith.constant 0 : i32
        %dma_start3A_339 = tpu.memref_slice %arg2[%dma_start3A_338, %multiple_of3A_325] : memref<16x1000000xf32, #tpu.memory_space<hbm>> -> memref<16x128xf32, #tpu.memory_space<hbm>>
        tpu.enqueue_dma source(%dma_start3A_339 : memref<16x128xf32, #tpu.memory_space<hbm>>) target(%dma_start3A_337 : memref<16x128xf32, #tpu.memory_space<vmem>>) target_semaphore(%arg13 : memref<!tpu.dma_semaphore, #tpu.memory_space<semaphore_mem>>)
        %slice3A_340 = vector.extract_strided_slice %get3A_25 {offsets = [15], sizes = [1], strides = [1]} : vector<16xi32> to vector<1xi32>
        %squeeze3A_341 = vector.extract %slice3A_340[0] : i32 from vector<1xi32>
        %shift_right_arithmetic3A_342 = arith.constant 7 : i32
        %shift_right_arithmetic3A_343 = arith.shrsi %squeeze3A_341, %shift_right_arithmetic3A_342 : i32
        %mul3A_344 = arith.constant 128 : i32
        %mul3A_345 = arith.muli %shift_right_arithmetic3A_343, %mul3A_344 : i32
        %multiple_of3A_346 = tpu.assume_multiple %mul3A_345, 128 : i32
        %add3A_347 = arith.constant 15 : i32
        %add3A_348 = arith.addi %mul3A_28, %add3A_347 : i32
        %dma_start3A_349 = arith.constant 0 : i32
        %dma_start3A_350 = arith.constant 0 : i32
        %dma_start3A_351 = tpu.memref_slice %arg10[%add3A_348, %dma_start3A_349, %dma_start3A_350] : memref<32x16x128xf32, #tpu.memory_space<vmem>> -> memref<1x16x128xf32, #tpu.memory_space<vmem>>
        %dma_start3A_352 = tpu.memref_squeeze %dma_start3A_351 : memref<1x16x128xf32, #tpu.memory_space<vmem>> -> memref<16x128xf32, #tpu.memory_space<vmem>>
        %dma_start3A_353 = arith.constant 0 : i32
        %dma_start3A_354 = tpu.memref_slice %arg2[%dma_start3A_353, %multiple_of3A_346] : memref<16x1000000xf32, #tpu.memory_space<hbm>> -> memref<16x128xf32, #tpu.memory_space<hbm>>
        %dma_start3A_355 = arith.constant 0 : i32
        %dma_start3A_356 = arith.constant 0 : i32
        %dma_start3A_357 = tpu.memref_slice %arg10[%add3A_348, %dma_start3A_355, %dma_start3A_356] : memref<32x16x128xf32, #tpu.memory_space<vmem>> -> memref<1x16x128xf32, #tpu.memory_space<vmem>>
        %dma_start3A_358 = tpu.memref_squeeze %dma_start3A_357 : memref<1x16x128xf32, #tpu.memory_space<vmem>> -> memref<16x128xf32, #tpu.memory_space<vmem>>
        %dma_start3A_359 = arith.constant 0 : i32
        %dma_start3A_360 = tpu.memref_slice %arg2[%dma_start3A_359, %multiple_of3A_346] : memref<16x1000000xf32, #tpu.memory_space<hbm>> -> memref<16x128xf32, #tpu.memory_space<hbm>>
        tpu.enqueue_dma source(%dma_start3A_360 : memref<16x128xf32, #tpu.memory_space<hbm>>) target(%dma_start3A_358 : memref<16x128xf32, #tpu.memory_space<vmem>>) target_semaphore(%arg13 : memref<!tpu.dma_semaphore, #tpu.memory_space<semaphore_mem>>)
      } else {
      }
      %gt3A = arith.constant 0 : i32
      %gt3A_19 = arith.cmpi sgt, %add3A_16, %gt3A : i32
      %convert_element_type3A_20 = arith.extui %gt3A_19 : i1 to i32
      %cond3A_21 = arith.constant 0 : i32
      %cond3A_22 = arith.cmpi ne, %convert_element_type3A_20, %cond3A_21 : i32
      scf.if %cond3A_22 {
        %sub3A = arith.constant 1 : i32
        %sub3A_23 = arith.subi %add3A_16, %sub3A : i32
        %mul3A_24 = arith.constant 16 : i32
        %mul3A_25 = arith.muli %sub3A_23, %mul3A_24 : i32
        %multiple_of3A = tpu.assume_multiple %mul3A_25, 16 : i32
        %get3A = arith.index_cast %multiple_of3A : i32 to index
        %get3A_26 = tpu.vector_load %arg8[%get3A] {strides = array<i32>} : memref<512xi32, #tpu.memory_space<vmem>>, vector<16xi32>,
        %and3A = arith.constant 127 : i32
        %and3A_27 = vector.broadcast %and3A : i32 to vector<16xi32>
        %and3A_28 = arith.andi %get3A_26, %and3A_27 : vector<16xi32>
        %sub3A_29 = arith.constant 1 : i32
        %sub3A_30 = arith.subi %add3A_16, %sub3A_29 : i32
        %rem3A = arith.constant 2 : i32
        %rem3A_31 = arith.remsi %sub3A_30, %rem3A : i32
        %mul3A_32 = arith.constant 16 : i32
        %mul3A_33 = arith.muli %rem3A_31, %mul3A_32 : i32
        %add3A_34 = arith.constant 0 : i32
        %add3A_35 = arith.addi %mul3A_33, %add3A_34 : i32
        %dma_wait3A = arith.constant 0 : i32
        %dma_wait3A_36 = arith.constant 0 : i32
        %dma_wait3A_37 = tpu.memref_slice %arg10[%add3A_35, %dma_wait3A, %dma_wait3A_36] : memref<32x16x128xf32, #tpu.memory_space<vmem>> -> memref<1x16x128xf32, #tpu.memory_space<vmem>>
        %dma_wait3A_38 = tpu.memref_squeeze %dma_wait3A_37 : memref<1x16x128xf32, #tpu.memory_space<vmem>> -> memref<16x128xf32, #tpu.memory_space<vmem>>
        %dma_wait3A_39 = arith.constant 0 : i32
        %dma_wait3A_40 = arith.constant 0 : i32
        %dma_wait3A_41 = tpu.memref_slice %arg2[%dma_wait3A_39, %dma_wait3A_40] : memref<16x1000000xf32, #tpu.memory_space<hbm>> -> memref<16x128xf32, #tpu.memory_space<hbm>>
        %dma_wait3A_42 = arith.constant 0 : i32
        %dma_wait3A_43 = arith.constant 0 : i32
        %dma_wait3A_44 = tpu.memref_slice %arg10[%add3A_35, %dma_wait3A_42, %dma_wait3A_43] : memref<32x16x128xf32, #tpu.memory_space<vmem>> -> memref<1x16x128xf32, #tpu.memory_space<vmem>>
        %dma_wait3A_45 = tpu.memref_squeeze %dma_wait3A_44 : memref<1x16x128xf32, #tpu.memory_space<vmem>> -> memref<16x128xf32, #tpu.memory_space<vmem>>
        %dma_wait3A_46 = arith.constant 0 : i32
        %dma_wait3A_47 = arith.constant 0 : i32
        %dma_wait3A_48 = tpu.memref_slice %arg2[%dma_wait3A_46, %dma_wait3A_47] : memref<16x1000000xf32, #tpu.memory_space<hbm>> -> memref<16x128xf32, #tpu.memory_space<hbm>>
        tpu.wait_dma2 semaphore(%arg13 : memref<!tpu.dma_semaphore, #tpu.memory_space<semaphore_mem>>) src(%dma_wait3A_48 : memref<16x128xf32, #tpu.memory_space<hbm>>) dst(%dma_wait3A_45 : memref<16x128xf32, #tpu.memory_space<vmem>>)
        %broadcast_in_dim3A = arith.constant 0 : i32
        %broadcast_in_dim3A_49 = vector.broadcast %broadcast_in_dim3A : i32 to vector<16xi32>
        %add3A_50 = arith.constant 0 : i32
        %add3A_51 = arith.addi %mul3A_33, %add3A_50 : i32
        %add3A_52 = vector.broadcast %add3A_51 : i32 to vector<16xi32>
        %add3A_53 = arith.addi %broadcast_in_dim3A_49, %add3A_52 : vector<16xi32>
        %broadcast_in_dim3A_54 = arith.constant 0 : i32
        %broadcast_in_dim3A_55 = vector.broadcast %broadcast_in_dim3A_54 : i32 to vector<16xi32>
        %add3A_56 = arith.constant 0 : i32
        %add3A_57 = arith.addi %multiple_of3A, %add3A_56 : i32
        %add3A_58 = vector.broadcast %add3A_57 : i32 to vector<16xi32>
        %add3A_59 = arith.addi %broadcast_in_dim3A_55, %add3A_58 : vector<16xi32>
        %broadcast_in_dim3A_60 = arith.constant 0 : i32
        %broadcast_in_dim3A_61 = vector.broadcast %broadcast_in_dim3A_60 : i32 to vector<16xi32>
        %slice3A = vector.extract_strided_slice %and3A_28 {offsets = [0], sizes = [1], strides = [1]} : vector<16xi32> to vector<1xi32>
        %squeeze3A = vector.extract %slice3A[0] : i32 from vector<1xi32>
        %add3A_62 = vector.broadcast %squeeze3A : i32 to vector<16xi32>
        %add3A_63 = arith.addi %broadcast_in_dim3A_61, %add3A_62 : vector<16xi32>
        %gather3A = tpu.vector_load_idx %arg10[%add3A_53, %iota3A, %add3A_63] : memref<32x16x128xf32, #tpu.memory_space<vmem>>[vector<16xi32>, vector<16xi32>, vector<16xi32>], vector<16xf32>,
        tpu.vector_store_idx %arg11[%iota3A, %add3A_59], %gather3A : memref<16x512xf32, #tpu.memory_space<vmem>>[vector<16xi32>, vector<16xi32>], vector<16xf32>,
        %add3A_64 = arith.constant 1 : i32
        %add3A_65 = arith.addi %mul3A_33, %add3A_64 : i32
        %dma_wait3A_66 = arith.constant 0 : i32
        %dma_wait3A_67 = arith.constant 0 : i32
        %dma_wait3A_68 = tpu.memref_slice %arg10[%add3A_65, %dma_wait3A_66, %dma_wait3A_67] : memref<32x16x128xf32, #tpu.memory_space<vmem>> -> memref<1x16x128xf32, #tpu.memory_space<vmem>>
        %dma_wait3A_69 = tpu.memref_squeeze %dma_wait3A_68 : memref<1x16x128xf32, #tpu.memory_space<vmem>> -> memref<16x128xf32, #tpu.memory_space<vmem>>
        %dma_wait3A_70 = arith.constant 0 : i32
        %dma_wait3A_71 = arith.constant 0 : i32
        %dma_wait3A_72 = tpu.memref_slice %arg2[%dma_wait3A_70, %dma_wait3A_71] : memref<16x1000000xf32, #tpu.memory_space<hbm>> -> memref<16x128xf32, #tpu.memory_space<hbm>>
        %dma_wait3A_73 = arith.constant 0 : i32
        %dma_wait3A_74 = arith.constant 0 : i32
        %dma_wait3A_75 = tpu.memref_slice %arg10[%add3A_65, %dma_wait3A_73, %dma_wait3A_74] : memref<32x16x128xf32, #tpu.memory_space<vmem>> -> memref<1x16x128xf32, #tpu.memory_space<vmem>>
        %dma_wait3A_76 = tpu.memref_squeeze %dma_wait3A_75 : memref<1x16x128xf32, #tpu.memory_space<vmem>> -> memref<16x128xf32, #tpu.memory_space<vmem>>
        %dma_wait3A_77 = arith.constant 0 : i32
        %dma_wait3A_78 = arith.constant 0 : i32
        %dma_wait3A_79 = tpu.memref_slice %arg2[%dma_wait3A_77, %dma_wait3A_78] : memref<16x1000000xf32, #tpu.memory_space<hbm>> -> memref<16x128xf32, #tpu.memory_space<hbm>>
        tpu.wait_dma2 semaphore(%arg13 : memref<!tpu.dma_semaphore, #tpu.memory_space<semaphore_mem>>) src(%dma_wait3A_79 : memref<16x128xf32, #tpu.memory_space<hbm>>) dst(%dma_wait3A_76 : memref<16x128xf32, #tpu.memory_space<vmem>>)
        %broadcast_in_dim3A_80 = arith.constant 0 : i32
        %broadcast_in_dim3A_81 = vector.broadcast %broadcast_in_dim3A_80 : i32 to vector<16xi32>
        %add3A_82 = arith.constant 1 : i32
        %add3A_83 = arith.addi %mul3A_33, %add3A_82 : i32
        %add3A_84 = vector.broadcast %add3A_83 : i32 to vector<16xi32>
        %add3A_85 = arith.addi %broadcast_in_dim3A_81, %add3A_84 : vector<16xi32>
        %broadcast_in_dim3A_86 = arith.constant 0 : i32
        %broadcast_in_dim3A_87 = vector.broadcast %broadcast_in_dim3A_86 : i32 to vector<16xi32>
        %add3A_88 = arith.constant 1 : i32
        %add3A_89 = arith.addi %multiple_of3A, %add3A_88 : i32
        %add3A_90 = vector.broadcast %add3A_89 : i32 to vector<16xi32>
        %add3A_91 = arith.addi %broadcast_in_dim3A_87, %add3A_90 : vector<16xi32>
        %broadcast_in_dim3A_92 = arith.constant 0 : i32
        %broadcast_in_dim3A_93 = vector.broadcast %broadcast_in_dim3A_92 : i32 to vector<16xi32>
        %slice3A_94 = vector.extract_strided_slice %and3A_28 {offsets = [1], sizes = [1], strides = [1]} : vector<16xi32> to vector<1xi32>
        %squeeze3A_95 = vector.extract %slice3A_94[0] : i32 from vector<1xi32>
        %add3A_96 = vector.broadcast %squeeze3A_95 : i32 to vector<16xi32>
        %add3A_97 = arith.addi %broadcast_in_dim3A_93, %add3A_96 : vector<16xi32>
        %gather3A_98 = tpu.vector_load_idx %arg10[%add3A_85, %iota3A, %add3A_97] : memref<32x16x128xf32, #tpu.memory_space<vmem>>[vector<16xi32>, vector<16xi32>, vector<16xi32>], vector<16xf32>,
        tpu.vector_store_idx %arg11[%iota3A, %add3A_91], %gather3A_98 : memref<16x512xf32, #tpu.memory_space<vmem>>[vector<16xi32>, vector<16xi32>], vector<16xf32>,
        %add3A_99 = arith.constant 2 : i32
        %add3A_100 = arith.addi %mul3A_33, %add3A_99 : i32
        %dma_wait3A_101 = arith.constant 0 : i32
        %dma_wait3A_102 = arith.constant 0 : i32
        %dma_wait3A_103 = tpu.memref_slice %arg10[%add3A_100, %dma_wait3A_101, %dma_wait3A_102] : memref<32x16x128xf32, #tpu.memory_space<vmem>> -> memref<1x16x128xf32, #tpu.memory_space<vmem>>
        %dma_wait3A_104 = tpu.memref_squeeze %dma_wait3A_103 : memref<1x16x128xf32, #tpu.memory_space<vmem>> -> memref<16x128xf32, #tpu.memory_space<vmem>>
        %dma_wait3A_105 = arith.constant 0 : i32
        %dma_wait3A_106 = arith.constant 0 : i32
        %dma_wait3A_107 = tpu.memref_slice %arg2[%dma_wait3A_105, %dma_wait3A_106] : memref<16x1000000xf32, #tpu.memory_space<hbm>> -> memref<16x128xf32, #tpu.memory_space<hbm>>
        %dma_wait3A_108 = arith.constant 0 : i32
        %dma_wait3A_109 = arith.constant 0 : i32
        %dma_wait3A_110 = tpu.memref_slice %arg10[%add3A_100, %dma_wait3A_108, %dma_wait3A_109] : memref<32x16x128xf32, #tpu.memory_space<vmem>> -> memref<1x16x128xf32, #tpu.memory_space<vmem>>
        %dma_wait3A_111 = tpu.memref_squeeze %dma_wait3A_110 : memref<1x16x128xf32, #tpu.memory_space<vmem>> -> memref<16x128xf32, #tpu.memory_space<vmem>>
        %dma_wait3A_112 = arith.constant 0 : i32
        %dma_wait3A_113 = arith.constant 0 : i32
        %dma_wait3A_114 = tpu.memref_slice %arg2[%dma_wait3A_112, %dma_wait3A_113] : memref<16x1000000xf32, #tpu.memory_space<hbm>> -> memref<16x128xf32, #tpu.memory_space<hbm>>
        tpu.wait_dma2 semaphore(%arg13 : memref<!tpu.dma_semaphore, #tpu.memory_space<semaphore_mem>>) src(%dma_wait3A_114 : memref<16x128xf32, #tpu.memory_space<hbm>>) dst(%dma_wait3A_111 : memref<16x128xf32, #tpu.memory_space<vmem>>)
        %broadcast_in_dim3A_115 = arith.constant 0 : i32
        %broadcast_in_dim3A_116 = vector.broadcast %broadcast_in_dim3A_115 : i32 to vector<16xi32>
        %add3A_117 = arith.constant 2 : i32
        %add3A_118 = arith.addi %mul3A_33, %add3A_117 : i32
        %add3A_119 = vector.broadcast %add3A_118 : i32 to vector<16xi32>
        %add3A_120 = arith.addi %broadcast_in_dim3A_116, %add3A_119 : vector<16xi32>
        %broadcast_in_dim3A_121 = arith.constant 0 : i32
        %broadcast_in_dim3A_122 = vector.broadcast %broadcast_in_dim3A_121 : i32 to vector<16xi32>
        %add3A_123 = arith.constant 2 : i32
        %add3A_124 = arith.addi %multiple_of3A, %add3A_123 : i32
        %add3A_125 = vector.broadcast %add3A_124 : i32 to vector<16xi32>
        %add3A_126 = arith.addi %broadcast_in_dim3A_122, %add3A_125 : vector<16xi32>
        %broadcast_in_dim3A_127 = arith.constant 0 : i32
        %broadcast_in_dim3A_128 = vector.broadcast %broadcast_in_dim3A_127 : i32 to vector<16xi32>
        %slice3A_129 = vector.extract_strided_slice %and3A_28 {offsets = [2], sizes = [1], strides = [1]} : vector<16xi32> to vector<1xi32>
        %squeeze3A_130 = vector.extract %slice3A_129[0] : i32 from vector<1xi32>
        %add3A_131 = vector.broadcast %squeeze3A_130 : i32 to vector<16xi32>
        %add3A_132 = arith.addi %broadcast_in_dim3A_128, %add3A_131 : vector<16xi32>
        %gather3A_133 = tpu.vector_load_idx %arg10[%add3A_120, %iota3A, %add3A_132] : memref<32x16x128xf32, #tpu.memory_space<vmem>>[vector<16xi32>, vector<16xi32>, vector<16xi32>], vector<16xf32>,
        tpu.vector_store_idx %arg11[%iota3A, %add3A_126], %gather3A_133 : memref<16x512xf32, #tpu.memory_space<vmem>>[vector<16xi32>, vector<16xi32>], vector<16xf32>,
        %add3A_134 = arith.constant 3 : i32
        %add3A_135 = arith.addi %mul3A_33, %add3A_134 : i32
        %dma_wait3A_136 = arith.constant 0 : i32
        %dma_wait3A_137 = arith.constant 0 : i32
        %dma_wait3A_138 = tpu.memref_slice %arg10[%add3A_135, %dma_wait3A_136, %dma_wait3A_137] : memref<32x16x128xf32, #tpu.memory_space<vmem>> -> memref<1x16x128xf32, #tpu.memory_space<vmem>>
        %dma_wait3A_139 = tpu.memref_squeeze %dma_wait3A_138 : memref<1x16x128xf32, #tpu.memory_space<vmem>> -> memref<16x128xf32, #tpu.memory_space<vmem>>
        %dma_wait3A_140 = arith.constant 0 : i32
        %dma_wait3A_141 = arith.constant 0 : i32
        %dma_wait3A_142 = tpu.memref_slice %arg2[%dma_wait3A_140, %dma_wait3A_141] : memref<16x1000000xf32, #tpu.memory_space<hbm>> -> memref<16x128xf32, #tpu.memory_space<hbm>>
        %dma_wait3A_143 = arith.constant 0 : i32
        %dma_wait3A_144 = arith.constant 0 : i32
        %dma_wait3A_145 = tpu.memref_slice %arg10[%add3A_135, %dma_wait3A_143, %dma_wait3A_144] : memref<32x16x128xf32, #tpu.memory_space<vmem>> -> memref<1x16x128xf32, #tpu.memory_space<vmem>>
        %dma_wait3A_146 = tpu.memref_squeeze %dma_wait3A_145 : memref<1x16x128xf32, #tpu.memory_space<vmem>> -> memref<16x128xf32, #tpu.memory_space<vmem>>
        %dma_wait3A_147 = arith.constant 0 : i32
        %dma_wait3A_148 = arith.constant 0 : i32
        %dma_wait3A_149 = tpu.memref_slice %arg2[%dma_wait3A_147, %dma_wait3A_148] : memref<16x1000000xf32, #tpu.memory_space<hbm>> -> memref<16x128xf32, #tpu.memory_space<hbm>>
        tpu.wait_dma2 semaphore(%arg13 : memref<!tpu.dma_semaphore, #tpu.memory_space<semaphore_mem>>) src(%dma_wait3A_149 : memref<16x128xf32, #tpu.memory_space<hbm>>) dst(%dma_wait3A_146 : memref<16x128xf32, #tpu.memory_space<vmem>>)
        %broadcast_in_dim3A_150 = arith.constant 0 : i32
        %broadcast_in_dim3A_151 = vector.broadcast %broadcast_in_dim3A_150 : i32 to vector<16xi32>
        %add3A_152 = arith.constant 3 : i32
        %add3A_153 = arith.addi %mul3A_33, %add3A_152 : i32
        %add3A_154 = vector.broadcast %add3A_153 : i32 to vector<16xi32>
        %add3A_155 = arith.addi %broadcast_in_dim3A_151, %add3A_154 : vector<16xi32>
        %broadcast_in_dim3A_156 = arith.constant 0 : i32
        %broadcast_in_dim3A_157 = vector.broadcast %broadcast_in_dim3A_156 : i32 to vector<16xi32>
        %add3A_158 = arith.constant 3 : i32
        %add3A_159 = arith.addi %multiple_of3A, %add3A_158 : i32
        %add3A_160 = vector.broadcast %add3A_159 : i32 to vector<16xi32>
        %add3A_161 = arith.addi %broadcast_in_dim3A_157, %add3A_160 : vector<16xi32>
        %broadcast_in_dim3A_162 = arith.constant 0 : i32
        %broadcast_in_dim3A_163 = vector.broadcast %broadcast_in_dim3A_162 : i32 to vector<16xi32>
        %slice3A_164 = vector.extract_strided_slice %and3A_28 {offsets = [3], sizes = [1], strides = [1]} : vector<16xi32> to vector<1xi32>
        %squeeze3A_165 = vector.extract %slice3A_164[0] : i32 from vector<1xi32>
        %add3A_166 = vector.broadcast %squeeze3A_165 : i32 to vector<16xi32>
        %add3A_167 = arith.addi %broadcast_in_dim3A_163, %add3A_166 : vector<16xi32>
        %gather3A_168 = tpu.vector_load_idx %arg10[%add3A_155, %iota3A, %add3A_167] : memref<32x16x128xf32, #tpu.memory_space<vmem>>[vector<16xi32>, vector<16xi32>, vector<16xi32>], vector<16xf32>,
        tpu.vector_store_idx %arg11[%iota3A, %add3A_161], %gather3A_168 : memref<16x512xf32, #tpu.memory_space<vmem>>[vector<16xi32>, vector<16xi32>], vector<16xf32>,
        %add3A_169 = arith.constant 4 : i32
        %add3A_170 = arith.addi %mul3A_33, %add3A_169 : i32
        %dma_wait3A_171 = arith.constant 0 : i32
        %dma_wait3A_172 = arith.constant 0 : i32
        %dma_wait3A_173 = tpu.memref_slice %arg10[%add3A_170, %dma_wait3A_171, %dma_wait3A_172] : memref<32x16x128xf32, #tpu.memory_space<vmem>> -> memref<1x16x128xf32, #tpu.memory_space<vmem>>
        %dma_wait3A_174 = tpu.memref_squeeze %dma_wait3A_173 : memref<1x16x128xf32, #tpu.memory_space<vmem>> -> memref<16x128xf32, #tpu.memory_space<vmem>>
        %dma_wait3A_175 = arith.constant 0 : i32
        %dma_wait3A_176 = arith.constant 0 : i32
        %dma_wait3A_177 = tpu.memref_slice %arg2[%dma_wait3A_175, %dma_wait3A_176] : memref<16x1000000xf32, #tpu.memory_space<hbm>> -> memref<16x128xf32, #tpu.memory_space<hbm>>
        %dma_wait3A_178 = arith.constant 0 : i32
        %dma_wait3A_179 = arith.constant 0 : i32
        %dma_wait3A_180 = tpu.memref_slice %arg10[%add3A_170, %dma_wait3A_178, %dma_wait3A_179] : memref<32x16x128xf32, #tpu.memory_space<vmem>> -> memref<1x16x128xf32, #tpu.memory_space<vmem>>
        %dma_wait3A_181 = tpu.memref_squeeze %dma_wait3A_180 : memref<1x16x128xf32, #tpu.memory_space<vmem>> -> memref<16x128xf32, #tpu.memory_space<vmem>>
        %dma_wait3A_182 = arith.constant 0 : i32
        %dma_wait3A_183 = arith.constant 0 : i32
        %dma_wait3A_184 = tpu.memref_slice %arg2[%dma_wait3A_182, %dma_wait3A_183] : memref<16x1000000xf32, #tpu.memory_space<hbm>> -> memref<16x128xf32, #tpu.memory_space<hbm>>
        tpu.wait_dma2 semaphore(%arg13 : memref<!tpu.dma_semaphore, #tpu.memory_space<semaphore_mem>>) src(%dma_wait3A_184 : memref<16x128xf32, #tpu.memory_space<hbm>>) dst(%dma_wait3A_181 : memref<16x128xf32, #tpu.memory_space<vmem>>)
        %broadcast_in_dim3A_185 = arith.constant 0 : i32
        %broadcast_in_dim3A_186 = vector.broadcast %broadcast_in_dim3A_185 : i32 to vector<16xi32>
        %add3A_187 = arith.constant 4 : i32
        %add3A_188 = arith.addi %mul3A_33, %add3A_187 : i32
        %add3A_189 = vector.broadcast %add3A_188 : i32 to vector<16xi32>
        %add3A_190 = arith.addi %broadcast_in_dim3A_186, %add3A_189 : vector<16xi32>
        %broadcast_in_dim3A_191 = arith.constant 0 : i32
        %broadcast_in_dim3A_192 = vector.broadcast %broadcast_in_dim3A_191 : i32 to vector<16xi32>
        %add3A_193 = arith.constant 4 : i32
        %add3A_194 = arith.addi %multiple_of3A, %add3A_193 : i32
        %add3A_195 = vector.broadcast %add3A_194 : i32 to vector<16xi32>
        %add3A_196 = arith.addi %broadcast_in_dim3A_192, %add3A_195 : vector<16xi32>
        %broadcast_in_dim3A_197 = arith.constant 0 : i32
        %broadcast_in_dim3A_198 = vector.broadcast %broadcast_in_dim3A_197 : i32 to vector<16xi32>
        %slice3A_199 = vector.extract_strided_slice %and3A_28 {offsets = [4], sizes = [1], strides = [1]} : vector<16xi32> to vector<1xi32>
        %squeeze3A_200 = vector.extract %slice3A_199[0] : i32 from vector<1xi32>
        %add3A_201 = vector.broadcast %squeeze3A_200 : i32 to vector<16xi32>
        %add3A_202 = arith.addi %broadcast_in_dim3A_198, %add3A_201 : vector<16xi32>
        %gather3A_203 = tpu.vector_load_idx %arg10[%add3A_190, %iota3A, %add3A_202] : memref<32x16x128xf32, #tpu.memory_space<vmem>>[vector<16xi32>, vector<16xi32>, vector<16xi32>], vector<16xf32>,
        tpu.vector_store_idx %arg11[%iota3A, %add3A_196], %gather3A_203 : memref<16x512xf32, #tpu.memory_space<vmem>>[vector<16xi32>, vector<16xi32>], vector<16xf32>,
        %add3A_204 = arith.constant 5 : i32
        %add3A_205 = arith.addi %mul3A_33, %add3A_204 : i32
        %dma_wait3A_206 = arith.constant 0 : i32
        %dma_wait3A_207 = arith.constant 0 : i32
        %dma_wait3A_208 = tpu.memref_slice %arg10[%add3A_205, %dma_wait3A_206, %dma_wait3A_207] : memref<32x16x128xf32, #tpu.memory_space<vmem>> -> memref<1x16x128xf32, #tpu.memory_space<vmem>>
        %dma_wait3A_209 = tpu.memref_squeeze %dma_wait3A_208 : memref<1x16x128xf32, #tpu.memory_space<vmem>> -> memref<16x128xf32, #tpu.memory_space<vmem>>
        %dma_wait3A_210 = arith.constant 0 : i32
        %dma_wait3A_211 = arith.constant 0 : i32
        %dma_wait3A_212 = tpu.memref_slice %arg2[%dma_wait3A_210, %dma_wait3A_211] : memref<16x1000000xf32, #tpu.memory_space<hbm>> -> memref<16x128xf32, #tpu.memory_space<hbm>>
        %dma_wait3A_213 = arith.constant 0 : i32
        %dma_wait3A_214 = arith.constant 0 : i32
        %dma_wait3A_215 = tpu.memref_slice %arg10[%add3A_205, %dma_wait3A_213, %dma_wait3A_214] : memref<32x16x128xf32, #tpu.memory_space<vmem>> -> memref<1x16x128xf32, #tpu.memory_space<vmem>>
        %dma_wait3A_216 = tpu.memref_squeeze %dma_wait3A_215 : memref<1x16x128xf32, #tpu.memory_space<vmem>> -> memref<16x128xf32, #tpu.memory_space<vmem>>
        %dma_wait3A_217 = arith.constant 0 : i32
        %dma_wait3A_218 = arith.constant 0 : i32
        %dma_wait3A_219 = tpu.memref_slice %arg2[%dma_wait3A_217, %dma_wait3A_218] : memref<16x1000000xf32, #tpu.memory_space<hbm>> -> memref<16x128xf32, #tpu.memory_space<hbm>>
        tpu.wait_dma2 semaphore(%arg13 : memref<!tpu.dma_semaphore, #tpu.memory_space<semaphore_mem>>) src(%dma_wait3A_219 : memref<16x128xf32, #tpu.memory_space<hbm>>) dst(%dma_wait3A_216 : memref<16x128xf32, #tpu.memory_space<vmem>>)
        %broadcast_in_dim3A_220 = arith.constant 0 : i32
        %broadcast_in_dim3A_221 = vector.broadcast %broadcast_in_dim3A_220 : i32 to vector<16xi32>
        %add3A_222 = arith.constant 5 : i32
        %add3A_223 = arith.addi %mul3A_33, %add3A_222 : i32
        %add3A_224 = vector.broadcast %add3A_223 : i32 to vector<16xi32>
        %add3A_225 = arith.addi %broadcast_in_dim3A_221, %add3A_224 : vector<16xi32>
        %broadcast_in_dim3A_226 = arith.constant 0 : i32
        %broadcast_in_dim3A_227 = vector.broadcast %broadcast_in_dim3A_226 : i32 to vector<16xi32>
        %add3A_228 = arith.constant 5 : i32
        %add3A_229 = arith.addi %multiple_of3A, %add3A_228 : i32
        %add3A_230 = vector.broadcast %add3A_229 : i32 to vector<16xi32>
        %add3A_231 = arith.addi %broadcast_in_dim3A_227, %add3A_230 : vector<16xi32>
        %broadcast_in_dim3A_232 = arith.constant 0 : i32
        %broadcast_in_dim3A_233 = vector.broadcast %broadcast_in_dim3A_232 : i32 to vector<16xi32>
        %slice3A_234 = vector.extract_strided_slice %and3A_28 {offsets = [5], sizes = [1], strides = [1]} : vector<16xi32> to vector<1xi32>
        %squeeze3A_235 = vector.extract %slice3A_234[0] : i32 from vector<1xi32>
        %add3A_236 = vector.broadcast %squeeze3A_235 : i32 to vector<16xi32>
        %add3A_237 = arith.addi %broadcast_in_dim3A_233, %add3A_236 : vector<16xi32>
        %gather3A_238 = tpu.vector_load_idx %arg10[%add3A_225, %iota3A, %add3A_237] : memref<32x16x128xf32, #tpu.memory_space<vmem>>[vector<16xi32>, vector<16xi32>, vector<16xi32>], vector<16xf32>,
        tpu.vector_store_idx %arg11[%iota3A, %add3A_231], %gather3A_238 : memref<16x512xf32, #tpu.memory_space<vmem>>[vector<16xi32>, vector<16xi32>], vector<16xf32>,
        %add3A_239 = arith.constant 6 : i32
        %add3A_240 = arith.addi %mul3A_33, %add3A_239 : i32
        %dma_wait3A_241 = arith.constant 0 : i32
        %dma_wait3A_242 = arith.constant 0 : i32
        %dma_wait3A_243 = tpu.memref_slice %arg10[%add3A_240, %dma_wait3A_241, %dma_wait3A_242] : memref<32x16x128xf32, #tpu.memory_space<vmem>> -> memref<1x16x128xf32, #tpu.memory_space<vmem>>
        %dma_wait3A_244 = tpu.memref_squeeze %dma_wait3A_243 : memref<1x16x128xf32, #tpu.memory_space<vmem>> -> memref<16x128xf32, #tpu.memory_space<vmem>>
        %dma_wait3A_245 = arith.constant 0 : i32
        %dma_wait3A_246 = arith.constant 0 : i32
        %dma_wait3A_247 = tpu.memref_slice %arg2[%dma_wait3A_245, %dma_wait3A_246] : memref<16x1000000xf32, #tpu.memory_space<hbm>> -> memref<16x128xf32, #tpu.memory_space<hbm>>
        %dma_wait3A_248 = arith.constant 0 : i32
        %dma_wait3A_249 = arith.constant 0 : i32
        %dma_wait3A_250 = tpu.memref_slice %arg10[%add3A_240, %dma_wait3A_248, %dma_wait3A_249] : memref<32x16x128xf32, #tpu.memory_space<vmem>> -> memref<1x16x128xf32, #tpu.memory_space<vmem>>
        %dma_wait3A_251 = tpu.memref_squeeze %dma_wait3A_250 : memref<1x16x128xf32, #tpu.memory_space<vmem>> -> memref<16x128xf32, #tpu.memory_space<vmem>>
        %dma_wait3A_252 = arith.constant 0 : i32
        %dma_wait3A_253 = arith.constant 0 : i32
        %dma_wait3A_254 = tpu.memref_slice %arg2[%dma_wait3A_252, %dma_wait3A_253] : memref<16x1000000xf32, #tpu.memory_space<hbm>> -> memref<16x128xf32, #tpu.memory_space<hbm>>
        tpu.wait_dma2 semaphore(%arg13 : memref<!tpu.dma_semaphore, #tpu.memory_space<semaphore_mem>>) src(%dma_wait3A_254 : memref<16x128xf32, #tpu.memory_space<hbm>>) dst(%dma_wait3A_251 : memref<16x128xf32, #tpu.memory_space<vmem>>)
        %broadcast_in_dim3A_255 = arith.constant 0 : i32
        %broadcast_in_dim3A_256 = vector.broadcast %broadcast_in_dim3A_255 : i32 to vector<16xi32>
        %add3A_257 = arith.constant 6 : i32
        %add3A_258 = arith.addi %mul3A_33, %add3A_257 : i32
        %add3A_259 = vector.broadcast %add3A_258 : i32 to vector<16xi32>
        %add3A_260 = arith.addi %broadcast_in_dim3A_256, %add3A_259 : vector<16xi32>
        %broadcast_in_dim3A_261 = arith.constant 0 : i32
        %broadcast_in_dim3A_262 = vector.broadcast %broadcast_in_dim3A_261 : i32 to vector<16xi32>
        %add3A_263 = arith.constant 6 : i32
        %add3A_264 = arith.addi %multiple_of3A, %add3A_263 : i32
        %add3A_265 = vector.broadcast %add3A_264 : i32 to vector<16xi32>
        %add3A_266 = arith.addi %broadcast_in_dim3A_262, %add3A_265 : vector<16xi32>
        %broadcast_in_dim3A_267 = arith.constant 0 : i32
        %broadcast_in_dim3A_268 = vector.broadcast %broadcast_in_dim3A_267 : i32 to vector<16xi32>
        %slice3A_269 = vector.extract_strided_slice %and3A_28 {offsets = [6], sizes = [1], strides = [1]} : vector<16xi32> to vector<1xi32>
        %squeeze3A_270 = vector.extract %slice3A_269[0] : i32 from vector<1xi32>
        %add3A_271 = vector.broadcast %squeeze3A_270 : i32 to vector<16xi32>
        %add3A_272 = arith.addi %broadcast_in_dim3A_268, %add3A_271 : vector<16xi32>
        %gather3A_273 = tpu.vector_load_idx %arg10[%add3A_260, %iota3A, %add3A_272] : memref<32x16x128xf32, #tpu.memory_space<vmem>>[vector<16xi32>, vector<16xi32>, vector<16xi32>], vector<16xf32>,
        tpu.vector_store_idx %arg11[%iota3A, %add3A_266], %gather3A_273 : memref<16x512xf32, #tpu.memory_space<vmem>>[vector<16xi32>, vector<16xi32>], vector<16xf32>,
        %add3A_274 = arith.constant 7 : i32
        %add3A_275 = arith.addi %mul3A_33, %add3A_274 : i32
        %dma_wait3A_276 = arith.constant 0 : i32
        %dma_wait3A_277 = arith.constant 0 : i32
        %dma_wait3A_278 = tpu.memref_slice %arg10[%add3A_275, %dma_wait3A_276, %dma_wait3A_277] : memref<32x16x128xf32, #tpu.memory_space<vmem>> -> memref<1x16x128xf32, #tpu.memory_space<vmem>>
        %dma_wait3A_279 = tpu.memref_squeeze %dma_wait3A_278 : memref<1x16x128xf32, #tpu.memory_space<vmem>> -> memref<16x128xf32, #tpu.memory_space<vmem>>
        %dma_wait3A_280 = arith.constant 0 : i32
        %dma_wait3A_281 = arith.constant 0 : i32
        %dma_wait3A_282 = tpu.memref_slice %arg2[%dma_wait3A_280, %dma_wait3A_281] : memref<16x1000000xf32, #tpu.memory_space<hbm>> -> memref<16x128xf32, #tpu.memory_space<hbm>>
        %dma_wait3A_283 = arith.constant 0 : i32
        %dma_wait3A_284 = arith.constant 0 : i32
        %dma_wait3A_285 = tpu.memref_slice %arg10[%add3A_275, %dma_wait3A_283, %dma_wait3A_284] : memref<32x16x128xf32, #tpu.memory_space<vmem>> -> memref<1x16x128xf32, #tpu.memory_space<vmem>>
        %dma_wait3A_286 = tpu.memref_squeeze %dma_wait3A_285 : memref<1x16x128xf32, #tpu.memory_space<vmem>> -> memref<16x128xf32, #tpu.memory_space<vmem>>
        %dma_wait3A_287 = arith.constant 0 : i32
        %dma_wait3A_288 = arith.constant 0 : i32
        %dma_wait3A_289 = tpu.memref_slice %arg2[%dma_wait3A_287, %dma_wait3A_288] : memref<16x1000000xf32, #tpu.memory_space<hbm>> -> memref<16x128xf32, #tpu.memory_space<hbm>>
        tpu.wait_dma2 semaphore(%arg13 : memref<!tpu.dma_semaphore, #tpu.memory_space<semaphore_mem>>) src(%dma_wait3A_289 : memref<16x128xf32, #tpu.memory_space<hbm>>) dst(%dma_wait3A_286 : memref<16x128xf32, #tpu.memory_space<vmem>>)
        %broadcast_in_dim3A_290 = arith.constant 0 : i32
        %broadcast_in_dim3A_291 = vector.broadcast %broadcast_in_dim3A_290 : i32 to vector<16xi32>
        %add3A_292 = arith.constant 7 : i32
        %add3A_293 = arith.addi %mul3A_33, %add3A_292 : i32
        %add3A_294 = vector.broadcast %add3A_293 : i32 to vector<16xi32>
        %add3A_295 = arith.addi %broadcast_in_dim3A_291, %add3A_294 : vector<16xi32>
        %broadcast_in_dim3A_296 = arith.constant 0 : i32
        %broadcast_in_dim3A_297 = vector.broadcast %broadcast_in_dim3A_296 : i32 to vector<16xi32>
        %add3A_298 = arith.constant 7 : i32
        %add3A_299 = arith.addi %multiple_of3A, %add3A_298 : i32
        %add3A_300 = vector.broadcast %add3A_299 : i32 to vector<16xi32>
        %add3A_301 = arith.addi %broadcast_in_dim3A_297, %add3A_300 : vector<16xi32>
        %broadcast_in_dim3A_302 = arith.constant 0 : i32
        %broadcast_in_dim3A_303 = vector.broadcast %broadcast_in_dim3A_302 : i32 to vector<16xi32>
        %slice3A_304 = vector.extract_strided_slice %and3A_28 {offsets = [7], sizes = [1], strides = [1]} : vector<16xi32> to vector<1xi32>
        %squeeze3A_305 = vector.extract %slice3A_304[0] : i32 from vector<1xi32>
        %add3A_306 = vector.broadcast %squeeze3A_305 : i32 to vector<16xi32>
        %add3A_307 = arith.addi %broadcast_in_dim3A_303, %add3A_306 : vector<16xi32>
        %gather3A_308 = tpu.vector_load_idx %arg10[%add3A_295, %iota3A, %add3A_307] : memref<32x16x128xf32, #tpu.memory_space<vmem>>[vector<16xi32>, vector<16xi32>, vector<16xi32>], vector<16xf32>,
        tpu.vector_store_idx %arg11[%iota3A, %add3A_301], %gather3A_308 : memref<16x512xf32, #tpu.memory_space<vmem>>[vector<16xi32>, vector<16xi32>], vector<16xf32>,
        %add3A_309 = arith.constant 8 : i32
        %add3A_310 = arith.addi %mul3A_33, %add3A_309 : i32
        %dma_wait3A_311 = arith.constant 0 : i32
        %dma_wait3A_312 = arith.constant 0 : i32
        %dma_wait3A_313 = tpu.memref_slice %arg10[%add3A_310, %dma_wait3A_311, %dma_wait3A_312] : memref<32x16x128xf32, #tpu.memory_space<vmem>> -> memref<1x16x128xf32, #tpu.memory_space<vmem>>
        %dma_wait3A_314 = tpu.memref_squeeze %dma_wait3A_313 : memref<1x16x128xf32, #tpu.memory_space<vmem>> -> memref<16x128xf32, #tpu.memory_space<vmem>>
        %dma_wait3A_315 = arith.constant 0 : i32
        %dma_wait3A_316 = arith.constant 0 : i32
        %dma_wait3A_317 = tpu.memref_slice %arg2[%dma_wait3A_315, %dma_wait3A_316] : memref<16x1000000xf32, #tpu.memory_space<hbm>> -> memref<16x128xf32, #tpu.memory_space<hbm>>
        %dma_wait3A_318 = arith.constant 0 : i32
        %dma_wait3A_319 = arith.constant 0 : i32
        %dma_wait3A_320 = tpu.memref_slice %arg10[%add3A_310, %dma_wait3A_318, %dma_wait3A_319] : memref<32x16x128xf32, #tpu.memory_space<vmem>> -> memref<1x16x128xf32, #tpu.memory_space<vmem>>
        %dma_wait3A_321 = tpu.memref_squeeze %dma_wait3A_320 : memref<1x16x128xf32, #tpu.memory_space<vmem>> -> memref<16x128xf32, #tpu.memory_space<vmem>>
        %dma_wait3A_322 = arith.constant 0 : i32
        %dma_wait3A_323 = arith.constant 0 : i32
        %dma_wait3A_324 = tpu.memref_slice %arg2[%dma_wait3A_322, %dma_wait3A_323] : memref<16x1000000xf32, #tpu.memory_space<hbm>> -> memref<16x128xf32, #tpu.memory_space<hbm>>
        tpu.wait_dma2 semaphore(%arg13 : memref<!tpu.dma_semaphore, #tpu.memory_space<semaphore_mem>>) src(%dma_wait3A_324 : memref<16x128xf32, #tpu.memory_space<hbm>>) dst(%dma_wait3A_321 : memref<16x128xf32, #tpu.memory_space<vmem>>)
        %broadcast_in_dim3A_325 = arith.constant 0 : i32
        %broadcast_in_dim3A_326 = vector.broadcast %broadcast_in_dim3A_325 : i32 to vector<16xi32>
        %add3A_327 = arith.constant 8 : i32
        %add3A_328 = arith.addi %mul3A_33, %add3A_327 : i32
        %add3A_329 = vector.broadcast %add3A_328 : i32 to vector<16xi32>
        %add3A_330 = arith.addi %broadcast_in_dim3A_326, %add3A_329 : vector<16xi32>
        %broadcast_in_dim3A_331 = arith.constant 0 : i32
        %broadcast_in_dim3A_332 = vector.broadcast %broadcast_in_dim3A_331 : i32 to vector<16xi32>
        %add3A_333 = arith.constant 8 : i32
        %add3A_334 = arith.addi %multiple_of3A, %add3A_333 : i32
        %add3A_335 = vector.broadcast %add3A_334 : i32 to vector<16xi32>
        %add3A_336 = arith.addi %broadcast_in_dim3A_332, %add3A_335 : vector<16xi32>
        %broadcast_in_dim3A_337 = arith.constant 0 : i32
        %broadcast_in_dim3A_338 = vector.broadcast %broadcast_in_dim3A_337 : i32 to vector<16xi32>
        %slice3A_339 = vector.extract_strided_slice %and3A_28 {offsets = [8], sizes = [1], strides = [1]} : vector<16xi32> to vector<1xi32>
        %squeeze3A_340 = vector.extract %slice3A_339[0] : i32 from vector<1xi32>
        %add3A_341 = vector.broadcast %squeeze3A_340 : i32 to vector<16xi32>
        %add3A_342 = arith.addi %broadcast_in_dim3A_338, %add3A_341 : vector<16xi32>
        %gather3A_343 = tpu.vector_load_idx %arg10[%add3A_330, %iota3A, %add3A_342] : memref<32x16x128xf32, #tpu.memory_space<vmem>>[vector<16xi32>, vector<16xi32>, vector<16xi32>], vector<16xf32>,
        tpu.vector_store_idx %arg11[%iota3A, %add3A_336], %gather3A_343 : memref<16x512xf32, #tpu.memory_space<vmem>>[vector<16xi32>, vector<16xi32>], vector<16xf32>,
        %add3A_344 = arith.constant 9 : i32
        %add3A_345 = arith.addi %mul3A_33, %add3A_344 : i32
        %dma_wait3A_346 = arith.constant 0 : i32
        %dma_wait3A_347 = arith.constant 0 : i32
        %dma_wait3A_348 = tpu.memref_slice %arg10[%add3A_345, %dma_wait3A_346, %dma_wait3A_347] : memref<32x16x128xf32, #tpu.memory_space<vmem>> -> memref<1x16x128xf32, #tpu.memory_space<vmem>>
        %dma_wait3A_349 = tpu.memref_squeeze %dma_wait3A_348 : memref<1x16x128xf32, #tpu.memory_space<vmem>> -> memref<16x128xf32, #tpu.memory_space<vmem>>
        %dma_wait3A_350 = arith.constant 0 : i32
        %dma_wait3A_351 = arith.constant 0 : i32
        %dma_wait3A_352 = tpu.memref_slice %arg2[%dma_wait3A_350, %dma_wait3A_351] : memref<16x1000000xf32, #tpu.memory_space<hbm>> -> memref<16x128xf32, #tpu.memory_space<hbm>>
        %dma_wait3A_353 = arith.constant 0 : i32
        %dma_wait3A_354 = arith.constant 0 : i32
        %dma_wait3A_355 = tpu.memref_slice %arg10[%add3A_345, %dma_wait3A_353, %dma_wait3A_354] : memref<32x16x128xf32, #tpu.memory_space<vmem>> -> memref<1x16x128xf32, #tpu.memory_space<vmem>>
        %dma_wait3A_356 = tpu.memref_squeeze %dma_wait3A_355 : memref<1x16x128xf32, #tpu.memory_space<vmem>> -> memref<16x128xf32, #tpu.memory_space<vmem>>
        %dma_wait3A_357 = arith.constant 0 : i32
        %dma_wait3A_358 = arith.constant 0 : i32
        %dma_wait3A_359 = tpu.memref_slice %arg2[%dma_wait3A_357, %dma_wait3A_358] : memref<16x1000000xf32, #tpu.memory_space<hbm>> -> memref<16x128xf32, #tpu.memory_space<hbm>>
        tpu.wait_dma2 semaphore(%arg13 : memref<!tpu.dma_semaphore, #tpu.memory_space<semaphore_mem>>) src(%dma_wait3A_359 : memref<16x128xf32, #tpu.memory_space<hbm>>) dst(%dma_wait3A_356 : memref<16x128xf32, #tpu.memory_space<vmem>>)
        %broadcast_in_dim3A_360 = arith.constant 0 : i32
        %broadcast_in_dim3A_361 = vector.broadcast %broadcast_in_dim3A_360 : i32 to vector<16xi32>
        %add3A_362 = arith.constant 9 : i32
        %add3A_363 = arith.addi %mul3A_33, %add3A_362 : i32
        %add3A_364 = vector.broadcast %add3A_363 : i32 to vector<16xi32>
        %add3A_365 = arith.addi %broadcast_in_dim3A_361, %add3A_364 : vector<16xi32>
        %broadcast_in_dim3A_366 = arith.constant 0 : i32
        %broadcast_in_dim3A_367 = vector.broadcast %broadcast_in_dim3A_366 : i32 to vector<16xi32>
        %add3A_368 = arith.constant 9 : i32
        %add3A_369 = arith.addi %multiple_of3A, %add3A_368 : i32
        %add3A_370 = vector.broadcast %add3A_369 : i32 to vector<16xi32>
        %add3A_371 = arith.addi %broadcast_in_dim3A_367, %add3A_370 : vector<16xi32>
        %broadcast_in_dim3A_372 = arith.constant 0 : i32
        %broadcast_in_dim3A_373 = vector.broadcast %broadcast_in_dim3A_372 : i32 to vector<16xi32>
        %slice3A_374 = vector.extract_strided_slice %and3A_28 {offsets = [9], sizes = [1], strides = [1]} : vector<16xi32> to vector<1xi32>
        %squeeze3A_375 = vector.extract %slice3A_374[0] : i32 from vector<1xi32>
        %add3A_376 = vector.broadcast %squeeze3A_375 : i32 to vector<16xi32>
        %add3A_377 = arith.addi %broadcast_in_dim3A_373, %add3A_376 : vector<16xi32>
        %gather3A_378 = tpu.vector_load_idx %arg10[%add3A_365, %iota3A, %add3A_377] : memref<32x16x128xf32, #tpu.memory_space<vmem>>[vector<16xi32>, vector<16xi32>, vector<16xi32>], vector<16xf32>,
        tpu.vector_store_idx %arg11[%iota3A, %add3A_371], %gather3A_378 : memref<16x512xf32, #tpu.memory_space<vmem>>[vector<16xi32>, vector<16xi32>], vector<16xf32>,
        %add3A_379 = arith.constant 10 : i32
        %add3A_380 = arith.addi %mul3A_33, %add3A_379 : i32
        %dma_wait3A_381 = arith.constant 0 : i32
        %dma_wait3A_382 = arith.constant 0 : i32
        %dma_wait3A_383 = tpu.memref_slice %arg10[%add3A_380, %dma_wait3A_381, %dma_wait3A_382] : memref<32x16x128xf32, #tpu.memory_space<vmem>> -> memref<1x16x128xf32, #tpu.memory_space<vmem>>
        %dma_wait3A_384 = tpu.memref_squeeze %dma_wait3A_383 : memref<1x16x128xf32, #tpu.memory_space<vmem>> -> memref<16x128xf32, #tpu.memory_space<vmem>>
        %dma_wait3A_385 = arith.constant 0 : i32
        %dma_wait3A_386 = arith.constant 0 : i32
        %dma_wait3A_387 = tpu.memref_slice %arg2[%dma_wait3A_385, %dma_wait3A_386] : memref<16x1000000xf32, #tpu.memory_space<hbm>> -> memref<16x128xf32, #tpu.memory_space<hbm>>
        %dma_wait3A_388 = arith.constant 0 : i32
        %dma_wait3A_389 = arith.constant 0 : i32
        %dma_wait3A_390 = tpu.memref_slice %arg10[%add3A_380, %dma_wait3A_388, %dma_wait3A_389] : memref<32x16x128xf32, #tpu.memory_space<vmem>> -> memref<1x16x128xf32, #tpu.memory_space<vmem>>
        %dma_wait3A_391 = tpu.memref_squeeze %dma_wait3A_390 : memref<1x16x128xf32, #tpu.memory_space<vmem>> -> memref<16x128xf32, #tpu.memory_space<vmem>>
        %dma_wait3A_392 = arith.constant 0 : i32
        %dma_wait3A_393 = arith.constant 0 : i32
        %dma_wait3A_394 = tpu.memref_slice %arg2[%dma_wait3A_392, %dma_wait3A_393] : memref<16x1000000xf32, #tpu.memory_space<hbm>> -> memref<16x128xf32, #tpu.memory_space<hbm>>
        tpu.wait_dma2 semaphore(%arg13 : memref<!tpu.dma_semaphore, #tpu.memory_space<semaphore_mem>>) src(%dma_wait3A_394 : memref<16x128xf32, #tpu.memory_space<hbm>>) dst(%dma_wait3A_391 : memref<16x128xf32, #tpu.memory_space<vmem>>)
        %broadcast_in_dim3A_395 = arith.constant 0 : i32
        %broadcast_in_dim3A_396 = vector.broadcast %broadcast_in_dim3A_395 : i32 to vector<16xi32>
        %add3A_397 = arith.constant 10 : i32
        %add3A_398 = arith.addi %mul3A_33, %add3A_397 : i32
        %add3A_399 = vector.broadcast %add3A_398 : i32 to vector<16xi32>
        %add3A_400 = arith.addi %broadcast_in_dim3A_396, %add3A_399 : vector<16xi32>
        %broadcast_in_dim3A_401 = arith.constant 0 : i32
        %broadcast_in_dim3A_402 = vector.broadcast %broadcast_in_dim3A_401 : i32 to vector<16xi32>
        %add3A_403 = arith.constant 10 : i32
        %add3A_404 = arith.addi %multiple_of3A, %add3A_403 : i32
        %add3A_405 = vector.broadcast %add3A_404 : i32 to vector<16xi32>
        %add3A_406 = arith.addi %broadcast_in_dim3A_402, %add3A_405 : vector<16xi32>
        %broadcast_in_dim3A_407 = arith.constant 0 : i32
        %broadcast_in_dim3A_408 = vector.broadcast %broadcast_in_dim3A_407 : i32 to vector<16xi32>
        %slice3A_409 = vector.extract_strided_slice %and3A_28 {offsets = [10], sizes = [1], strides = [1]} : vector<16xi32> to vector<1xi32>
        %squeeze3A_410 = vector.extract %slice3A_409[0] : i32 from vector<1xi32>
        %add3A_411 = vector.broadcast %squeeze3A_410 : i32 to vector<16xi32>
        %add3A_412 = arith.addi %broadcast_in_dim3A_408, %add3A_411 : vector<16xi32>
        %gather3A_413 = tpu.vector_load_idx %arg10[%add3A_400, %iota3A, %add3A_412] : memref<32x16x128xf32, #tpu.memory_space<vmem>>[vector<16xi32>, vector<16xi32>, vector<16xi32>], vector<16xf32>,
        tpu.vector_store_idx %arg11[%iota3A, %add3A_406], %gather3A_413 : memref<16x512xf32, #tpu.memory_space<vmem>>[vector<16xi32>, vector<16xi32>], vector<16xf32>,
        %add3A_414 = arith.constant 11 : i32
        %add3A_415 = arith.addi %mul3A_33, %add3A_414 : i32
        %dma_wait3A_416 = arith.constant 0 : i32
        %dma_wait3A_417 = arith.constant 0 : i32
        %dma_wait3A_418 = tpu.memref_slice %arg10[%add3A_415, %dma_wait3A_416, %dma_wait3A_417] : memref<32x16x128xf32, #tpu.memory_space<vmem>> -> memref<1x16x128xf32, #tpu.memory_space<vmem>>
        %dma_wait3A_419 = tpu.memref_squeeze %dma_wait3A_418 : memref<1x16x128xf32, #tpu.memory_space<vmem>> -> memref<16x128xf32, #tpu.memory_space<vmem>>
        %dma_wait3A_420 = arith.constant 0 : i32
        %dma_wait3A_421 = arith.constant 0 : i32
        %dma_wait3A_422 = tpu.memref_slice %arg2[%dma_wait3A_420, %dma_wait3A_421] : memref<16x1000000xf32, #tpu.memory_space<hbm>> -> memref<16x128xf32, #tpu.memory_space<hbm>>
        %dma_wait3A_423 = arith.constant 0 : i32
        %dma_wait3A_424 = arith.constant 0 : i32
        %dma_wait3A_425 = tpu.memref_slice %arg10[%add3A_415, %dma_wait3A_423, %dma_wait3A_424] : memref<32x16x128xf32, #tpu.memory_space<vmem>> -> memref<1x16x128xf32, #tpu.memory_space<vmem>>
        %dma_wait3A_426 = tpu.memref_squeeze %dma_wait3A_425 : memref<1x16x128xf32, #tpu.memory_space<vmem>> -> memref<16x128xf32, #tpu.memory_space<vmem>>
        %dma_wait3A_427 = arith.constant 0 : i32
        %dma_wait3A_428 = arith.constant 0 : i32
        %dma_wait3A_429 = tpu.memref_slice %arg2[%dma_wait3A_427, %dma_wait3A_428] : memref<16x1000000xf32, #tpu.memory_space<hbm>> -> memref<16x128xf32, #tpu.memory_space<hbm>>
        tpu.wait_dma2 semaphore(%arg13 : memref<!tpu.dma_semaphore, #tpu.memory_space<semaphore_mem>>) src(%dma_wait3A_429 : memref<16x128xf32, #tpu.memory_space<hbm>>) dst(%dma_wait3A_426 : memref<16x128xf32, #tpu.memory_space<vmem>>)
        %broadcast_in_dim3A_430 = arith.constant 0 : i32
        %broadcast_in_dim3A_431 = vector.broadcast %broadcast_in_dim3A_430 : i32 to vector<16xi32>
        %add3A_432 = arith.constant 11 : i32
        %add3A_433 = arith.addi %mul3A_33, %add3A_432 : i32
        %add3A_434 = vector.broadcast %add3A_433 : i32 to vector<16xi32>
        %add3A_435 = arith.addi %broadcast_in_dim3A_431, %add3A_434 : vector<16xi32>
        %broadcast_in_dim3A_436 = arith.constant 0 : i32
        %broadcast_in_dim3A_437 = vector.broadcast %broadcast_in_dim3A_436 : i32 to vector<16xi32>
        %add3A_438 = arith.constant 11 : i32
        %add3A_439 = arith.addi %multiple_of3A, %add3A_438 : i32
        %add3A_440 = vector.broadcast %add3A_439 : i32 to vector<16xi32>
        %add3A_441 = arith.addi %broadcast_in_dim3A_437, %add3A_440 : vector<16xi32>
        %broadcast_in_dim3A_442 = arith.constant 0 : i32
        %broadcast_in_dim3A_443 = vector.broadcast %broadcast_in_dim3A_442 : i32 to vector<16xi32>
        %slice3A_444 = vector.extract_strided_slice %and3A_28 {offsets = [11], sizes = [1], strides = [1]} : vector<16xi32> to vector<1xi32>
        %squeeze3A_445 = vector.extract %slice3A_444[0] : i32 from vector<1xi32>
        %add3A_446 = vector.broadcast %squeeze3A_445 : i32 to vector<16xi32>
        %add3A_447 = arith.addi %broadcast_in_dim3A_443, %add3A_446 : vector<16xi32>
        %gather3A_448 = tpu.vector_load_idx %arg10[%add3A_435, %iota3A, %add3A_447] : memref<32x16x128xf32, #tpu.memory_space<vmem>>[vector<16xi32>, vector<16xi32>, vector<16xi32>], vector<16xf32>,
        tpu.vector_store_idx %arg11[%iota3A, %add3A_441], %gather3A_448 : memref<16x512xf32, #tpu.memory_space<vmem>>[vector<16xi32>, vector<16xi32>], vector<16xf32>,
        %add3A_449 = arith.constant 12 : i32
        %add3A_450 = arith.addi %mul3A_33, %add3A_449 : i32
        %dma_wait3A_451 = arith.constant 0 : i32
        %dma_wait3A_452 = arith.constant 0 : i32
        %dma_wait3A_453 = tpu.memref_slice %arg10[%add3A_450, %dma_wait3A_451, %dma_wait3A_452] : memref<32x16x128xf32, #tpu.memory_space<vmem>> -> memref<1x16x128xf32, #tpu.memory_space<vmem>>
        %dma_wait3A_454 = tpu.memref_squeeze %dma_wait3A_453 : memref<1x16x128xf32, #tpu.memory_space<vmem>> -> memref<16x128xf32, #tpu.memory_space<vmem>>
        %dma_wait3A_455 = arith.constant 0 : i32
        %dma_wait3A_456 = arith.constant 0 : i32
        %dma_wait3A_457 = tpu.memref_slice %arg2[%dma_wait3A_455, %dma_wait3A_456] : memref<16x1000000xf32, #tpu.memory_space<hbm>> -> memref<16x128xf32, #tpu.memory_space<hbm>>
        %dma_wait3A_458 = arith.constant 0 : i32
        %dma_wait3A_459 = arith.constant 0 : i32
        %dma_wait3A_460 = tpu.memref_slice %arg10[%add3A_450, %dma_wait3A_458, %dma_wait3A_459] : memref<32x16x128xf32, #tpu.memory_space<vmem>> -> memref<1x16x128xf32, #tpu.memory_space<vmem>>
        %dma_wait3A_461 = tpu.memref_squeeze %dma_wait3A_460 : memref<1x16x128xf32, #tpu.memory_space<vmem>> -> memref<16x128xf32, #tpu.memory_space<vmem>>
        %dma_wait3A_462 = arith.constant 0 : i32
        %dma_wait3A_463 = arith.constant 0 : i32
        %dma_wait3A_464 = tpu.memref_slice %arg2[%dma_wait3A_462, %dma_wait3A_463] : memref<16x1000000xf32, #tpu.memory_space<hbm>> -> memref<16x128xf32, #tpu.memory_space<hbm>>
        tpu.wait_dma2 semaphore(%arg13 : memref<!tpu.dma_semaphore, #tpu.memory_space<semaphore_mem>>) src(%dma_wait3A_464 : memref<16x128xf32, #tpu.memory_space<hbm>>) dst(%dma_wait3A_461 : memref<16x128xf32, #tpu.memory_space<vmem>>)
        %broadcast_in_dim3A_465 = arith.constant 0 : i32
        %broadcast_in_dim3A_466 = vector.broadcast %broadcast_in_dim3A_465 : i32 to vector<16xi32>
        %add3A_467 = arith.constant 12 : i32
        %add3A_468 = arith.addi %mul3A_33, %add3A_467 : i32
        %add3A_469 = vector.broadcast %add3A_468 : i32 to vector<16xi32>
        %add3A_470 = arith.addi %broadcast_in_dim3A_466, %add3A_469 : vector<16xi32>
        %broadcast_in_dim3A_471 = arith.constant 0 : i32
        %broadcast_in_dim3A_472 = vector.broadcast %broadcast_in_dim3A_471 : i32 to vector<16xi32>
        %add3A_473 = arith.constant 12 : i32
        %add3A_474 = arith.addi %multiple_of3A, %add3A_473 : i32
        %add3A_475 = vector.broadcast %add3A_474 : i32 to vector<16xi32>
        %add3A_476 = arith.addi %broadcast_in_dim3A_472, %add3A_475 : vector<16xi32>
        %broadcast_in_dim3A_477 = arith.constant 0 : i32
        %broadcast_in_dim3A_478 = vector.broadcast %broadcast_in_dim3A_477 : i32 to vector<16xi32>
        %slice3A_479 = vector.extract_strided_slice %and3A_28 {offsets = [12], sizes = [1], strides = [1]} : vector<16xi32> to vector<1xi32>
        %squeeze3A_480 = vector.extract %slice3A_479[0] : i32 from vector<1xi32>
        %add3A_481 = vector.broadcast %squeeze3A_480 : i32 to vector<16xi32>
        %add3A_482 = arith.addi %broadcast_in_dim3A_478, %add3A_481 : vector<16xi32>
        %gather3A_483 = tpu.vector_load_idx %arg10[%add3A_470, %iota3A, %add3A_482] : memref<32x16x128xf32, #tpu.memory_space<vmem>>[vector<16xi32>, vector<16xi32>, vector<16xi32>], vector<16xf32>,
        tpu.vector_store_idx %arg11[%iota3A, %add3A_476], %gather3A_483 : memref<16x512xf32, #tpu.memory_space<vmem>>[vector<16xi32>, vector<16xi32>], vector<16xf32>,
        %add3A_484 = arith.constant 13 : i32
        %add3A_485 = arith.addi %mul3A_33, %add3A_484 : i32
        %dma_wait3A_486 = arith.constant 0 : i32
        %dma_wait3A_487 = arith.constant 0 : i32
        %dma_wait3A_488 = tpu.memref_slice %arg10[%add3A_485, %dma_wait3A_486, %dma_wait3A_487] : memref<32x16x128xf32, #tpu.memory_space<vmem>> -> memref<1x16x128xf32, #tpu.memory_space<vmem>>
        %dma_wait3A_489 = tpu.memref_squeeze %dma_wait3A_488 : memref<1x16x128xf32, #tpu.memory_space<vmem>> -> memref<16x128xf32, #tpu.memory_space<vmem>>
        %dma_wait3A_490 = arith.constant 0 : i32
        %dma_wait3A_491 = arith.constant 0 : i32
        %dma_wait3A_492 = tpu.memref_slice %arg2[%dma_wait3A_490, %dma_wait3A_491] : memref<16x1000000xf32, #tpu.memory_space<hbm>> -> memref<16x128xf32, #tpu.memory_space<hbm>>
        %dma_wait3A_493 = arith.constant 0 : i32
        %dma_wait3A_494 = arith.constant 0 : i32
        %dma_wait3A_495 = tpu.memref_slice %arg10[%add3A_485, %dma_wait3A_493, %dma_wait3A_494] : memref<32x16x128xf32, #tpu.memory_space<vmem>> -> memref<1x16x128xf32, #tpu.memory_space<vmem>>
        %dma_wait3A_496 = tpu.memref_squeeze %dma_wait3A_495 : memref<1x16x128xf32, #tpu.memory_space<vmem>> -> memref<16x128xf32, #tpu.memory_space<vmem>>
        %dma_wait3A_497 = arith.constant 0 : i32
        %dma_wait3A_498 = arith.constant 0 : i32
        %dma_wait3A_499 = tpu.memref_slice %arg2[%dma_wait3A_497, %dma_wait3A_498] : memref<16x1000000xf32, #tpu.memory_space<hbm>> -> memref<16x128xf32, #tpu.memory_space<hbm>>
        tpu.wait_dma2 semaphore(%arg13 : memref<!tpu.dma_semaphore, #tpu.memory_space<semaphore_mem>>) src(%dma_wait3A_499 : memref<16x128xf32, #tpu.memory_space<hbm>>) dst(%dma_wait3A_496 : memref<16x128xf32, #tpu.memory_space<vmem>>)
        %broadcast_in_dim3A_500 = arith.constant 0 : i32
        %broadcast_in_dim3A_501 = vector.broadcast %broadcast_in_dim3A_500 : i32 to vector<16xi32>
        %add3A_502 = arith.constant 13 : i32
        %add3A_503 = arith.addi %mul3A_33, %add3A_502 : i32
        %add3A_504 = vector.broadcast %add3A_503 : i32 to vector<16xi32>
        %add3A_505 = arith.addi %broadcast_in_dim3A_501, %add3A_504 : vector<16xi32>
        %broadcast_in_dim3A_506 = arith.constant 0 : i32
        %broadcast_in_dim3A_507 = vector.broadcast %broadcast_in_dim3A_506 : i32 to vector<16xi32>
        %add3A_508 = arith.constant 13 : i32
        %add3A_509 = arith.addi %multiple_of3A, %add3A_508 : i32
        %add3A_510 = vector.broadcast %add3A_509 : i32 to vector<16xi32>
        %add3A_511 = arith.addi %broadcast_in_dim3A_507, %add3A_510 : vector<16xi32>
        %broadcast_in_dim3A_512 = arith.constant 0 : i32
        %broadcast_in_dim3A_513 = vector.broadcast %broadcast_in_dim3A_512 : i32 to vector<16xi32>
        %slice3A_514 = vector.extract_strided_slice %and3A_28 {offsets = [13], sizes = [1], strides = [1]} : vector<16xi32> to vector<1xi32>
        %squeeze3A_515 = vector.extract %slice3A_514[0] : i32 from vector<1xi32>
        %add3A_516 = vector.broadcast %squeeze3A_515 : i32 to vector<16xi32>
        %add3A_517 = arith.addi %broadcast_in_dim3A_513, %add3A_516 : vector<16xi32>
        %gather3A_518 = tpu.vector_load_idx %arg10[%add3A_505, %iota3A, %add3A_517] : memref<32x16x128xf32, #tpu.memory_space<vmem>>[vector<16xi32>, vector<16xi32>, vector<16xi32>], vector<16xf32>,
        tpu.vector_store_idx %arg11[%iota3A, %add3A_511], %gather3A_518 : memref<16x512xf32, #tpu.memory_space<vmem>>[vector<16xi32>, vector<16xi32>], vector<16xf32>,
        %add3A_519 = arith.constant 14 : i32
        %add3A_520 = arith.addi %mul3A_33, %add3A_519 : i32
        %dma_wait3A_521 = arith.constant 0 : i32
        %dma_wait3A_522 = arith.constant 0 : i32
        %dma_wait3A_523 = tpu.memref_slice %arg10[%add3A_520, %dma_wait3A_521, %dma_wait3A_522] : memref<32x16x128xf32, #tpu.memory_space<vmem>> -> memref<1x16x128xf32, #tpu.memory_space<vmem>>
        %dma_wait3A_524 = tpu.memref_squeeze %dma_wait3A_523 : memref<1x16x128xf32, #tpu.memory_space<vmem>> -> memref<16x128xf32, #tpu.memory_space<vmem>>
        %dma_wait3A_525 = arith.constant 0 : i32
        %dma_wait3A_526 = arith.constant 0 : i32
        %dma_wait3A_527 = tpu.memref_slice %arg2[%dma_wait3A_525, %dma_wait3A_526] : memref<16x1000000xf32, #tpu.memory_space<hbm>> -> memref<16x128xf32, #tpu.memory_space<hbm>>
        %dma_wait3A_528 = arith.constant 0 : i32
        %dma_wait3A_529 = arith.constant 0 : i32
        %dma_wait3A_530 = tpu.memref_slice %arg10[%add3A_520, %dma_wait3A_528, %dma_wait3A_529] : memref<32x16x128xf32, #tpu.memory_space<vmem>> -> memref<1x16x128xf32, #tpu.memory_space<vmem>>
        %dma_wait3A_531 = tpu.memref_squeeze %dma_wait3A_530 : memref<1x16x128xf32, #tpu.memory_space<vmem>> -> memref<16x128xf32, #tpu.memory_space<vmem>>
        %dma_wait3A_532 = arith.constant 0 : i32
        %dma_wait3A_533 = arith.constant 0 : i32
        %dma_wait3A_534 = tpu.memref_slice %arg2[%dma_wait3A_532, %dma_wait3A_533] : memref<16x1000000xf32, #tpu.memory_space<hbm>> -> memref<16x128xf32, #tpu.memory_space<hbm>>
        tpu.wait_dma2 semaphore(%arg13 : memref<!tpu.dma_semaphore, #tpu.memory_space<semaphore_mem>>) src(%dma_wait3A_534 : memref<16x128xf32, #tpu.memory_space<hbm>>) dst(%dma_wait3A_531 : memref<16x128xf32, #tpu.memory_space<vmem>>)
        %broadcast_in_dim3A_535 = arith.constant 0 : i32
        %broadcast_in_dim3A_536 = vector.broadcast %broadcast_in_dim3A_535 : i32 to vector<16xi32>
        %add3A_537 = arith.constant 14 : i32
        %add3A_538 = arith.addi %mul3A_33, %add3A_537 : i32
        %add3A_539 = vector.broadcast %add3A_538 : i32 to vector<16xi32>
        %add3A_540 = arith.addi %broadcast_in_dim3A_536, %add3A_539 : vector<16xi32>
        %broadcast_in_dim3A_541 = arith.constant 0 : i32
        %broadcast_in_dim3A_542 = vector.broadcast %broadcast_in_dim3A_541 : i32 to vector<16xi32>
        %add3A_543 = arith.constant 14 : i32
        %add3A_544 = arith.addi %multiple_of3A, %add3A_543 : i32
        %add3A_545 = vector.broadcast %add3A_544 : i32 to vector<16xi32>
        %add3A_546 = arith.addi %broadcast_in_dim3A_542, %add3A_545 : vector<16xi32>
        %broadcast_in_dim3A_547 = arith.constant 0 : i32
        %broadcast_in_dim3A_548 = vector.broadcast %broadcast_in_dim3A_547 : i32 to vector<16xi32>
        %slice3A_549 = vector.extract_strided_slice %and3A_28 {offsets = [14], sizes = [1], strides = [1]} : vector<16xi32> to vector<1xi32>
        %squeeze3A_550 = vector.extract %slice3A_549[0] : i32 from vector<1xi32>
        %add3A_551 = vector.broadcast %squeeze3A_550 : i32 to vector<16xi32>
        %add3A_552 = arith.addi %broadcast_in_dim3A_548, %add3A_551 : vector<16xi32>
        %gather3A_553 = tpu.vector_load_idx %arg10[%add3A_540, %iota3A, %add3A_552] : memref<32x16x128xf32, #tpu.memory_space<vmem>>[vector<16xi32>, vector<16xi32>, vector<16xi32>], vector<16xf32>,
        tpu.vector_store_idx %arg11[%iota3A, %add3A_546], %gather3A_553 : memref<16x512xf32, #tpu.memory_space<vmem>>[vector<16xi32>, vector<16xi32>], vector<16xf32>,
        %add3A_554 = arith.constant 15 : i32
        %add3A_555 = arith.addi %mul3A_33, %add3A_554 : i32
        %dma_wait3A_556 = arith.constant 0 : i32
        %dma_wait3A_557 = arith.constant 0 : i32
        %dma_wait3A_558 = tpu.memref_slice %arg10[%add3A_555, %dma_wait3A_556, %dma_wait3A_557] : memref<32x16x128xf32, #tpu.memory_space<vmem>> -> memref<1x16x128xf32, #tpu.memory_space<vmem>>
        %dma_wait3A_559 = tpu.memref_squeeze %dma_wait3A_558 : memref<1x16x128xf32, #tpu.memory_space<vmem>> -> memref<16x128xf32, #tpu.memory_space<vmem>>
        %dma_wait3A_560 = arith.constant 0 : i32
        %dma_wait3A_561 = arith.constant 0 : i32
        %dma_wait3A_562 = tpu.memref_slice %arg2[%dma_wait3A_560, %dma_wait3A_561] : memref<16x1000000xf32, #tpu.memory_space<hbm>> -> memref<16x128xf32, #tpu.memory_space<hbm>>
        %dma_wait3A_563 = arith.constant 0 : i32
        %dma_wait3A_564 = arith.constant 0 : i32
        %dma_wait3A_565 = tpu.memref_slice %arg10[%add3A_555, %dma_wait3A_563, %dma_wait3A_564] : memref<32x16x128xf32, #tpu.memory_space<vmem>> -> memref<1x16x128xf32, #tpu.memory_space<vmem>>
        %dma_wait3A_566 = tpu.memref_squeeze %dma_wait3A_565 : memref<1x16x128xf32, #tpu.memory_space<vmem>> -> memref<16x128xf32, #tpu.memory_space<vmem>>
        %dma_wait3A_567 = arith.constant 0 : i32
        %dma_wait3A_568 = arith.constant 0 : i32
        %dma_wait3A_569 = tpu.memref_slice %arg2[%dma_wait3A_567, %dma_wait3A_568] : memref<16x1000000xf32, #tpu.memory_space<hbm>> -> memref<16x128xf32, #tpu.memory_space<hbm>>
        tpu.wait_dma2 semaphore(%arg13 : memref<!tpu.dma_semaphore, #tpu.memory_space<semaphore_mem>>) src(%dma_wait3A_569 : memref<16x128xf32, #tpu.memory_space<hbm>>) dst(%dma_wait3A_566 : memref<16x128xf32, #tpu.memory_space<vmem>>)
        %broadcast_in_dim3A_570 = arith.constant 0 : i32
        %broadcast_in_dim3A_571 = vector.broadcast %broadcast_in_dim3A_570 : i32 to vector<16xi32>
        %add3A_572 = arith.constant 15 : i32
        %add3A_573 = arith.addi %mul3A_33, %add3A_572 : i32
        %add3A_574 = vector.broadcast %add3A_573 : i32 to vector<16xi32>
        %add3A_575 = arith.addi %broadcast_in_dim3A_571, %add3A_574 : vector<16xi32>
        %broadcast_in_dim3A_576 = arith.constant 0 : i32
        %broadcast_in_dim3A_577 = vector.broadcast %broadcast_in_dim3A_576 : i32 to vector<16xi32>
        %add3A_578 = arith.constant 15 : i32
        %add3A_579 = arith.addi %multiple_of3A, %add3A_578 : i32
        %add3A_580 = vector.broadcast %add3A_579 : i32 to vector<16xi32>
        %add3A_581 = arith.addi %broadcast_in_dim3A_577, %add3A_580 : vector<16xi32>
        %broadcast_in_dim3A_582 = arith.constant 0 : i32
        %broadcast_in_dim3A_583 = vector.broadcast %broadcast_in_dim3A_582 : i32 to vector<16xi32>
        %slice3A_584 = vector.extract_strided_slice %and3A_28 {offsets = [15], sizes = [1], strides = [1]} : vector<16xi32> to vector<1xi32>
        %squeeze3A_585 = vector.extract %slice3A_584[0] : i32 from vector<1xi32>
        %add3A_586 = vector.broadcast %squeeze3A_585 : i32 to vector<16xi32>
        %add3A_587 = arith.addi %broadcast_in_dim3A_583, %add3A_586 : vector<16xi32>
        %gather3A_588 = tpu.vector_load_idx %arg10[%add3A_575, %iota3A, %add3A_587] : memref<32x16x128xf32, #tpu.memory_space<vmem>>[vector<16xi32>, vector<16xi32>, vector<16xi32>], vector<16xf32>,
        tpu.vector_store_idx %arg11[%iota3A, %add3A_581], %gather3A_588 : memref<16x512xf32, #tpu.memory_space<vmem>>[vector<16xi32>, vector<16xi32>], vector<16xf32>,
      } else {
      }
    }
    %scan3A_6 = arith.constant 33 : i32
    %scan3A_7 = arith.constant 0 : i32
    %scan3A_8 = arith.constant 33 : i32
    %scan3A_9 = arith.addi %scan3A_7, %scan3A_8 : i32
    %scan3A_10 = arith.constant 1 : i32
    scf.for %scan3A_12 = %scan3A_7 to %scan3A_9 step %scan3A_10  : i32 {
      %mul3A_13 = arith.constant 1 : i32
      %mul3A_14 = arith.muli %scan3A_12, %mul3A_13 : i32
      %add3A_15 = arith.constant 0 : i32
      %add3A_16 = arith.addi %add3A_15, %mul3A_14 : i32
      %lt3A = arith.constant 32 : i32
      %lt3A_17 = arith.cmpi slt, %add3A_16, %lt3A : i32
      %convert_element_type3A = arith.extui %lt3A_17 : i1 to i32
      %cond3A = arith.constant 0 : i32
      %cond3A_18 = arith.cmpi ne, %convert_element_type3A, %cond3A : i32
      scf.if %cond3A_18 {
        %mul3A_23 = arith.constant 16 : i32
        %mul3A_24 = arith.muli %add3A_16, %mul3A_23 : i32
        %multiple_of3A = tpu.assume_multiple %mul3A_24, 16 : i32
        %get3A = arith.index_cast %multiple_of3A : i32 to index
        %get3A_25 = tpu.vector_load %arg9[%get3A] {strides = array<i32>} : memref<512xi32, #tpu.memory_space<vmem>>, vector<16xi32>,
        %rem3A = arith.constant 2 : i32
        %rem3A_26 = arith.remsi %add3A_16, %rem3A : i32
        %mul3A_27 = arith.constant 16 : i32
        %mul3A_28 = arith.muli %rem3A_26, %mul3A_27 : i32
        %slice3A = vector.extract_strided_slice %get3A_25 {offsets = [0], sizes = [1], strides = [1]} : vector<16xi32> to vector<1xi32>
        %squeeze3A = vector.extract %slice3A[0] : i32 from vector<1xi32>
        %shift_right_arithmetic3A = arith.constant 7 : i32
        %shift_right_arithmetic3A_29 = arith.shrsi %squeeze3A, %shift_right_arithmetic3A : i32
        %mul3A_30 = arith.constant 128 : i32
        %mul3A_31 = arith.muli %shift_right_arithmetic3A_29, %mul3A_30 : i32
        %multiple_of3A_32 = tpu.assume_multiple %mul3A_31, 128 : i32
        %add3A_33 = arith.constant 0 : i32
        %add3A_34 = arith.addi %mul3A_28, %add3A_33 : i32
        %dma_start3A = arith.constant 0 : i32
        %dma_start3A_35 = arith.constant 0 : i32
        %dma_start3A_36 = tpu.memref_slice %arg10[%add3A_34, %dma_start3A, %dma_start3A_35] : memref<32x16x128xf32, #tpu.memory_space<vmem>> -> memref<1x16x128xf32, #tpu.memory_space<vmem>>
        %dma_start3A_37 = tpu.memref_squeeze %dma_start3A_36 : memref<1x16x128xf32, #tpu.memory_space<vmem>> -> memref<16x128xf32, #tpu.memory_space<vmem>>
        %dma_start3A_38 = arith.constant 0 : i32
        %dma_start3A_39 = tpu.memref_slice %arg3[%dma_start3A_38, %multiple_of3A_32] : memref<16x1000000xf32, #tpu.memory_space<hbm>> -> memref<16x128xf32, #tpu.memory_space<hbm>>
        %dma_start3A_40 = arith.constant 0 : i32
        %dma_start3A_41 = arith.constant 0 : i32
        %dma_start3A_42 = tpu.memref_slice %arg10[%add3A_34, %dma_start3A_40, %dma_start3A_41] : memref<32x16x128xf32, #tpu.memory_space<vmem>> -> memref<1x16x128xf32, #tpu.memory_space<vmem>>
        %dma_start3A_43 = tpu.memref_squeeze %dma_start3A_42 : memref<1x16x128xf32, #tpu.memory_space<vmem>> -> memref<16x128xf32, #tpu.memory_space<vmem>>
        %dma_start3A_44 = arith.constant 0 : i32
        %dma_start3A_45 = tpu.memref_slice %arg3[%dma_start3A_44, %multiple_of3A_32] : memref<16x1000000xf32, #tpu.memory_space<hbm>> -> memref<16x128xf32, #tpu.memory_space<hbm>>
        tpu.enqueue_dma source(%dma_start3A_45 : memref<16x128xf32, #tpu.memory_space<hbm>>) target(%dma_start3A_43 : memref<16x128xf32, #tpu.memory_space<vmem>>) target_semaphore(%arg13 : memref<!tpu.dma_semaphore, #tpu.memory_space<semaphore_mem>>)
        %slice3A_46 = vector.extract_strided_slice %get3A_25 {offsets = [1], sizes = [1], strides = [1]} : vector<16xi32> to vector<1xi32>
        %squeeze3A_47 = vector.extract %slice3A_46[0] : i32 from vector<1xi32>
        %shift_right_arithmetic3A_48 = arith.constant 7 : i32
        %shift_right_arithmetic3A_49 = arith.shrsi %squeeze3A_47, %shift_right_arithmetic3A_48 : i32
        %mul3A_50 = arith.constant 128 : i32
        %mul3A_51 = arith.muli %shift_right_arithmetic3A_49, %mul3A_50 : i32
        %multiple_of3A_52 = tpu.assume_multiple %mul3A_51, 128 : i32
        %add3A_53 = arith.constant 1 : i32
        %add3A_54 = arith.addi %mul3A_28, %add3A_53 : i32
        %dma_start3A_55 = arith.constant 0 : i32
        %dma_start3A_56 = arith.constant 0 : i32
        %dma_start3A_57 = tpu.memref_slice %arg10[%add3A_54, %dma_start3A_55, %dma_start3A_56] : memref<32x16x128xf32, #tpu.memory_space<vmem>> -> memref<1x16x128xf32, #tpu.memory_space<vmem>>
        %dma_start3A_58 = tpu.memref_squeeze %dma_start3A_57 : memref<1x16x128xf32, #tpu.memory_space<vmem>> -> memref<16x128xf32, #tpu.memory_space<vmem>>
        %dma_start3A_59 = arith.constant 0 : i32
        %dma_start3A_60 = tpu.memref_slice %arg3[%dma_start3A_59, %multiple_of3A_52] : memref<16x1000000xf32, #tpu.memory_space<hbm>> -> memref<16x128xf32, #tpu.memory_space<hbm>>
        %dma_start3A_61 = arith.constant 0 : i32
        %dma_start3A_62 = arith.constant 0 : i32
        %dma_start3A_63 = tpu.memref_slice %arg10[%add3A_54, %dma_start3A_61, %dma_start3A_62] : memref<32x16x128xf32, #tpu.memory_space<vmem>> -> memref<1x16x128xf32, #tpu.memory_space<vmem>>
        %dma_start3A_64 = tpu.memref_squeeze %dma_start3A_63 : memref<1x16x128xf32, #tpu.memory_space<vmem>> -> memref<16x128xf32, #tpu.memory_space<vmem>>
        %dma_start3A_65 = arith.constant 0 : i32
        %dma_start3A_66 = tpu.memref_slice %arg3[%dma_start3A_65, %multiple_of3A_52] : memref<16x1000000xf32, #tpu.memory_space<hbm>> -> memref<16x128xf32, #tpu.memory_space<hbm>>
        tpu.enqueue_dma source(%dma_start3A_66 : memref<16x128xf32, #tpu.memory_space<hbm>>) target(%dma_start3A_64 : memref<16x128xf32, #tpu.memory_space<vmem>>) target_semaphore(%arg13 : memref<!tpu.dma_semaphore, #tpu.memory_space<semaphore_mem>>)
        %slice3A_67 = vector.extract_strided_slice %get3A_25 {offsets = [2], sizes = [1], strides = [1]} : vector<16xi32> to vector<1xi32>
        %squeeze3A_68 = vector.extract %slice3A_67[0] : i32 from vector<1xi32>
        %shift_right_arithmetic3A_69 = arith.constant 7 : i32
        %shift_right_arithmetic3A_70 = arith.shrsi %squeeze3A_68, %shift_right_arithmetic3A_69 : i32
        %mul3A_71 = arith.constant 128 : i32
        %mul3A_72 = arith.muli %shift_right_arithmetic3A_70, %mul3A_71 : i32
        %multiple_of3A_73 = tpu.assume_multiple %mul3A_72, 128 : i32
        %add3A_74 = arith.constant 2 : i32
        %add3A_75 = arith.addi %mul3A_28, %add3A_74 : i32
        %dma_start3A_76 = arith.constant 0 : i32
        %dma_start3A_77 = arith.constant 0 : i32
        %dma_start3A_78 = tpu.memref_slice %arg10[%add3A_75, %dma_start3A_76, %dma_start3A_77] : memref<32x16x128xf32, #tpu.memory_space<vmem>> -> memref<1x16x128xf32, #tpu.memory_space<vmem>>
        %dma_start3A_79 = tpu.memref_squeeze %dma_start3A_78 : memref<1x16x128xf32, #tpu.memory_space<vmem>> -> memref<16x128xf32, #tpu.memory_space<vmem>>
        %dma_start3A_80 = arith.constant 0 : i32
        %dma_start3A_81 = tpu.memref_slice %arg3[%dma_start3A_80, %multiple_of3A_73] : memref<16x1000000xf32, #tpu.memory_space<hbm>> -> memref<16x128xf32, #tpu.memory_space<hbm>>
        %dma_start3A_82 = arith.constant 0 : i32
        %dma_start3A_83 = arith.constant 0 : i32
        %dma_start3A_84 = tpu.memref_slice %arg10[%add3A_75, %dma_start3A_82, %dma_start3A_83] : memref<32x16x128xf32, #tpu.memory_space<vmem>> -> memref<1x16x128xf32, #tpu.memory_space<vmem>>
        %dma_start3A_85 = tpu.memref_squeeze %dma_start3A_84 : memref<1x16x128xf32, #tpu.memory_space<vmem>> -> memref<16x128xf32, #tpu.memory_space<vmem>>
        %dma_start3A_86 = arith.constant 0 : i32
        %dma_start3A_87 = tpu.memref_slice %arg3[%dma_start3A_86, %multiple_of3A_73] : memref<16x1000000xf32, #tpu.memory_space<hbm>> -> memref<16x128xf32, #tpu.memory_space<hbm>>
        tpu.enqueue_dma source(%dma_start3A_87 : memref<16x128xf32, #tpu.memory_space<hbm>>) target(%dma_start3A_85 : memref<16x128xf32, #tpu.memory_space<vmem>>) target_semaphore(%arg13 : memref<!tpu.dma_semaphore, #tpu.memory_space<semaphore_mem>>)
        %slice3A_88 = vector.extract_strided_slice %get3A_25 {offsets = [3], sizes = [1], strides = [1]} : vector<16xi32> to vector<1xi32>
        %squeeze3A_89 = vector.extract %slice3A_88[0] : i32 from vector<1xi32>
        %shift_right_arithmetic3A_90 = arith.constant 7 : i32
        %shift_right_arithmetic3A_91 = arith.shrsi %squeeze3A_89, %shift_right_arithmetic3A_90 : i32
        %mul3A_92 = arith.constant 128 : i32
        %mul3A_93 = arith.muli %shift_right_arithmetic3A_91, %mul3A_92 : i32
        %multiple_of3A_94 = tpu.assume_multiple %mul3A_93, 128 : i32
        %add3A_95 = arith.constant 3 : i32
        %add3A_96 = arith.addi %mul3A_28, %add3A_95 : i32
        %dma_start3A_97 = arith.constant 0 : i32
        %dma_start3A_98 = arith.constant 0 : i32
        %dma_start3A_99 = tpu.memref_slice %arg10[%add3A_96, %dma_start3A_97, %dma_start3A_98] : memref<32x16x128xf32, #tpu.memory_space<vmem>> -> memref<1x16x128xf32, #tpu.memory_space<vmem>>
        %dma_start3A_100 = tpu.memref_squeeze %dma_start3A_99 : memref<1x16x128xf32, #tpu.memory_space<vmem>> -> memref<16x128xf32, #tpu.memory_space<vmem>>
        %dma_start3A_101 = arith.constant 0 : i32
        %dma_start3A_102 = tpu.memref_slice %arg3[%dma_start3A_101, %multiple_of3A_94] : memref<16x1000000xf32, #tpu.memory_space<hbm>> -> memref<16x128xf32, #tpu.memory_space<hbm>>
        %dma_start3A_103 = arith.constant 0 : i32
        %dma_start3A_104 = arith.constant 0 : i32
        %dma_start3A_105 = tpu.memref_slice %arg10[%add3A_96, %dma_start3A_103, %dma_start3A_104] : memref<32x16x128xf32, #tpu.memory_space<vmem>> -> memref<1x16x128xf32, #tpu.memory_space<vmem>>
        %dma_start3A_106 = tpu.memref_squeeze %dma_start3A_105 : memref<1x16x128xf32, #tpu.memory_space<vmem>> -> memref<16x128xf32, #tpu.memory_space<vmem>>
        %dma_start3A_107 = arith.constant 0 : i32
        %dma_start3A_108 = tpu.memref_slice %arg3[%dma_start3A_107, %multiple_of3A_94] : memref<16x1000000xf32, #tpu.memory_space<hbm>> -> memref<16x128xf32, #tpu.memory_space<hbm>>
        tpu.enqueue_dma source(%dma_start3A_108 : memref<16x128xf32, #tpu.memory_space<hbm>>) target(%dma_start3A_106 : memref<16x128xf32, #tpu.memory_space<vmem>>) target_semaphore(%arg13 : memref<!tpu.dma_semaphore, #tpu.memory_space<semaphore_mem>>)
        %slice3A_109 = vector.extract_strided_slice %get3A_25 {offsets = [4], sizes = [1], strides = [1]} : vector<16xi32> to vector<1xi32>
        %squeeze3A_110 = vector.extract %slice3A_109[0] : i32 from vector<1xi32>
        %shift_right_arithmetic3A_111 = arith.constant 7 : i32
        %shift_right_arithmetic3A_112 = arith.shrsi %squeeze3A_110, %shift_right_arithmetic3A_111 : i32
        %mul3A_113 = arith.constant 128 : i32
        %mul3A_114 = arith.muli %shift_right_arithmetic3A_112, %mul3A_113 : i32
        %multiple_of3A_115 = tpu.assume_multiple %mul3A_114, 128 : i32
        %add3A_116 = arith.constant 4 : i32
        %add3A_117 = arith.addi %mul3A_28, %add3A_116 : i32
        %dma_start3A_118 = arith.constant 0 : i32
        %dma_start3A_119 = arith.constant 0 : i32
        %dma_start3A_120 = tpu.memref_slice %arg10[%add3A_117, %dma_start3A_118, %dma_start3A_119] : memref<32x16x128xf32, #tpu.memory_space<vmem>> -> memref<1x16x128xf32, #tpu.memory_space<vmem>>
        %dma_start3A_121 = tpu.memref_squeeze %dma_start3A_120 : memref<1x16x128xf32, #tpu.memory_space<vmem>> -> memref<16x128xf32, #tpu.memory_space<vmem>>
        %dma_start3A_122 = arith.constant 0 : i32
        %dma_start3A_123 = tpu.memref_slice %arg3[%dma_start3A_122, %multiple_of3A_115] : memref<16x1000000xf32, #tpu.memory_space<hbm>> -> memref<16x128xf32, #tpu.memory_space<hbm>>
        %dma_start3A_124 = arith.constant 0 : i32
        %dma_start3A_125 = arith.constant 0 : i32
        %dma_start3A_126 = tpu.memref_slice %arg10[%add3A_117, %dma_start3A_124, %dma_start3A_125] : memref<32x16x128xf32, #tpu.memory_space<vmem>> -> memref<1x16x128xf32, #tpu.memory_space<vmem>>
        %dma_start3A_127 = tpu.memref_squeeze %dma_start3A_126 : memref<1x16x128xf32, #tpu.memory_space<vmem>> -> memref<16x128xf32, #tpu.memory_space<vmem>>
        %dma_start3A_128 = arith.constant 0 : i32
        %dma_start3A_129 = tpu.memref_slice %arg3[%dma_start3A_128, %multiple_of3A_115] : memref<16x1000000xf32, #tpu.memory_space<hbm>> -> memref<16x128xf32, #tpu.memory_space<hbm>>
        tpu.enqueue_dma source(%dma_start3A_129 : memref<16x128xf32, #tpu.memory_space<hbm>>) target(%dma_start3A_127 : memref<16x128xf32, #tpu.memory_space<vmem>>) target_semaphore(%arg13 : memref<!tpu.dma_semaphore, #tpu.memory_space<semaphore_mem>>)
        %slice3A_130 = vector.extract_strided_slice %get3A_25 {offsets = [5], sizes = [1], strides = [1]} : vector<16xi32> to vector<1xi32>
        %squeeze3A_131 = vector.extract %slice3A_130[0] : i32 from vector<1xi32>
        %shift_right_arithmetic3A_132 = arith.constant 7 : i32
        %shift_right_arithmetic3A_133 = arith.shrsi %squeeze3A_131, %shift_right_arithmetic3A_132 : i32
        %mul3A_134 = arith.constant 128 : i32
        %mul3A_135 = arith.muli %shift_right_arithmetic3A_133, %mul3A_134 : i32
        %multiple_of3A_136 = tpu.assume_multiple %mul3A_135, 128 : i32
        %add3A_137 = arith.constant 5 : i32
        %add3A_138 = arith.addi %mul3A_28, %add3A_137 : i32
        %dma_start3A_139 = arith.constant 0 : i32
        %dma_start3A_140 = arith.constant 0 : i32
        %dma_start3A_141 = tpu.memref_slice %arg10[%add3A_138, %dma_start3A_139, %dma_start3A_140] : memref<32x16x128xf32, #tpu.memory_space<vmem>> -> memref<1x16x128xf32, #tpu.memory_space<vmem>>
        %dma_start3A_142 = tpu.memref_squeeze %dma_start3A_141 : memref<1x16x128xf32, #tpu.memory_space<vmem>> -> memref<16x128xf32, #tpu.memory_space<vmem>>
        %dma_start3A_143 = arith.constant 0 : i32
        %dma_start3A_144 = tpu.memref_slice %arg3[%dma_start3A_143, %multiple_of3A_136] : memref<16x1000000xf32, #tpu.memory_space<hbm>> -> memref<16x128xf32, #tpu.memory_space<hbm>>
        %dma_start3A_145 = arith.constant 0 : i32
        %dma_start3A_146 = arith.constant 0 : i32
        %dma_start3A_147 = tpu.memref_slice %arg10[%add3A_138, %dma_start3A_145, %dma_start3A_146] : memref<32x16x128xf32, #tpu.memory_space<vmem>> -> memref<1x16x128xf32, #tpu.memory_space<vmem>>
        %dma_start3A_148 = tpu.memref_squeeze %dma_start3A_147 : memref<1x16x128xf32, #tpu.memory_space<vmem>> -> memref<16x128xf32, #tpu.memory_space<vmem>>
        %dma_start3A_149 = arith.constant 0 : i32
        %dma_start3A_150 = tpu.memref_slice %arg3[%dma_start3A_149, %multiple_of3A_136] : memref<16x1000000xf32, #tpu.memory_space<hbm>> -> memref<16x128xf32, #tpu.memory_space<hbm>>
        tpu.enqueue_dma source(%dma_start3A_150 : memref<16x128xf32, #tpu.memory_space<hbm>>) target(%dma_start3A_148 : memref<16x128xf32, #tpu.memory_space<vmem>>) target_semaphore(%arg13 : memref<!tpu.dma_semaphore, #tpu.memory_space<semaphore_mem>>)
        %slice3A_151 = vector.extract_strided_slice %get3A_25 {offsets = [6], sizes = [1], strides = [1]} : vector<16xi32> to vector<1xi32>
        %squeeze3A_152 = vector.extract %slice3A_151[0] : i32 from vector<1xi32>
        %shift_right_arithmetic3A_153 = arith.constant 7 : i32
        %shift_right_arithmetic3A_154 = arith.shrsi %squeeze3A_152, %shift_right_arithmetic3A_153 : i32
        %mul3A_155 = arith.constant 128 : i32
        %mul3A_156 = arith.muli %shift_right_arithmetic3A_154, %mul3A_155 : i32
        %multiple_of3A_157 = tpu.assume_multiple %mul3A_156, 128 : i32
        %add3A_158 = arith.constant 6 : i32
        %add3A_159 = arith.addi %mul3A_28, %add3A_158 : i32
        %dma_start3A_160 = arith.constant 0 : i32
        %dma_start3A_161 = arith.constant 0 : i32
        %dma_start3A_162 = tpu.memref_slice %arg10[%add3A_159, %dma_start3A_160, %dma_start3A_161] : memref<32x16x128xf32, #tpu.memory_space<vmem>> -> memref<1x16x128xf32, #tpu.memory_space<vmem>>
        %dma_start3A_163 = tpu.memref_squeeze %dma_start3A_162 : memref<1x16x128xf32, #tpu.memory_space<vmem>> -> memref<16x128xf32, #tpu.memory_space<vmem>>
        %dma_start3A_164 = arith.constant 0 : i32
        %dma_start3A_165 = tpu.memref_slice %arg3[%dma_start3A_164, %multiple_of3A_157] : memref<16x1000000xf32, #tpu.memory_space<hbm>> -> memref<16x128xf32, #tpu.memory_space<hbm>>
        %dma_start3A_166 = arith.constant 0 : i32
        %dma_start3A_167 = arith.constant 0 : i32
        %dma_start3A_168 = tpu.memref_slice %arg10[%add3A_159, %dma_start3A_166, %dma_start3A_167] : memref<32x16x128xf32, #tpu.memory_space<vmem>> -> memref<1x16x128xf32, #tpu.memory_space<vmem>>
        %dma_start3A_169 = tpu.memref_squeeze %dma_start3A_168 : memref<1x16x128xf32, #tpu.memory_space<vmem>> -> memref<16x128xf32, #tpu.memory_space<vmem>>
        %dma_start3A_170 = arith.constant 0 : i32
        %dma_start3A_171 = tpu.memref_slice %arg3[%dma_start3A_170, %multiple_of3A_157] : memref<16x1000000xf32, #tpu.memory_space<hbm>> -> memref<16x128xf32, #tpu.memory_space<hbm>>
        tpu.enqueue_dma source(%dma_start3A_171 : memref<16x128xf32, #tpu.memory_space<hbm>>) target(%dma_start3A_169 : memref<16x128xf32, #tpu.memory_space<vmem>>) target_semaphore(%arg13 : memref<!tpu.dma_semaphore, #tpu.memory_space<semaphore_mem>>)
        %slice3A_172 = vector.extract_strided_slice %get3A_25 {offsets = [7], sizes = [1], strides = [1]} : vector<16xi32> to vector<1xi32>
        %squeeze3A_173 = vector.extract %slice3A_172[0] : i32 from vector<1xi32>
        %shift_right_arithmetic3A_174 = arith.constant 7 : i32
        %shift_right_arithmetic3A_175 = arith.shrsi %squeeze3A_173, %shift_right_arithmetic3A_174 : i32
        %mul3A_176 = arith.constant 128 : i32
        %mul3A_177 = arith.muli %shift_right_arithmetic3A_175, %mul3A_176 : i32
        %multiple_of3A_178 = tpu.assume_multiple %mul3A_177, 128 : i32
        %add3A_179 = arith.constant 7 : i32
        %add3A_180 = arith.addi %mul3A_28, %add3A_179 : i32
        %dma_start3A_181 = arith.constant 0 : i32
        %dma_start3A_182 = arith.constant 0 : i32
        %dma_start3A_183 = tpu.memref_slice %arg10[%add3A_180, %dma_start3A_181, %dma_start3A_182] : memref<32x16x128xf32, #tpu.memory_space<vmem>> -> memref<1x16x128xf32, #tpu.memory_space<vmem>>
        %dma_start3A_184 = tpu.memref_squeeze %dma_start3A_183 : memref<1x16x128xf32, #tpu.memory_space<vmem>> -> memref<16x128xf32, #tpu.memory_space<vmem>>
        %dma_start3A_185 = arith.constant 0 : i32
        %dma_start3A_186 = tpu.memref_slice %arg3[%dma_start3A_185, %multiple_of3A_178] : memref<16x1000000xf32, #tpu.memory_space<hbm>> -> memref<16x128xf32, #tpu.memory_space<hbm>>
        %dma_start3A_187 = arith.constant 0 : i32
        %dma_start3A_188 = arith.constant 0 : i32
        %dma_start3A_189 = tpu.memref_slice %arg10[%add3A_180, %dma_start3A_187, %dma_start3A_188] : memref<32x16x128xf32, #tpu.memory_space<vmem>> -> memref<1x16x128xf32, #tpu.memory_space<vmem>>
        %dma_start3A_190 = tpu.memref_squeeze %dma_start3A_189 : memref<1x16x128xf32, #tpu.memory_space<vmem>> -> memref<16x128xf32, #tpu.memory_space<vmem>>
        %dma_start3A_191 = arith.constant 0 : i32
        %dma_start3A_192 = tpu.memref_slice %arg3[%dma_start3A_191, %multiple_of3A_178] : memref<16x1000000xf32, #tpu.memory_space<hbm>> -> memref<16x128xf32, #tpu.memory_space<hbm>>
        tpu.enqueue_dma source(%dma_start3A_192 : memref<16x128xf32, #tpu.memory_space<hbm>>) target(%dma_start3A_190 : memref<16x128xf32, #tpu.memory_space<vmem>>) target_semaphore(%arg13 : memref<!tpu.dma_semaphore, #tpu.memory_space<semaphore_mem>>)
        %slice3A_193 = vector.extract_strided_slice %get3A_25 {offsets = [8], sizes = [1], strides = [1]} : vector<16xi32> to vector<1xi32>
        %squeeze3A_194 = vector.extract %slice3A_193[0] : i32 from vector<1xi32>
        %shift_right_arithmetic3A_195 = arith.constant 7 : i32
        %shift_right_arithmetic3A_196 = arith.shrsi %squeeze3A_194, %shift_right_arithmetic3A_195 : i32
        %mul3A_197 = arith.constant 128 : i32
        %mul3A_198 = arith.muli %shift_right_arithmetic3A_196, %mul3A_197 : i32
        %multiple_of3A_199 = tpu.assume_multiple %mul3A_198, 128 : i32
        %add3A_200 = arith.constant 8 : i32
        %add3A_201 = arith.addi %mul3A_28, %add3A_200 : i32
        %dma_start3A_202 = arith.constant 0 : i32
        %dma_start3A_203 = arith.constant 0 : i32
        %dma_start3A_204 = tpu.memref_slice %arg10[%add3A_201, %dma_start3A_202, %dma_start3A_203] : memref<32x16x128xf32, #tpu.memory_space<vmem>> -> memref<1x16x128xf32, #tpu.memory_space<vmem>>
        %dma_start3A_205 = tpu.memref_squeeze %dma_start3A_204 : memref<1x16x128xf32, #tpu.memory_space<vmem>> -> memref<16x128xf32, #tpu.memory_space<vmem>>
        %dma_start3A_206 = arith.constant 0 : i32
        %dma_start3A_207 = tpu.memref_slice %arg3[%dma_start3A_206, %multiple_of3A_199] : memref<16x1000000xf32, #tpu.memory_space<hbm>> -> memref<16x128xf32, #tpu.memory_space<hbm>>
        %dma_start3A_208 = arith.constant 0 : i32
        %dma_start3A_209 = arith.constant 0 : i32
        %dma_start3A_210 = tpu.memref_slice %arg10[%add3A_201, %dma_start3A_208, %dma_start3A_209] : memref<32x16x128xf32, #tpu.memory_space<vmem>> -> memref<1x16x128xf32, #tpu.memory_space<vmem>>
        %dma_start3A_211 = tpu.memref_squeeze %dma_start3A_210 : memref<1x16x128xf32, #tpu.memory_space<vmem>> -> memref<16x128xf32, #tpu.memory_space<vmem>>
        %dma_start3A_212 = arith.constant 0 : i32
        %dma_start3A_213 = tpu.memref_slice %arg3[%dma_start3A_212, %multiple_of3A_199] : memref<16x1000000xf32, #tpu.memory_space<hbm>> -> memref<16x128xf32, #tpu.memory_space<hbm>>
        tpu.enqueue_dma source(%dma_start3A_213 : memref<16x128xf32, #tpu.memory_space<hbm>>) target(%dma_start3A_211 : memref<16x128xf32, #tpu.memory_space<vmem>>) target_semaphore(%arg13 : memref<!tpu.dma_semaphore, #tpu.memory_space<semaphore_mem>>)
        %slice3A_214 = vector.extract_strided_slice %get3A_25 {offsets = [9], sizes = [1], strides = [1]} : vector<16xi32> to vector<1xi32>
        %squeeze3A_215 = vector.extract %slice3A_214[0] : i32 from vector<1xi32>
        %shift_right_arithmetic3A_216 = arith.constant 7 : i32
        %shift_right_arithmetic3A_217 = arith.shrsi %squeeze3A_215, %shift_right_arithmetic3A_216 : i32
        %mul3A_218 = arith.constant 128 : i32
        %mul3A_219 = arith.muli %shift_right_arithmetic3A_217, %mul3A_218 : i32
        %multiple_of3A_220 = tpu.assume_multiple %mul3A_219, 128 : i32
        %add3A_221 = arith.constant 9 : i32
        %add3A_222 = arith.addi %mul3A_28, %add3A_221 : i32
        %dma_start3A_223 = arith.constant 0 : i32
        %dma_start3A_224 = arith.constant 0 : i32
        %dma_start3A_225 = tpu.memref_slice %arg10[%add3A_222, %dma_start3A_223, %dma_start3A_224] : memref<32x16x128xf32, #tpu.memory_space<vmem>> -> memref<1x16x128xf32, #tpu.memory_space<vmem>>
        %dma_start3A_226 = tpu.memref_squeeze %dma_start3A_225 : memref<1x16x128xf32, #tpu.memory_space<vmem>> -> memref<16x128xf32, #tpu.memory_space<vmem>>
        %dma_start3A_227 = arith.constant 0 : i32
        %dma_start3A_228 = tpu.memref_slice %arg3[%dma_start3A_227, %multiple_of3A_220] : memref<16x1000000xf32, #tpu.memory_space<hbm>> -> memref<16x128xf32, #tpu.memory_space<hbm>>
        %dma_start3A_229 = arith.constant 0 : i32
        %dma_start3A_230 = arith.constant 0 : i32
        %dma_start3A_231 = tpu.memref_slice %arg10[%add3A_222, %dma_start3A_229, %dma_start3A_230] : memref<32x16x128xf32, #tpu.memory_space<vmem>> -> memref<1x16x128xf32, #tpu.memory_space<vmem>>
        %dma_start3A_232 = tpu.memref_squeeze %dma_start3A_231 : memref<1x16x128xf32, #tpu.memory_space<vmem>> -> memref<16x128xf32, #tpu.memory_space<vmem>>
        %dma_start3A_233 = arith.constant 0 : i32
        %dma_start3A_234 = tpu.memref_slice %arg3[%dma_start3A_233, %multiple_of3A_220] : memref<16x1000000xf32, #tpu.memory_space<hbm>> -> memref<16x128xf32, #tpu.memory_space<hbm>>
        tpu.enqueue_dma source(%dma_start3A_234 : memref<16x128xf32, #tpu.memory_space<hbm>>) target(%dma_start3A_232 : memref<16x128xf32, #tpu.memory_space<vmem>>) target_semaphore(%arg13 : memref<!tpu.dma_semaphore, #tpu.memory_space<semaphore_mem>>)
        %slice3A_235 = vector.extract_strided_slice %get3A_25 {offsets = [10], sizes = [1], strides = [1]} : vector<16xi32> to vector<1xi32>
        %squeeze3A_236 = vector.extract %slice3A_235[0] : i32 from vector<1xi32>
        %shift_right_arithmetic3A_237 = arith.constant 7 : i32
        %shift_right_arithmetic3A_238 = arith.shrsi %squeeze3A_236, %shift_right_arithmetic3A_237 : i32
        %mul3A_239 = arith.constant 128 : i32
        %mul3A_240 = arith.muli %shift_right_arithmetic3A_238, %mul3A_239 : i32
        %multiple_of3A_241 = tpu.assume_multiple %mul3A_240, 128 : i32
        %add3A_242 = arith.constant 10 : i32
        %add3A_243 = arith.addi %mul3A_28, %add3A_242 : i32
        %dma_start3A_244 = arith.constant 0 : i32
        %dma_start3A_245 = arith.constant 0 : i32
        %dma_start3A_246 = tpu.memref_slice %arg10[%add3A_243, %dma_start3A_244, %dma_start3A_245] : memref<32x16x128xf32, #tpu.memory_space<vmem>> -> memref<1x16x128xf32, #tpu.memory_space<vmem>>
        %dma_start3A_247 = tpu.memref_squeeze %dma_start3A_246 : memref<1x16x128xf32, #tpu.memory_space<vmem>> -> memref<16x128xf32, #tpu.memory_space<vmem>>
        %dma_start3A_248 = arith.constant 0 : i32
        %dma_start3A_249 = tpu.memref_slice %arg3[%dma_start3A_248, %multiple_of3A_241] : memref<16x1000000xf32, #tpu.memory_space<hbm>> -> memref<16x128xf32, #tpu.memory_space<hbm>>
        %dma_start3A_250 = arith.constant 0 : i32
        %dma_start3A_251 = arith.constant 0 : i32
        %dma_start3A_252 = tpu.memref_slice %arg10[%add3A_243, %dma_start3A_250, %dma_start3A_251] : memref<32x16x128xf32, #tpu.memory_space<vmem>> -> memref<1x16x128xf32, #tpu.memory_space<vmem>>
        %dma_start3A_253 = tpu.memref_squeeze %dma_start3A_252 : memref<1x16x128xf32, #tpu.memory_space<vmem>> -> memref<16x128xf32, #tpu.memory_space<vmem>>
        %dma_start3A_254 = arith.constant 0 : i32
        %dma_start3A_255 = tpu.memref_slice %arg3[%dma_start3A_254, %multiple_of3A_241] : memref<16x1000000xf32, #tpu.memory_space<hbm>> -> memref<16x128xf32, #tpu.memory_space<hbm>>
        tpu.enqueue_dma source(%dma_start3A_255 : memref<16x128xf32, #tpu.memory_space<hbm>>) target(%dma_start3A_253 : memref<16x128xf32, #tpu.memory_space<vmem>>) target_semaphore(%arg13 : memref<!tpu.dma_semaphore, #tpu.memory_space<semaphore_mem>>)
        %slice3A_256 = vector.extract_strided_slice %get3A_25 {offsets = [11], sizes = [1], strides = [1]} : vector<16xi32> to vector<1xi32>
        %squeeze3A_257 = vector.extract %slice3A_256[0] : i32 from vector<1xi32>
        %shift_right_arithmetic3A_258 = arith.constant 7 : i32
        %shift_right_arithmetic3A_259 = arith.shrsi %squeeze3A_257, %shift_right_arithmetic3A_258 : i32
        %mul3A_260 = arith.constant 128 : i32
        %mul3A_261 = arith.muli %shift_right_arithmetic3A_259, %mul3A_260 : i32
        %multiple_of3A_262 = tpu.assume_multiple %mul3A_261, 128 : i32
        %add3A_263 = arith.constant 11 : i32
        %add3A_264 = arith.addi %mul3A_28, %add3A_263 : i32
        %dma_start3A_265 = arith.constant 0 : i32
        %dma_start3A_266 = arith.constant 0 : i32
        %dma_start3A_267 = tpu.memref_slice %arg10[%add3A_264, %dma_start3A_265, %dma_start3A_266] : memref<32x16x128xf32, #tpu.memory_space<vmem>> -> memref<1x16x128xf32, #tpu.memory_space<vmem>>
        %dma_start3A_268 = tpu.memref_squeeze %dma_start3A_267 : memref<1x16x128xf32, #tpu.memory_space<vmem>> -> memref<16x128xf32, #tpu.memory_space<vmem>>
        %dma_start3A_269 = arith.constant 0 : i32
        %dma_start3A_270 = tpu.memref_slice %arg3[%dma_start3A_269, %multiple_of3A_262] : memref<16x1000000xf32, #tpu.memory_space<hbm>> -> memref<16x128xf32, #tpu.memory_space<hbm>>
        %dma_start3A_271 = arith.constant 0 : i32
        %dma_start3A_272 = arith.constant 0 : i32
        %dma_start3A_273 = tpu.memref_slice %arg10[%add3A_264, %dma_start3A_271, %dma_start3A_272] : memref<32x16x128xf32, #tpu.memory_space<vmem>> -> memref<1x16x128xf32, #tpu.memory_space<vmem>>
        %dma_start3A_274 = tpu.memref_squeeze %dma_start3A_273 : memref<1x16x128xf32, #tpu.memory_space<vmem>> -> memref<16x128xf32, #tpu.memory_space<vmem>>
        %dma_start3A_275 = arith.constant 0 : i32
        %dma_start3A_276 = tpu.memref_slice %arg3[%dma_start3A_275, %multiple_of3A_262] : memref<16x1000000xf32, #tpu.memory_space<hbm>> -> memref<16x128xf32, #tpu.memory_space<hbm>>
        tpu.enqueue_dma source(%dma_start3A_276 : memref<16x128xf32, #tpu.memory_space<hbm>>) target(%dma_start3A_274 : memref<16x128xf32, #tpu.memory_space<vmem>>) target_semaphore(%arg13 : memref<!tpu.dma_semaphore, #tpu.memory_space<semaphore_mem>>)
        %slice3A_277 = vector.extract_strided_slice %get3A_25 {offsets = [12], sizes = [1], strides = [1]} : vector<16xi32> to vector<1xi32>
        %squeeze3A_278 = vector.extract %slice3A_277[0] : i32 from vector<1xi32>
        %shift_right_arithmetic3A_279 = arith.constant 7 : i32
        %shift_right_arithmetic3A_280 = arith.shrsi %squeeze3A_278, %shift_right_arithmetic3A_279 : i32
        %mul3A_281 = arith.constant 128 : i32
        %mul3A_282 = arith.muli %shift_right_arithmetic3A_280, %mul3A_281 : i32
        %multiple_of3A_283 = tpu.assume_multiple %mul3A_282, 128 : i32
        %add3A_284 = arith.constant 12 : i32
        %add3A_285 = arith.addi %mul3A_28, %add3A_284 : i32
        %dma_start3A_286 = arith.constant 0 : i32
        %dma_start3A_287 = arith.constant 0 : i32
        %dma_start3A_288 = tpu.memref_slice %arg10[%add3A_285, %dma_start3A_286, %dma_start3A_287] : memref<32x16x128xf32, #tpu.memory_space<vmem>> -> memref<1x16x128xf32, #tpu.memory_space<vmem>>
        %dma_start3A_289 = tpu.memref_squeeze %dma_start3A_288 : memref<1x16x128xf32, #tpu.memory_space<vmem>> -> memref<16x128xf32, #tpu.memory_space<vmem>>
        %dma_start3A_290 = arith.constant 0 : i32
        %dma_start3A_291 = tpu.memref_slice %arg3[%dma_start3A_290, %multiple_of3A_283] : memref<16x1000000xf32, #tpu.memory_space<hbm>> -> memref<16x128xf32, #tpu.memory_space<hbm>>
        %dma_start3A_292 = arith.constant 0 : i32
        %dma_start3A_293 = arith.constant 0 : i32
        %dma_start3A_294 = tpu.memref_slice %arg10[%add3A_285, %dma_start3A_292, %dma_start3A_293] : memref<32x16x128xf32, #tpu.memory_space<vmem>> -> memref<1x16x128xf32, #tpu.memory_space<vmem>>
        %dma_start3A_295 = tpu.memref_squeeze %dma_start3A_294 : memref<1x16x128xf32, #tpu.memory_space<vmem>> -> memref<16x128xf32, #tpu.memory_space<vmem>>
        %dma_start3A_296 = arith.constant 0 : i32
        %dma_start3A_297 = tpu.memref_slice %arg3[%dma_start3A_296, %multiple_of3A_283] : memref<16x1000000xf32, #tpu.memory_space<hbm>> -> memref<16x128xf32, #tpu.memory_space<hbm>>
        tpu.enqueue_dma source(%dma_start3A_297 : memref<16x128xf32, #tpu.memory_space<hbm>>) target(%dma_start3A_295 : memref<16x128xf32, #tpu.memory_space<vmem>>) target_semaphore(%arg13 : memref<!tpu.dma_semaphore, #tpu.memory_space<semaphore_mem>>)
        %slice3A_298 = vector.extract_strided_slice %get3A_25 {offsets = [13], sizes = [1], strides = [1]} : vector<16xi32> to vector<1xi32>
        %squeeze3A_299 = vector.extract %slice3A_298[0] : i32 from vector<1xi32>
        %shift_right_arithmetic3A_300 = arith.constant 7 : i32
        %shift_right_arithmetic3A_301 = arith.shrsi %squeeze3A_299, %shift_right_arithmetic3A_300 : i32
        %mul3A_302 = arith.constant 128 : i32
        %mul3A_303 = arith.muli %shift_right_arithmetic3A_301, %mul3A_302 : i32
        %multiple_of3A_304 = tpu.assume_multiple %mul3A_303, 128 : i32
        %add3A_305 = arith.constant 13 : i32
        %add3A_306 = arith.addi %mul3A_28, %add3A_305 : i32
        %dma_start3A_307 = arith.constant 0 : i32
        %dma_start3A_308 = arith.constant 0 : i32
        %dma_start3A_309 = tpu.memref_slice %arg10[%add3A_306, %dma_start3A_307, %dma_start3A_308] : memref<32x16x128xf32, #tpu.memory_space<vmem>> -> memref<1x16x128xf32, #tpu.memory_space<vmem>>
        %dma_start3A_310 = tpu.memref_squeeze %dma_start3A_309 : memref<1x16x128xf32, #tpu.memory_space<vmem>> -> memref<16x128xf32, #tpu.memory_space<vmem>>
        %dma_start3A_311 = arith.constant 0 : i32
        %dma_start3A_312 = tpu.memref_slice %arg3[%dma_start3A_311, %multiple_of3A_304] : memref<16x1000000xf32, #tpu.memory_space<hbm>> -> memref<16x128xf32, #tpu.memory_space<hbm>>
        %dma_start3A_313 = arith.constant 0 : i32
        %dma_start3A_314 = arith.constant 0 : i32
        %dma_start3A_315 = tpu.memref_slice %arg10[%add3A_306, %dma_start3A_313, %dma_start3A_314] : memref<32x16x128xf32, #tpu.memory_space<vmem>> -> memref<1x16x128xf32, #tpu.memory_space<vmem>>
        %dma_start3A_316 = tpu.memref_squeeze %dma_start3A_315 : memref<1x16x128xf32, #tpu.memory_space<vmem>> -> memref<16x128xf32, #tpu.memory_space<vmem>>
        %dma_start3A_317 = arith.constant 0 : i32
        %dma_start3A_318 = tpu.memref_slice %arg3[%dma_start3A_317, %multiple_of3A_304] : memref<16x1000000xf32, #tpu.memory_space<hbm>> -> memref<16x128xf32, #tpu.memory_space<hbm>>
        tpu.enqueue_dma source(%dma_start3A_318 : memref<16x128xf32, #tpu.memory_space<hbm>>) target(%dma_start3A_316 : memref<16x128xf32, #tpu.memory_space<vmem>>) target_semaphore(%arg13 : memref<!tpu.dma_semaphore, #tpu.memory_space<semaphore_mem>>)
        %slice3A_319 = vector.extract_strided_slice %get3A_25 {offsets = [14], sizes = [1], strides = [1]} : vector<16xi32> to vector<1xi32>
        %squeeze3A_320 = vector.extract %slice3A_319[0] : i32 from vector<1xi32>
        %shift_right_arithmetic3A_321 = arith.constant 7 : i32
        %shift_right_arithmetic3A_322 = arith.shrsi %squeeze3A_320, %shift_right_arithmetic3A_321 : i32
        %mul3A_323 = arith.constant 128 : i32
        %mul3A_324 = arith.muli %shift_right_arithmetic3A_322, %mul3A_323 : i32
        %multiple_of3A_325 = tpu.assume_multiple %mul3A_324, 128 : i32
        %add3A_326 = arith.constant 14 : i32
        %add3A_327 = arith.addi %mul3A_28, %add3A_326 : i32
        %dma_start3A_328 = arith.constant 0 : i32
        %dma_start3A_329 = arith.constant 0 : i32
        %dma_start3A_330 = tpu.memref_slice %arg10[%add3A_327, %dma_start3A_328, %dma_start3A_329] : memref<32x16x128xf32, #tpu.memory_space<vmem>> -> memref<1x16x128xf32, #tpu.memory_space<vmem>>
        %dma_start3A_331 = tpu.memref_squeeze %dma_start3A_330 : memref<1x16x128xf32, #tpu.memory_space<vmem>> -> memref<16x128xf32, #tpu.memory_space<vmem>>
        %dma_start3A_332 = arith.constant 0 : i32
        %dma_start3A_333 = tpu.memref_slice %arg3[%dma_start3A_332, %multiple_of3A_325] : memref<16x1000000xf32, #tpu.memory_space<hbm>> -> memref<16x128xf32, #tpu.memory_space<hbm>>
        %dma_start3A_334 = arith.constant 0 : i32
        %dma_start3A_335 = arith.constant 0 : i32
        %dma_start3A_336 = tpu.memref_slice %arg10[%add3A_327, %dma_start3A_334, %dma_start3A_335] : memref<32x16x128xf32, #tpu.memory_space<vmem>> -> memref<1x16x128xf32, #tpu.memory_space<vmem>>
        %dma_start3A_337 = tpu.memref_squeeze %dma_start3A_336 : memref<1x16x128xf32, #tpu.memory_space<vmem>> -> memref<16x128xf32, #tpu.memory_space<vmem>>
        %dma_start3A_338 = arith.constant 0 : i32
        %dma_start3A_339 = tpu.memref_slice %arg3[%dma_start3A_338, %multiple_of3A_325] : memref<16x1000000xf32, #tpu.memory_space<hbm>> -> memref<16x128xf32, #tpu.memory_space<hbm>>
        tpu.enqueue_dma source(%dma_start3A_339 : memref<16x128xf32, #tpu.memory_space<hbm>>) target(%dma_start3A_337 : memref<16x128xf32, #tpu.memory_space<vmem>>) target_semaphore(%arg13 : memref<!tpu.dma_semaphore, #tpu.memory_space<semaphore_mem>>)
        %slice3A_340 = vector.extract_strided_slice %get3A_25 {offsets = [15], sizes = [1], strides = [1]} : vector<16xi32> to vector<1xi32>
        %squeeze3A_341 = vector.extract %slice3A_340[0] : i32 from vector<1xi32>
        %shift_right_arithmetic3A_342 = arith.constant 7 : i32
        %shift_right_arithmetic3A_343 = arith.shrsi %squeeze3A_341, %shift_right_arithmetic3A_342 : i32
        %mul3A_344 = arith.constant 128 : i32
        %mul3A_345 = arith.muli %shift_right_arithmetic3A_343, %mul3A_344 : i32
        %multiple_of3A_346 = tpu.assume_multiple %mul3A_345, 128 : i32
        %add3A_347 = arith.constant 15 : i32
        %add3A_348 = arith.addi %mul3A_28, %add3A_347 : i32
        %dma_start3A_349 = arith.constant 0 : i32
        %dma_start3A_350 = arith.constant 0 : i32
        %dma_start3A_351 = tpu.memref_slice %arg10[%add3A_348, %dma_start3A_349, %dma_start3A_350] : memref<32x16x128xf32, #tpu.memory_space<vmem>> -> memref<1x16x128xf32, #tpu.memory_space<vmem>>
        %dma_start3A_352 = tpu.memref_squeeze %dma_start3A_351 : memref<1x16x128xf32, #tpu.memory_space<vmem>> -> memref<16x128xf32, #tpu.memory_space<vmem>>
        %dma_start3A_353 = arith.constant 0 : i32
        %dma_start3A_354 = tpu.memref_slice %arg3[%dma_start3A_353, %multiple_of3A_346] : memref<16x1000000xf32, #tpu.memory_space<hbm>> -> memref<16x128xf32, #tpu.memory_space<hbm>>
        %dma_start3A_355 = arith.constant 0 : i32
        %dma_start3A_356 = arith.constant 0 : i32
        %dma_start3A_357 = tpu.memref_slice %arg10[%add3A_348, %dma_start3A_355, %dma_start3A_356] : memref<32x16x128xf32, #tpu.memory_space<vmem>> -> memref<1x16x128xf32, #tpu.memory_space<vmem>>
        %dma_start3A_358 = tpu.memref_squeeze %dma_start3A_357 : memref<1x16x128xf32, #tpu.memory_space<vmem>> -> memref<16x128xf32, #tpu.memory_space<vmem>>
        %dma_start3A_359 = arith.constant 0 : i32
        %dma_start3A_360 = tpu.memref_slice %arg3[%dma_start3A_359, %multiple_of3A_346] : memref<16x1000000xf32, #tpu.memory_space<hbm>> -> memref<16x128xf32, #tpu.memory_space<hbm>>
        tpu.enqueue_dma source(%dma_start3A_360 : memref<16x128xf32, #tpu.memory_space<hbm>>) target(%dma_start3A_358 : memref<16x128xf32, #tpu.memory_space<vmem>>) target_semaphore(%arg13 : memref<!tpu.dma_semaphore, #tpu.memory_space<semaphore_mem>>)
      } else {
      }
      %gt3A = arith.constant 0 : i32
      %gt3A_19 = arith.cmpi sgt, %add3A_16, %gt3A : i32
      %convert_element_type3A_20 = arith.extui %gt3A_19 : i1 to i32
      %cond3A_21 = arith.constant 0 : i32
      %cond3A_22 = arith.cmpi ne, %convert_element_type3A_20, %cond3A_21 : i32
      scf.if %cond3A_22 {
        %sub3A = arith.constant 1 : i32
        %sub3A_23 = arith.subi %add3A_16, %sub3A : i32
        %mul3A_24 = arith.constant 16 : i32
        %mul3A_25 = arith.muli %sub3A_23, %mul3A_24 : i32
        %multiple_of3A = tpu.assume_multiple %mul3A_25, 16 : i32
        %get3A = arith.index_cast %multiple_of3A : i32 to index
        %get3A_26 = tpu.vector_load %arg9[%get3A] {strides = array<i32>} : memref<512xi32, #tpu.memory_space<vmem>>, vector<16xi32>,
        %and3A = arith.constant 127 : i32
        %and3A_27 = vector.broadcast %and3A : i32 to vector<16xi32>
        %and3A_28 = arith.andi %get3A_26, %and3A_27 : vector<16xi32>
        %sub3A_29 = arith.constant 1 : i32
        %sub3A_30 = arith.subi %add3A_16, %sub3A_29 : i32
        %rem3A = arith.constant 2 : i32
        %rem3A_31 = arith.remsi %sub3A_30, %rem3A : i32
        %mul3A_32 = arith.constant 16 : i32
        %mul3A_33 = arith.muli %rem3A_31, %mul3A_32 : i32
        %add3A_34 = arith.constant 0 : i32
        %add3A_35 = arith.addi %mul3A_33, %add3A_34 : i32
        %dma_wait3A = arith.constant 0 : i32
        %dma_wait3A_36 = arith.constant 0 : i32
        %dma_wait3A_37 = tpu.memref_slice %arg10[%add3A_35, %dma_wait3A, %dma_wait3A_36] : memref<32x16x128xf32, #tpu.memory_space<vmem>> -> memref<1x16x128xf32, #tpu.memory_space<vmem>>
        %dma_wait3A_38 = tpu.memref_squeeze %dma_wait3A_37 : memref<1x16x128xf32, #tpu.memory_space<vmem>> -> memref<16x128xf32, #tpu.memory_space<vmem>>
        %dma_wait3A_39 = arith.constant 0 : i32
        %dma_wait3A_40 = arith.constant 0 : i32
        %dma_wait3A_41 = tpu.memref_slice %arg3[%dma_wait3A_39, %dma_wait3A_40] : memref<16x1000000xf32, #tpu.memory_space<hbm>> -> memref<16x128xf32, #tpu.memory_space<hbm>>
        %dma_wait3A_42 = arith.constant 0 : i32
        %dma_wait3A_43 = arith.constant 0 : i32
        %dma_wait3A_44 = tpu.memref_slice %arg10[%add3A_35, %dma_wait3A_42, %dma_wait3A_43] : memref<32x16x128xf32, #tpu.memory_space<vmem>> -> memref<1x16x128xf32, #tpu.memory_space<vmem>>
        %dma_wait3A_45 = tpu.memref_squeeze %dma_wait3A_44 : memref<1x16x128xf32, #tpu.memory_space<vmem>> -> memref<16x128xf32, #tpu.memory_space<vmem>>
        %dma_wait3A_46 = arith.constant 0 : i32
        %dma_wait3A_47 = arith.constant 0 : i32
        %dma_wait3A_48 = tpu.memref_slice %arg3[%dma_wait3A_46, %dma_wait3A_47] : memref<16x1000000xf32, #tpu.memory_space<hbm>> -> memref<16x128xf32, #tpu.memory_space<hbm>>
        tpu.wait_dma2 semaphore(%arg13 : memref<!tpu.dma_semaphore, #tpu.memory_space<semaphore_mem>>) src(%dma_wait3A_48 : memref<16x128xf32, #tpu.memory_space<hbm>>) dst(%dma_wait3A_45 : memref<16x128xf32, #tpu.memory_space<vmem>>)
        %broadcast_in_dim3A = arith.constant 0 : i32
        %broadcast_in_dim3A_49 = vector.broadcast %broadcast_in_dim3A : i32 to vector<16xi32>
        %add3A_50 = arith.constant 0 : i32
        %add3A_51 = arith.addi %mul3A_33, %add3A_50 : i32
        %add3A_52 = vector.broadcast %add3A_51 : i32 to vector<16xi32>
        %add3A_53 = arith.addi %broadcast_in_dim3A_49, %add3A_52 : vector<16xi32>
        %broadcast_in_dim3A_54 = arith.constant 0 : i32
        %broadcast_in_dim3A_55 = vector.broadcast %broadcast_in_dim3A_54 : i32 to vector<16xi32>
        %add3A_56 = arith.constant 0 : i32
        %add3A_57 = arith.addi %multiple_of3A, %add3A_56 : i32
        %add3A_58 = vector.broadcast %add3A_57 : i32 to vector<16xi32>
        %add3A_59 = arith.addi %broadcast_in_dim3A_55, %add3A_58 : vector<16xi32>
        %broadcast_in_dim3A_60 = arith.constant 0 : i32
        %broadcast_in_dim3A_61 = vector.broadcast %broadcast_in_dim3A_60 : i32 to vector<16xi32>
        %slice3A = vector.extract_strided_slice %and3A_28 {offsets = [0], sizes = [1], strides = [1]} : vector<16xi32> to vector<1xi32>
        %squeeze3A = vector.extract %slice3A[0] : i32 from vector<1xi32>
        %add3A_62 = vector.broadcast %squeeze3A : i32 to vector<16xi32>
        %add3A_63 = arith.addi %broadcast_in_dim3A_61, %add3A_62 : vector<16xi32>
        %gather3A = tpu.vector_load_idx %arg10[%add3A_53, %iota3A, %add3A_63] : memref<32x16x128xf32, #tpu.memory_space<vmem>>[vector<16xi32>, vector<16xi32>, vector<16xi32>], vector<16xf32>,
        tpu.vector_store_idx %arg12[%iota3A, %add3A_59], %gather3A : memref<16x512xf32, #tpu.memory_space<vmem>>[vector<16xi32>, vector<16xi32>], vector<16xf32>,
        %add3A_64 = arith.constant 1 : i32
        %add3A_65 = arith.addi %mul3A_33, %add3A_64 : i32
        %dma_wait3A_66 = arith.constant 0 : i32
        %dma_wait3A_67 = arith.constant 0 : i32
        %dma_wait3A_68 = tpu.memref_slice %arg10[%add3A_65, %dma_wait3A_66, %dma_wait3A_67] : memref<32x16x128xf32, #tpu.memory_space<vmem>> -> memref<1x16x128xf32, #tpu.memory_space<vmem>>
        %dma_wait3A_69 = tpu.memref_squeeze %dma_wait3A_68 : memref<1x16x128xf32, #tpu.memory_space<vmem>> -> memref<16x128xf32, #tpu.memory_space<vmem>>
        %dma_wait3A_70 = arith.constant 0 : i32
        %dma_wait3A_71 = arith.constant 0 : i32
        %dma_wait3A_72 = tpu.memref_slice %arg3[%dma_wait3A_70, %dma_wait3A_71] : memref<16x1000000xf32, #tpu.memory_space<hbm>> -> memref<16x128xf32, #tpu.memory_space<hbm>>
        %dma_wait3A_73 = arith.constant 0 : i32
        %dma_wait3A_74 = arith.constant 0 : i32
        %dma_wait3A_75 = tpu.memref_slice %arg10[%add3A_65, %dma_wait3A_73, %dma_wait3A_74] : memref<32x16x128xf32, #tpu.memory_space<vmem>> -> memref<1x16x128xf32, #tpu.memory_space<vmem>>
        %dma_wait3A_76 = tpu.memref_squeeze %dma_wait3A_75 : memref<1x16x128xf32, #tpu.memory_space<vmem>> -> memref<16x128xf32, #tpu.memory_space<vmem>>
        %dma_wait3A_77 = arith.constant 0 : i32
        %dma_wait3A_78 = arith.constant 0 : i32
        %dma_wait3A_79 = tpu.memref_slice %arg3[%dma_wait3A_77, %dma_wait3A_78] : memref<16x1000000xf32, #tpu.memory_space<hbm>> -> memref<16x128xf32, #tpu.memory_space<hbm>>
        tpu.wait_dma2 semaphore(%arg13 : memref<!tpu.dma_semaphore, #tpu.memory_space<semaphore_mem>>) src(%dma_wait3A_79 : memref<16x128xf32, #tpu.memory_space<hbm>>) dst(%dma_wait3A_76 : memref<16x128xf32, #tpu.memory_space<vmem>>)
        %broadcast_in_dim3A_80 = arith.constant 0 : i32
        %broadcast_in_dim3A_81 = vector.broadcast %broadcast_in_dim3A_80 : i32 to vector<16xi32>
        %add3A_82 = arith.constant 1 : i32
        %add3A_83 = arith.addi %mul3A_33, %add3A_82 : i32
        %add3A_84 = vector.broadcast %add3A_83 : i32 to vector<16xi32>
        %add3A_85 = arith.addi %broadcast_in_dim3A_81, %add3A_84 : vector<16xi32>
        %broadcast_in_dim3A_86 = arith.constant 0 : i32
        %broadcast_in_dim3A_87 = vector.broadcast %broadcast_in_dim3A_86 : i32 to vector<16xi32>
        %add3A_88 = arith.constant 1 : i32
        %add3A_89 = arith.addi %multiple_of3A, %add3A_88 : i32
        %add3A_90 = vector.broadcast %add3A_89 : i32 to vector<16xi32>
        %add3A_91 = arith.addi %broadcast_in_dim3A_87, %add3A_90 : vector<16xi32>
        %broadcast_in_dim3A_92 = arith.constant 0 : i32
        %broadcast_in_dim3A_93 = vector.broadcast %broadcast_in_dim3A_92 : i32 to vector<16xi32>
        %slice3A_94 = vector.extract_strided_slice %and3A_28 {offsets = [1], sizes = [1], strides = [1]} : vector<16xi32> to vector<1xi32>
        %squeeze3A_95 = vector.extract %slice3A_94[0] : i32 from vector<1xi32>
        %add3A_96 = vector.broadcast %squeeze3A_95 : i32 to vector<16xi32>
        %add3A_97 = arith.addi %broadcast_in_dim3A_93, %add3A_96 : vector<16xi32>
        %gather3A_98 = tpu.vector_load_idx %arg10[%add3A_85, %iota3A, %add3A_97] : memref<32x16x128xf32, #tpu.memory_space<vmem>>[vector<16xi32>, vector<16xi32>, vector<16xi32>], vector<16xf32>,
        tpu.vector_store_idx %arg12[%iota3A, %add3A_91], %gather3A_98 : memref<16x512xf32, #tpu.memory_space<vmem>>[vector<16xi32>, vector<16xi32>], vector<16xf32>,
        %add3A_99 = arith.constant 2 : i32
        %add3A_100 = arith.addi %mul3A_33, %add3A_99 : i32
        %dma_wait3A_101 = arith.constant 0 : i32
        %dma_wait3A_102 = arith.constant 0 : i32
        %dma_wait3A_103 = tpu.memref_slice %arg10[%add3A_100, %dma_wait3A_101, %dma_wait3A_102] : memref<32x16x128xf32, #tpu.memory_space<vmem>> -> memref<1x16x128xf32, #tpu.memory_space<vmem>>
        %dma_wait3A_104 = tpu.memref_squeeze %dma_wait3A_103 : memref<1x16x128xf32, #tpu.memory_space<vmem>> -> memref<16x128xf32, #tpu.memory_space<vmem>>
        %dma_wait3A_105 = arith.constant 0 : i32
        %dma_wait3A_106 = arith.constant 0 : i32
        %dma_wait3A_107 = tpu.memref_slice %arg3[%dma_wait3A_105, %dma_wait3A_106] : memref<16x1000000xf32, #tpu.memory_space<hbm>> -> memref<16x128xf32, #tpu.memory_space<hbm>>
        %dma_wait3A_108 = arith.constant 0 : i32
        %dma_wait3A_109 = arith.constant 0 : i32
        %dma_wait3A_110 = tpu.memref_slice %arg10[%add3A_100, %dma_wait3A_108, %dma_wait3A_109] : memref<32x16x128xf32, #tpu.memory_space<vmem>> -> memref<1x16x128xf32, #tpu.memory_space<vmem>>
        %dma_wait3A_111 = tpu.memref_squeeze %dma_wait3A_110 : memref<1x16x128xf32, #tpu.memory_space<vmem>> -> memref<16x128xf32, #tpu.memory_space<vmem>>
        %dma_wait3A_112 = arith.constant 0 : i32
        %dma_wait3A_113 = arith.constant 0 : i32
        %dma_wait3A_114 = tpu.memref_slice %arg3[%dma_wait3A_112, %dma_wait3A_113] : memref<16x1000000xf32, #tpu.memory_space<hbm>> -> memref<16x128xf32, #tpu.memory_space<hbm>>
        tpu.wait_dma2 semaphore(%arg13 : memref<!tpu.dma_semaphore, #tpu.memory_space<semaphore_mem>>) src(%dma_wait3A_114 : memref<16x128xf32, #tpu.memory_space<hbm>>) dst(%dma_wait3A_111 : memref<16x128xf32, #tpu.memory_space<vmem>>)
        %broadcast_in_dim3A_115 = arith.constant 0 : i32
        %broadcast_in_dim3A_116 = vector.broadcast %broadcast_in_dim3A_115 : i32 to vector<16xi32>
        %add3A_117 = arith.constant 2 : i32
        %add3A_118 = arith.addi %mul3A_33, %add3A_117 : i32
        %add3A_119 = vector.broadcast %add3A_118 : i32 to vector<16xi32>
        %add3A_120 = arith.addi %broadcast_in_dim3A_116, %add3A_119 : vector<16xi32>
        %broadcast_in_dim3A_121 = arith.constant 0 : i32
        %broadcast_in_dim3A_122 = vector.broadcast %broadcast_in_dim3A_121 : i32 to vector<16xi32>
        %add3A_123 = arith.constant 2 : i32
        %add3A_124 = arith.addi %multiple_of3A, %add3A_123 : i32
        %add3A_125 = vector.broadcast %add3A_124 : i32 to vector<16xi32>
        %add3A_126 = arith.addi %broadcast_in_dim3A_122, %add3A_125 : vector<16xi32>
        %broadcast_in_dim3A_127 = arith.constant 0 : i32
        %broadcast_in_dim3A_128 = vector.broadcast %broadcast_in_dim3A_127 : i32 to vector<16xi32>
        %slice3A_129 = vector.extract_strided_slice %and3A_28 {offsets = [2], sizes = [1], strides = [1]} : vector<16xi32> to vector<1xi32>
        %squeeze3A_130 = vector.extract %slice3A_129[0] : i32 from vector<1xi32>
        %add3A_131 = vector.broadcast %squeeze3A_130 : i32 to vector<16xi32>
        %add3A_132 = arith.addi %broadcast_in_dim3A_128, %add3A_131 : vector<16xi32>
        %gather3A_133 = tpu.vector_load_idx %arg10[%add3A_120, %iota3A, %add3A_132] : memref<32x16x128xf32, #tpu.memory_space<vmem>>[vector<16xi32>, vector<16xi32>, vector<16xi32>], vector<16xf32>,
        tpu.vector_store_idx %arg12[%iota3A, %add3A_126], %gather3A_133 : memref<16x512xf32, #tpu.memory_space<vmem>>[vector<16xi32>, vector<16xi32>], vector<16xf32>,
        %add3A_134 = arith.constant 3 : i32
        %add3A_135 = arith.addi %mul3A_33, %add3A_134 : i32
        %dma_wait3A_136 = arith.constant 0 : i32
        %dma_wait3A_137 = arith.constant 0 : i32
        %dma_wait3A_138 = tpu.memref_slice %arg10[%add3A_135, %dma_wait3A_136, %dma_wait3A_137] : memref<32x16x128xf32, #tpu.memory_space<vmem>> -> memref<1x16x128xf32, #tpu.memory_space<vmem>>
        %dma_wait3A_139 = tpu.memref_squeeze %dma_wait3A_138 : memref<1x16x128xf32, #tpu.memory_space<vmem>> -> memref<16x128xf32, #tpu.memory_space<vmem>>
        %dma_wait3A_140 = arith.constant 0 : i32
        %dma_wait3A_141 = arith.constant 0 : i32
        %dma_wait3A_142 = tpu.memref_slice %arg3[%dma_wait3A_140, %dma_wait3A_141] : memref<16x1000000xf32, #tpu.memory_space<hbm>> -> memref<16x128xf32, #tpu.memory_space<hbm>>
        %dma_wait3A_143 = arith.constant 0 : i32
        %dma_wait3A_144 = arith.constant 0 : i32
        %dma_wait3A_145 = tpu.memref_slice %arg10[%add3A_135, %dma_wait3A_143, %dma_wait3A_144] : memref<32x16x128xf32, #tpu.memory_space<vmem>> -> memref<1x16x128xf32, #tpu.memory_space<vmem>>
        %dma_wait3A_146 = tpu.memref_squeeze %dma_wait3A_145 : memref<1x16x128xf32, #tpu.memory_space<vmem>> -> memref<16x128xf32, #tpu.memory_space<vmem>>
        %dma_wait3A_147 = arith.constant 0 : i32
        %dma_wait3A_148 = arith.constant 0 : i32
        %dma_wait3A_149 = tpu.memref_slice %arg3[%dma_wait3A_147, %dma_wait3A_148] : memref<16x1000000xf32, #tpu.memory_space<hbm>> -> memref<16x128xf32, #tpu.memory_space<hbm>>
        tpu.wait_dma2 semaphore(%arg13 : memref<!tpu.dma_semaphore, #tpu.memory_space<semaphore_mem>>) src(%dma_wait3A_149 : memref<16x128xf32, #tpu.memory_space<hbm>>) dst(%dma_wait3A_146 : memref<16x128xf32, #tpu.memory_space<vmem>>)
        %broadcast_in_dim3A_150 = arith.constant 0 : i32
        %broadcast_in_dim3A_151 = vector.broadcast %broadcast_in_dim3A_150 : i32 to vector<16xi32>
        %add3A_152 = arith.constant 3 : i32
        %add3A_153 = arith.addi %mul3A_33, %add3A_152 : i32
        %add3A_154 = vector.broadcast %add3A_153 : i32 to vector<16xi32>
        %add3A_155 = arith.addi %broadcast_in_dim3A_151, %add3A_154 : vector<16xi32>
        %broadcast_in_dim3A_156 = arith.constant 0 : i32
        %broadcast_in_dim3A_157 = vector.broadcast %broadcast_in_dim3A_156 : i32 to vector<16xi32>
        %add3A_158 = arith.constant 3 : i32
        %add3A_159 = arith.addi %multiple_of3A, %add3A_158 : i32
        %add3A_160 = vector.broadcast %add3A_159 : i32 to vector<16xi32>
        %add3A_161 = arith.addi %broadcast_in_dim3A_157, %add3A_160 : vector<16xi32>
        %broadcast_in_dim3A_162 = arith.constant 0 : i32
        %broadcast_in_dim3A_163 = vector.broadcast %broadcast_in_dim3A_162 : i32 to vector<16xi32>
        %slice3A_164 = vector.extract_strided_slice %and3A_28 {offsets = [3], sizes = [1], strides = [1]} : vector<16xi32> to vector<1xi32>
        %squeeze3A_165 = vector.extract %slice3A_164[0] : i32 from vector<1xi32>
        %add3A_166 = vector.broadcast %squeeze3A_165 : i32 to vector<16xi32>
        %add3A_167 = arith.addi %broadcast_in_dim3A_163, %add3A_166 : vector<16xi32>
        %gather3A_168 = tpu.vector_load_idx %arg10[%add3A_155, %iota3A, %add3A_167] : memref<32x16x128xf32, #tpu.memory_space<vmem>>[vector<16xi32>, vector<16xi32>, vector<16xi32>], vector<16xf32>,
        tpu.vector_store_idx %arg12[%iota3A, %add3A_161], %gather3A_168 : memref<16x512xf32, #tpu.memory_space<vmem>>[vector<16xi32>, vector<16xi32>], vector<16xf32>,
        %add3A_169 = arith.constant 4 : i32
        %add3A_170 = arith.addi %mul3A_33, %add3A_169 : i32
        %dma_wait3A_171 = arith.constant 0 : i32
        %dma_wait3A_172 = arith.constant 0 : i32
        %dma_wait3A_173 = tpu.memref_slice %arg10[%add3A_170, %dma_wait3A_171, %dma_wait3A_172] : memref<32x16x128xf32, #tpu.memory_space<vmem>> -> memref<1x16x128xf32, #tpu.memory_space<vmem>>
        %dma_wait3A_174 = tpu.memref_squeeze %dma_wait3A_173 : memref<1x16x128xf32, #tpu.memory_space<vmem>> -> memref<16x128xf32, #tpu.memory_space<vmem>>
        %dma_wait3A_175 = arith.constant 0 : i32
        %dma_wait3A_176 = arith.constant 0 : i32
        %dma_wait3A_177 = tpu.memref_slice %arg3[%dma_wait3A_175, %dma_wait3A_176] : memref<16x1000000xf32, #tpu.memory_space<hbm>> -> memref<16x128xf32, #tpu.memory_space<hbm>>
        %dma_wait3A_178 = arith.constant 0 : i32
        %dma_wait3A_179 = arith.constant 0 : i32
        %dma_wait3A_180 = tpu.memref_slice %arg10[%add3A_170, %dma_wait3A_178, %dma_wait3A_179] : memref<32x16x128xf32, #tpu.memory_space<vmem>> -> memref<1x16x128xf32, #tpu.memory_space<vmem>>
        %dma_wait3A_181 = tpu.memref_squeeze %dma_wait3A_180 : memref<1x16x128xf32, #tpu.memory_space<vmem>> -> memref<16x128xf32, #tpu.memory_space<vmem>>
        %dma_wait3A_182 = arith.constant 0 : i32
        %dma_wait3A_183 = arith.constant 0 : i32
        %dma_wait3A_184 = tpu.memref_slice %arg3[%dma_wait3A_182, %dma_wait3A_183] : memref<16x1000000xf32, #tpu.memory_space<hbm>> -> memref<16x128xf32, #tpu.memory_space<hbm>>
        tpu.wait_dma2 semaphore(%arg13 : memref<!tpu.dma_semaphore, #tpu.memory_space<semaphore_mem>>) src(%dma_wait3A_184 : memref<16x128xf32, #tpu.memory_space<hbm>>) dst(%dma_wait3A_181 : memref<16x128xf32, #tpu.memory_space<vmem>>)
        %broadcast_in_dim3A_185 = arith.constant 0 : i32
        %broadcast_in_dim3A_186 = vector.broadcast %broadcast_in_dim3A_185 : i32 to vector<16xi32>
        %add3A_187 = arith.constant 4 : i32
        %add3A_188 = arith.addi %mul3A_33, %add3A_187 : i32
        %add3A_189 = vector.broadcast %add3A_188 : i32 to vector<16xi32>
        %add3A_190 = arith.addi %broadcast_in_dim3A_186, %add3A_189 : vector<16xi32>
        %broadcast_in_dim3A_191 = arith.constant 0 : i32
        %broadcast_in_dim3A_192 = vector.broadcast %broadcast_in_dim3A_191 : i32 to vector<16xi32>
        %add3A_193 = arith.constant 4 : i32
        %add3A_194 = arith.addi %multiple_of3A, %add3A_193 : i32
        %add3A_195 = vector.broadcast %add3A_194 : i32 to vector<16xi32>
        %add3A_196 = arith.addi %broadcast_in_dim3A_192, %add3A_195 : vector<16xi32>
        %broadcast_in_dim3A_197 = arith.constant 0 : i32
        %broadcast_in_dim3A_198 = vector.broadcast %broadcast_in_dim3A_197 : i32 to vector<16xi32>
        %slice3A_199 = vector.extract_strided_slice %and3A_28 {offsets = [4], sizes = [1], strides = [1]} : vector<16xi32> to vector<1xi32>
        %squeeze3A_200 = vector.extract %slice3A_199[0] : i32 from vector<1xi32>
        %add3A_201 = vector.broadcast %squeeze3A_200 : i32 to vector<16xi32>
        %add3A_202 = arith.addi %broadcast_in_dim3A_198, %add3A_201 : vector<16xi32>
        %gather3A_203 = tpu.vector_load_idx %arg10[%add3A_190, %iota3A, %add3A_202] : memref<32x16x128xf32, #tpu.memory_space<vmem>>[vector<16xi32>, vector<16xi32>, vector<16xi32>], vector<16xf32>,
        tpu.vector_store_idx %arg12[%iota3A, %add3A_196], %gather3A_203 : memref<16x512xf32, #tpu.memory_space<vmem>>[vector<16xi32>, vector<16xi32>], vector<16xf32>,
        %add3A_204 = arith.constant 5 : i32
        %add3A_205 = arith.addi %mul3A_33, %add3A_204 : i32
        %dma_wait3A_206 = arith.constant 0 : i32
        %dma_wait3A_207 = arith.constant 0 : i32
        %dma_wait3A_208 = tpu.memref_slice %arg10[%add3A_205, %dma_wait3A_206, %dma_wait3A_207] : memref<32x16x128xf32, #tpu.memory_space<vmem>> -> memref<1x16x128xf32, #tpu.memory_space<vmem>>
        %dma_wait3A_209 = tpu.memref_squeeze %dma_wait3A_208 : memref<1x16x128xf32, #tpu.memory_space<vmem>> -> memref<16x128xf32, #tpu.memory_space<vmem>>
        %dma_wait3A_210 = arith.constant 0 : i32
        %dma_wait3A_211 = arith.constant 0 : i32
        %dma_wait3A_212 = tpu.memref_slice %arg3[%dma_wait3A_210, %dma_wait3A_211] : memref<16x1000000xf32, #tpu.memory_space<hbm>> -> memref<16x128xf32, #tpu.memory_space<hbm>>
        %dma_wait3A_213 = arith.constant 0 : i32
        %dma_wait3A_214 = arith.constant 0 : i32
        %dma_wait3A_215 = tpu.memref_slice %arg10[%add3A_205, %dma_wait3A_213, %dma_wait3A_214] : memref<32x16x128xf32, #tpu.memory_space<vmem>> -> memref<1x16x128xf32, #tpu.memory_space<vmem>>
        %dma_wait3A_216 = tpu.memref_squeeze %dma_wait3A_215 : memref<1x16x128xf32, #tpu.memory_space<vmem>> -> memref<16x128xf32, #tpu.memory_space<vmem>>
        %dma_wait3A_217 = arith.constant 0 : i32
        %dma_wait3A_218 = arith.constant 0 : i32
        %dma_wait3A_219 = tpu.memref_slice %arg3[%dma_wait3A_217, %dma_wait3A_218] : memref<16x1000000xf32, #tpu.memory_space<hbm>> -> memref<16x128xf32, #tpu.memory_space<hbm>>
        tpu.wait_dma2 semaphore(%arg13 : memref<!tpu.dma_semaphore, #tpu.memory_space<semaphore_mem>>) src(%dma_wait3A_219 : memref<16x128xf32, #tpu.memory_space<hbm>>) dst(%dma_wait3A_216 : memref<16x128xf32, #tpu.memory_space<vmem>>)
        %broadcast_in_dim3A_220 = arith.constant 0 : i32
        %broadcast_in_dim3A_221 = vector.broadcast %broadcast_in_dim3A_220 : i32 to vector<16xi32>
        %add3A_222 = arith.constant 5 : i32
        %add3A_223 = arith.addi %mul3A_33, %add3A_222 : i32
        %add3A_224 = vector.broadcast %add3A_223 : i32 to vector<16xi32>
        %add3A_225 = arith.addi %broadcast_in_dim3A_221, %add3A_224 : vector<16xi32>
        %broadcast_in_dim3A_226 = arith.constant 0 : i32
        %broadcast_in_dim3A_227 = vector.broadcast %broadcast_in_dim3A_226 : i32 to vector<16xi32>
        %add3A_228 = arith.constant 5 : i32
        %add3A_229 = arith.addi %multiple_of3A, %add3A_228 : i32
        %add3A_230 = vector.broadcast %add3A_229 : i32 to vector<16xi32>
        %add3A_231 = arith.addi %broadcast_in_dim3A_227, %add3A_230 : vector<16xi32>
        %broadcast_in_dim3A_232 = arith.constant 0 : i32
        %broadcast_in_dim3A_233 = vector.broadcast %broadcast_in_dim3A_232 : i32 to vector<16xi32>
        %slice3A_234 = vector.extract_strided_slice %and3A_28 {offsets = [5], sizes = [1], strides = [1]} : vector<16xi32> to vector<1xi32>
        %squeeze3A_235 = vector.extract %slice3A_234[0] : i32 from vector<1xi32>
        %add3A_236 = vector.broadcast %squeeze3A_235 : i32 to vector<16xi32>
        %add3A_237 = arith.addi %broadcast_in_dim3A_233, %add3A_236 : vector<16xi32>
        %gather3A_238 = tpu.vector_load_idx %arg10[%add3A_225, %iota3A, %add3A_237] : memref<32x16x128xf32, #tpu.memory_space<vmem>>[vector<16xi32>, vector<16xi32>, vector<16xi32>], vector<16xf32>,
        tpu.vector_store_idx %arg12[%iota3A, %add3A_231], %gather3A_238 : memref<16x512xf32, #tpu.memory_space<vmem>>[vector<16xi32>, vector<16xi32>], vector<16xf32>,
        %add3A_239 = arith.constant 6 : i32
        %add3A_240 = arith.addi %mul3A_33, %add3A_239 : i32
        %dma_wait3A_241 = arith.constant 0 : i32
        %dma_wait3A_242 = arith.constant 0 : i32
        %dma_wait3A_243 = tpu.memref_slice %arg10[%add3A_240, %dma_wait3A_241, %dma_wait3A_242] : memref<32x16x128xf32, #tpu.memory_space<vmem>> -> memref<1x16x128xf32, #tpu.memory_space<vmem>>
        %dma_wait3A_244 = tpu.memref_squeeze %dma_wait3A_243 : memref<1x16x128xf32, #tpu.memory_space<vmem>> -> memref<16x128xf32, #tpu.memory_space<vmem>>
        %dma_wait3A_245 = arith.constant 0 : i32
        %dma_wait3A_246 = arith.constant 0 : i32
        %dma_wait3A_247 = tpu.memref_slice %arg3[%dma_wait3A_245, %dma_wait3A_246] : memref<16x1000000xf32, #tpu.memory_space<hbm>> -> memref<16x128xf32, #tpu.memory_space<hbm>>
        %dma_wait3A_248 = arith.constant 0 : i32
        %dma_wait3A_249 = arith.constant 0 : i32
        %dma_wait3A_250 = tpu.memref_slice %arg10[%add3A_240, %dma_wait3A_248, %dma_wait3A_249] : memref<32x16x128xf32, #tpu.memory_space<vmem>> -> memref<1x16x128xf32, #tpu.memory_space<vmem>>
        %dma_wait3A_251 = tpu.memref_squeeze %dma_wait3A_250 : memref<1x16x128xf32, #tpu.memory_space<vmem>> -> memref<16x128xf32, #tpu.memory_space<vmem>>
        %dma_wait3A_252 = arith.constant 0 : i32
        %dma_wait3A_253 = arith.constant 0 : i32
        %dma_wait3A_254 = tpu.memref_slice %arg3[%dma_wait3A_252, %dma_wait3A_253] : memref<16x1000000xf32, #tpu.memory_space<hbm>> -> memref<16x128xf32, #tpu.memory_space<hbm>>
        tpu.wait_dma2 semaphore(%arg13 : memref<!tpu.dma_semaphore, #tpu.memory_space<semaphore_mem>>) src(%dma_wait3A_254 : memref<16x128xf32, #tpu.memory_space<hbm>>) dst(%dma_wait3A_251 : memref<16x128xf32, #tpu.memory_space<vmem>>)
        %broadcast_in_dim3A_255 = arith.constant 0 : i32
        %broadcast_in_dim3A_256 = vector.broadcast %broadcast_in_dim3A_255 : i32 to vector<16xi32>
        %add3A_257 = arith.constant 6 : i32
        %add3A_258 = arith.addi %mul3A_33, %add3A_257 : i32
        %add3A_259 = vector.broadcast %add3A_258 : i32 to vector<16xi32>
        %add3A_260 = arith.addi %broadcast_in_dim3A_256, %add3A_259 : vector<16xi32>
        %broadcast_in_dim3A_261 = arith.constant 0 : i32
        %broadcast_in_dim3A_262 = vector.broadcast %broadcast_in_dim3A_261 : i32 to vector<16xi32>
        %add3A_263 = arith.constant 6 : i32
        %add3A_264 = arith.addi %multiple_of3A, %add3A_263 : i32
        %add3A_265 = vector.broadcast %add3A_264 : i32 to vector<16xi32>
        %add3A_266 = arith.addi %broadcast_in_dim3A_262, %add3A_265 : vector<16xi32>
        %broadcast_in_dim3A_267 = arith.constant 0 : i32
        %broadcast_in_dim3A_268 = vector.broadcast %broadcast_in_dim3A_267 : i32 to vector<16xi32>
        %slice3A_269 = vector.extract_strided_slice %and3A_28 {offsets = [6], sizes = [1], strides = [1]} : vector<16xi32> to vector<1xi32>
        %squeeze3A_270 = vector.extract %slice3A_269[0] : i32 from vector<1xi32>
        %add3A_271 = vector.broadcast %squeeze3A_270 : i32 to vector<16xi32>
        %add3A_272 = arith.addi %broadcast_in_dim3A_268, %add3A_271 : vector<16xi32>
        %gather3A_273 = tpu.vector_load_idx %arg10[%add3A_260, %iota3A, %add3A_272] : memref<32x16x128xf32, #tpu.memory_space<vmem>>[vector<16xi32>, vector<16xi32>, vector<16xi32>], vector<16xf32>,
        tpu.vector_store_idx %arg12[%iota3A, %add3A_266], %gather3A_273 : memref<16x512xf32, #tpu.memory_space<vmem>>[vector<16xi32>, vector<16xi32>], vector<16xf32>,
        %add3A_274 = arith.constant 7 : i32
        %add3A_275 = arith.addi %mul3A_33, %add3A_274 : i32
        %dma_wait3A_276 = arith.constant 0 : i32
        %dma_wait3A_277 = arith.constant 0 : i32
        %dma_wait3A_278 = tpu.memref_slice %arg10[%add3A_275, %dma_wait3A_276, %dma_wait3A_277] : memref<32x16x128xf32, #tpu.memory_space<vmem>> -> memref<1x16x128xf32, #tpu.memory_space<vmem>>
        %dma_wait3A_279 = tpu.memref_squeeze %dma_wait3A_278 : memref<1x16x128xf32, #tpu.memory_space<vmem>> -> memref<16x128xf32, #tpu.memory_space<vmem>>
        %dma_wait3A_280 = arith.constant 0 : i32
        %dma_wait3A_281 = arith.constant 0 : i32
        %dma_wait3A_282 = tpu.memref_slice %arg3[%dma_wait3A_280, %dma_wait3A_281] : memref<16x1000000xf32, #tpu.memory_space<hbm>> -> memref<16x128xf32, #tpu.memory_space<hbm>>
        %dma_wait3A_283 = arith.constant 0 : i32
        %dma_wait3A_284 = arith.constant 0 : i32
        %dma_wait3A_285 = tpu.memref_slice %arg10[%add3A_275, %dma_wait3A_283, %dma_wait3A_284] : memref<32x16x128xf32, #tpu.memory_space<vmem>> -> memref<1x16x128xf32, #tpu.memory_space<vmem>>
        %dma_wait3A_286 = tpu.memref_squeeze %dma_wait3A_285 : memref<1x16x128xf32, #tpu.memory_space<vmem>> -> memref<16x128xf32, #tpu.memory_space<vmem>>
        %dma_wait3A_287 = arith.constant 0 : i32
        %dma_wait3A_288 = arith.constant 0 : i32
        %dma_wait3A_289 = tpu.memref_slice %arg3[%dma_wait3A_287, %dma_wait3A_288] : memref<16x1000000xf32, #tpu.memory_space<hbm>> -> memref<16x128xf32, #tpu.memory_space<hbm>>
        tpu.wait_dma2 semaphore(%arg13 : memref<!tpu.dma_semaphore, #tpu.memory_space<semaphore_mem>>) src(%dma_wait3A_289 : memref<16x128xf32, #tpu.memory_space<hbm>>) dst(%dma_wait3A_286 : memref<16x128xf32, #tpu.memory_space<vmem>>)
        %broadcast_in_dim3A_290 = arith.constant 0 : i32
        %broadcast_in_dim3A_291 = vector.broadcast %broadcast_in_dim3A_290 : i32 to vector<16xi32>
        %add3A_292 = arith.constant 7 : i32
        %add3A_293 = arith.addi %mul3A_33, %add3A_292 : i32
        %add3A_294 = vector.broadcast %add3A_293 : i32 to vector<16xi32>
        %add3A_295 = arith.addi %broadcast_in_dim3A_291, %add3A_294 : vector<16xi32>
        %broadcast_in_dim3A_296 = arith.constant 0 : i32
        %broadcast_in_dim3A_297 = vector.broadcast %broadcast_in_dim3A_296 : i32 to vector<16xi32>
        %add3A_298 = arith.constant 7 : i32
        %add3A_299 = arith.addi %multiple_of3A, %add3A_298 : i32
        %add3A_300 = vector.broadcast %add3A_299 : i32 to vector<16xi32>
        %add3A_301 = arith.addi %broadcast_in_dim3A_297, %add3A_300 : vector<16xi32>
        %broadcast_in_dim3A_302 = arith.constant 0 : i32
        %broadcast_in_dim3A_303 = vector.broadcast %broadcast_in_dim3A_302 : i32 to vector<16xi32>
        %slice3A_304 = vector.extract_strided_slice %and3A_28 {offsets = [7], sizes = [1], strides = [1]} : vector<16xi32> to vector<1xi32>
        %squeeze3A_305 = vector.extract %slice3A_304[0] : i32 from vector<1xi32>
        %add3A_306 = vector.broadcast %squeeze3A_305 : i32 to vector<16xi32>
        %add3A_307 = arith.addi %broadcast_in_dim3A_303, %add3A_306 : vector<16xi32>
        %gather3A_308 = tpu.vector_load_idx %arg10[%add3A_295, %iota3A, %add3A_307] : memref<32x16x128xf32, #tpu.memory_space<vmem>>[vector<16xi32>, vector<16xi32>, vector<16xi32>], vector<16xf32>,
        tpu.vector_store_idx %arg12[%iota3A, %add3A_301], %gather3A_308 : memref<16x512xf32, #tpu.memory_space<vmem>>[vector<16xi32>, vector<16xi32>], vector<16xf32>,
        %add3A_309 = arith.constant 8 : i32
        %add3A_310 = arith.addi %mul3A_33, %add3A_309 : i32
        %dma_wait3A_311 = arith.constant 0 : i32
        %dma_wait3A_312 = arith.constant 0 : i32
        %dma_wait3A_313 = tpu.memref_slice %arg10[%add3A_310, %dma_wait3A_311, %dma_wait3A_312] : memref<32x16x128xf32, #tpu.memory_space<vmem>> -> memref<1x16x128xf32, #tpu.memory_space<vmem>>
        %dma_wait3A_314 = tpu.memref_squeeze %dma_wait3A_313 : memref<1x16x128xf32, #tpu.memory_space<vmem>> -> memref<16x128xf32, #tpu.memory_space<vmem>>
        %dma_wait3A_315 = arith.constant 0 : i32
        %dma_wait3A_316 = arith.constant 0 : i32
        %dma_wait3A_317 = tpu.memref_slice %arg3[%dma_wait3A_315, %dma_wait3A_316] : memref<16x1000000xf32, #tpu.memory_space<hbm>> -> memref<16x128xf32, #tpu.memory_space<hbm>>
        %dma_wait3A_318 = arith.constant 0 : i32
        %dma_wait3A_319 = arith.constant 0 : i32
        %dma_wait3A_320 = tpu.memref_slice %arg10[%add3A_310, %dma_wait3A_318, %dma_wait3A_319] : memref<32x16x128xf32, #tpu.memory_space<vmem>> -> memref<1x16x128xf32, #tpu.memory_space<vmem>>
        %dma_wait3A_321 = tpu.memref_squeeze %dma_wait3A_320 : memref<1x16x128xf32, #tpu.memory_space<vmem>> -> memref<16x128xf32, #tpu.memory_space<vmem>>
        %dma_wait3A_322 = arith.constant 0 : i32
        %dma_wait3A_323 = arith.constant 0 : i32
        %dma_wait3A_324 = tpu.memref_slice %arg3[%dma_wait3A_322, %dma_wait3A_323] : memref<16x1000000xf32, #tpu.memory_space<hbm>> -> memref<16x128xf32, #tpu.memory_space<hbm>>
        tpu.wait_dma2 semaphore(%arg13 : memref<!tpu.dma_semaphore, #tpu.memory_space<semaphore_mem>>) src(%dma_wait3A_324 : memref<16x128xf32, #tpu.memory_space<hbm>>) dst(%dma_wait3A_321 : memref<16x128xf32, #tpu.memory_space<vmem>>)
        %broadcast_in_dim3A_325 = arith.constant 0 : i32
        %broadcast_in_dim3A_326 = vector.broadcast %broadcast_in_dim3A_325 : i32 to vector<16xi32>
        %add3A_327 = arith.constant 8 : i32
        %add3A_328 = arith.addi %mul3A_33, %add3A_327 : i32
        %add3A_329 = vector.broadcast %add3A_328 : i32 to vector<16xi32>
        %add3A_330 = arith.addi %broadcast_in_dim3A_326, %add3A_329 : vector<16xi32>
        %broadcast_in_dim3A_331 = arith.constant 0 : i32
        %broadcast_in_dim3A_332 = vector.broadcast %broadcast_in_dim3A_331 : i32 to vector<16xi32>
        %add3A_333 = arith.constant 8 : i32
        %add3A_334 = arith.addi %multiple_of3A, %add3A_333 : i32
        %add3A_335 = vector.broadcast %add3A_334 : i32 to vector<16xi32>
        %add3A_336 = arith.addi %broadcast_in_dim3A_332, %add3A_335 : vector<16xi32>
        %broadcast_in_dim3A_337 = arith.constant 0 : i32
        %broadcast_in_dim3A_338 = vector.broadcast %broadcast_in_dim3A_337 : i32 to vector<16xi32>
        %slice3A_339 = vector.extract_strided_slice %and3A_28 {offsets = [8], sizes = [1], strides = [1]} : vector<16xi32> to vector<1xi32>
        %squeeze3A_340 = vector.extract %slice3A_339[0] : i32 from vector<1xi32>
        %add3A_341 = vector.broadcast %squeeze3A_340 : i32 to vector<16xi32>
        %add3A_342 = arith.addi %broadcast_in_dim3A_338, %add3A_341 : vector<16xi32>
        %gather3A_343 = tpu.vector_load_idx %arg10[%add3A_330, %iota3A, %add3A_342] : memref<32x16x128xf32, #tpu.memory_space<vmem>>[vector<16xi32>, vector<16xi32>, vector<16xi32>], vector<16xf32>,
        tpu.vector_store_idx %arg12[%iota3A, %add3A_336], %gather3A_343 : memref<16x512xf32, #tpu.memory_space<vmem>>[vector<16xi32>, vector<16xi32>], vector<16xf32>,
        %add3A_344 = arith.constant 9 : i32
        %add3A_345 = arith.addi %mul3A_33, %add3A_344 : i32
        %dma_wait3A_346 = arith.constant 0 : i32
        %dma_wait3A_347 = arith.constant 0 : i32
        %dma_wait3A_348 = tpu.memref_slice %arg10[%add3A_345, %dma_wait3A_346, %dma_wait3A_347] : memref<32x16x128xf32, #tpu.memory_space<vmem>> -> memref<1x16x128xf32, #tpu.memory_space<vmem>>
        %dma_wait3A_349 = tpu.memref_squeeze %dma_wait3A_348 : memref<1x16x128xf32, #tpu.memory_space<vmem>> -> memref<16x128xf32, #tpu.memory_space<vmem>>
        %dma_wait3A_350 = arith.constant 0 : i32
        %dma_wait3A_351 = arith.constant 0 : i32
        %dma_wait3A_352 = tpu.memref_slice %arg3[%dma_wait3A_350, %dma_wait3A_351] : memref<16x1000000xf32, #tpu.memory_space<hbm>> -> memref<16x128xf32, #tpu.memory_space<hbm>>
        %dma_wait3A_353 = arith.constant 0 : i32
        %dma_wait3A_354 = arith.constant 0 : i32
        %dma_wait3A_355 = tpu.memref_slice %arg10[%add3A_345, %dma_wait3A_353, %dma_wait3A_354] : memref<32x16x128xf32, #tpu.memory_space<vmem>> -> memref<1x16x128xf32, #tpu.memory_space<vmem>>
        %dma_wait3A_356 = tpu.memref_squeeze %dma_wait3A_355 : memref<1x16x128xf32, #tpu.memory_space<vmem>> -> memref<16x128xf32, #tpu.memory_space<vmem>>
        %dma_wait3A_357 = arith.constant 0 : i32
        %dma_wait3A_358 = arith.constant 0 : i32
        %dma_wait3A_359 = tpu.memref_slice %arg3[%dma_wait3A_357, %dma_wait3A_358] : memref<16x1000000xf32, #tpu.memory_space<hbm>> -> memref<16x128xf32, #tpu.memory_space<hbm>>
        tpu.wait_dma2 semaphore(%arg13 : memref<!tpu.dma_semaphore, #tpu.memory_space<semaphore_mem>>) src(%dma_wait3A_359 : memref<16x128xf32, #tpu.memory_space<hbm>>) dst(%dma_wait3A_356 : memref<16x128xf32, #tpu.memory_space<vmem>>)
        %broadcast_in_dim3A_360 = arith.constant 0 : i32
        %broadcast_in_dim3A_361 = vector.broadcast %broadcast_in_dim3A_360 : i32 to vector<16xi32>
        %add3A_362 = arith.constant 9 : i32
        %add3A_363 = arith.addi %mul3A_33, %add3A_362 : i32
        %add3A_364 = vector.broadcast %add3A_363 : i32 to vector<16xi32>
        %add3A_365 = arith.addi %broadcast_in_dim3A_361, %add3A_364 : vector<16xi32>
        %broadcast_in_dim3A_366 = arith.constant 0 : i32
        %broadcast_in_dim3A_367 = vector.broadcast %broadcast_in_dim3A_366 : i32 to vector<16xi32>
        %add3A_368 = arith.constant 9 : i32
        %add3A_369 = arith.addi %multiple_of3A, %add3A_368 : i32
        %add3A_370 = vector.broadcast %add3A_369 : i32 to vector<16xi32>
        %add3A_371 = arith.addi %broadcast_in_dim3A_367, %add3A_370 : vector<16xi32>
        %broadcast_in_dim3A_372 = arith.constant 0 : i32
        %broadcast_in_dim3A_373 = vector.broadcast %broadcast_in_dim3A_372 : i32 to vector<16xi32>
        %slice3A_374 = vector.extract_strided_slice %and3A_28 {offsets = [9], sizes = [1], strides = [1]} : vector<16xi32> to vector<1xi32>
        %squeeze3A_375 = vector.extract %slice3A_374[0] : i32 from vector<1xi32>
        %add3A_376 = vector.broadcast %squeeze3A_375 : i32 to vector<16xi32>
        %add3A_377 = arith.addi %broadcast_in_dim3A_373, %add3A_376 : vector<16xi32>
        %gather3A_378 = tpu.vector_load_idx %arg10[%add3A_365, %iota3A, %add3A_377] : memref<32x16x128xf32, #tpu.memory_space<vmem>>[vector<16xi32>, vector<16xi32>, vector<16xi32>], vector<16xf32>,
        tpu.vector_store_idx %arg12[%iota3A, %add3A_371], %gather3A_378 : memref<16x512xf32, #tpu.memory_space<vmem>>[vector<16xi32>, vector<16xi32>], vector<16xf32>,
        %add3A_379 = arith.constant 10 : i32
        %add3A_380 = arith.addi %mul3A_33, %add3A_379 : i32
        %dma_wait3A_381 = arith.constant 0 : i32
        %dma_wait3A_382 = arith.constant 0 : i32
        %dma_wait3A_383 = tpu.memref_slice %arg10[%add3A_380, %dma_wait3A_381, %dma_wait3A_382] : memref<32x16x128xf32, #tpu.memory_space<vmem>> -> memref<1x16x128xf32, #tpu.memory_space<vmem>>
        %dma_wait3A_384 = tpu.memref_squeeze %dma_wait3A_383 : memref<1x16x128xf32, #tpu.memory_space<vmem>> -> memref<16x128xf32, #tpu.memory_space<vmem>>
        %dma_wait3A_385 = arith.constant 0 : i32
        %dma_wait3A_386 = arith.constant 0 : i32
        %dma_wait3A_387 = tpu.memref_slice %arg3[%dma_wait3A_385, %dma_wait3A_386] : memref<16x1000000xf32, #tpu.memory_space<hbm>> -> memref<16x128xf32, #tpu.memory_space<hbm>>
        %dma_wait3A_388 = arith.constant 0 : i32
        %dma_wait3A_389 = arith.constant 0 : i32
        %dma_wait3A_390 = tpu.memref_slice %arg10[%add3A_380, %dma_wait3A_388, %dma_wait3A_389] : memref<32x16x128xf32, #tpu.memory_space<vmem>> -> memref<1x16x128xf32, #tpu.memory_space<vmem>>
        %dma_wait3A_391 = tpu.memref_squeeze %dma_wait3A_390 : memref<1x16x128xf32, #tpu.memory_space<vmem>> -> memref<16x128xf32, #tpu.memory_space<vmem>>
        %dma_wait3A_392 = arith.constant 0 : i32
        %dma_wait3A_393 = arith.constant 0 : i32
        %dma_wait3A_394 = tpu.memref_slice %arg3[%dma_wait3A_392, %dma_wait3A_393] : memref<16x1000000xf32, #tpu.memory_space<hbm>> -> memref<16x128xf32, #tpu.memory_space<hbm>>
        tpu.wait_dma2 semaphore(%arg13 : memref<!tpu.dma_semaphore, #tpu.memory_space<semaphore_mem>>) src(%dma_wait3A_394 : memref<16x128xf32, #tpu.memory_space<hbm>>) dst(%dma_wait3A_391 : memref<16x128xf32, #tpu.memory_space<vmem>>)
        %broadcast_in_dim3A_395 = arith.constant 0 : i32
        %broadcast_in_dim3A_396 = vector.broadcast %broadcast_in_dim3A_395 : i32 to vector<16xi32>
        %add3A_397 = arith.constant 10 : i32
        %add3A_398 = arith.addi %mul3A_33, %add3A_397 : i32
        %add3A_399 = vector.broadcast %add3A_398 : i32 to vector<16xi32>
        %add3A_400 = arith.addi %broadcast_in_dim3A_396, %add3A_399 : vector<16xi32>
        %broadcast_in_dim3A_401 = arith.constant 0 : i32
        %broadcast_in_dim3A_402 = vector.broadcast %broadcast_in_dim3A_401 : i32 to vector<16xi32>
        %add3A_403 = arith.constant 10 : i32
        %add3A_404 = arith.addi %multiple_of3A, %add3A_403 : i32
        %add3A_405 = vector.broadcast %add3A_404 : i32 to vector<16xi32>
        %add3A_406 = arith.addi %broadcast_in_dim3A_402, %add3A_405 : vector<16xi32>
        %broadcast_in_dim3A_407 = arith.constant 0 : i32
        %broadcast_in_dim3A_408 = vector.broadcast %broadcast_in_dim3A_407 : i32 to vector<16xi32>
        %slice3A_409 = vector.extract_strided_slice %and3A_28 {offsets = [10], sizes = [1], strides = [1]} : vector<16xi32> to vector<1xi32>
        %squeeze3A_410 = vector.extract %slice3A_409[0] : i32 from vector<1xi32>
        %add3A_411 = vector.broadcast %squeeze3A_410 : i32 to vector<16xi32>
        %add3A_412 = arith.addi %broadcast_in_dim3A_408, %add3A_411 : vector<16xi32>
        %gather3A_413 = tpu.vector_load_idx %arg10[%add3A_400, %iota3A, %add3A_412] : memref<32x16x128xf32, #tpu.memory_space<vmem>>[vector<16xi32>, vector<16xi32>, vector<16xi32>], vector<16xf32>,
        tpu.vector_store_idx %arg12[%iota3A, %add3A_406], %gather3A_413 : memref<16x512xf32, #tpu.memory_space<vmem>>[vector<16xi32>, vector<16xi32>], vector<16xf32>,
        %add3A_414 = arith.constant 11 : i32
        %add3A_415 = arith.addi %mul3A_33, %add3A_414 : i32
        %dma_wait3A_416 = arith.constant 0 : i32
        %dma_wait3A_417 = arith.constant 0 : i32
        %dma_wait3A_418 = tpu.memref_slice %arg10[%add3A_415, %dma_wait3A_416, %dma_wait3A_417] : memref<32x16x128xf32, #tpu.memory_space<vmem>> -> memref<1x16x128xf32, #tpu.memory_space<vmem>>
        %dma_wait3A_419 = tpu.memref_squeeze %dma_wait3A_418 : memref<1x16x128xf32, #tpu.memory_space<vmem>> -> memref<16x128xf32, #tpu.memory_space<vmem>>
        %dma_wait3A_420 = arith.constant 0 : i32
        %dma_wait3A_421 = arith.constant 0 : i32
        %dma_wait3A_422 = tpu.memref_slice %arg3[%dma_wait3A_420, %dma_wait3A_421] : memref<16x1000000xf32, #tpu.memory_space<hbm>> -> memref<16x128xf32, #tpu.memory_space<hbm>>
        %dma_wait3A_423 = arith.constant 0 : i32
        %dma_wait3A_424 = arith.constant 0 : i32
        %dma_wait3A_425 = tpu.memref_slice %arg10[%add3A_415, %dma_wait3A_423, %dma_wait3A_424] : memref<32x16x128xf32, #tpu.memory_space<vmem>> -> memref<1x16x128xf32, #tpu.memory_space<vmem>>
        %dma_wait3A_426 = tpu.memref_squeeze %dma_wait3A_425 : memref<1x16x128xf32, #tpu.memory_space<vmem>> -> memref<16x128xf32, #tpu.memory_space<vmem>>
        %dma_wait3A_427 = arith.constant 0 : i32
        %dma_wait3A_428 = arith.constant 0 : i32
        %dma_wait3A_429 = tpu.memref_slice %arg3[%dma_wait3A_427, %dma_wait3A_428] : memref<16x1000000xf32, #tpu.memory_space<hbm>> -> memref<16x128xf32, #tpu.memory_space<hbm>>
        tpu.wait_dma2 semaphore(%arg13 : memref<!tpu.dma_semaphore, #tpu.memory_space<semaphore_mem>>) src(%dma_wait3A_429 : memref<16x128xf32, #tpu.memory_space<hbm>>) dst(%dma_wait3A_426 : memref<16x128xf32, #tpu.memory_space<vmem>>)
        %broadcast_in_dim3A_430 = arith.constant 0 : i32
        %broadcast_in_dim3A_431 = vector.broadcast %broadcast_in_dim3A_430 : i32 to vector<16xi32>
        %add3A_432 = arith.constant 11 : i32
        %add3A_433 = arith.addi %mul3A_33, %add3A_432 : i32
        %add3A_434 = vector.broadcast %add3A_433 : i32 to vector<16xi32>
        %add3A_435 = arith.addi %broadcast_in_dim3A_431, %add3A_434 : vector<16xi32>
        %broadcast_in_dim3A_436 = arith.constant 0 : i32
        %broadcast_in_dim3A_437 = vector.broadcast %broadcast_in_dim3A_436 : i32 to vector<16xi32>
        %add3A_438 = arith.constant 11 : i32
        %add3A_439 = arith.addi %multiple_of3A, %add3A_438 : i32
        %add3A_440 = vector.broadcast %add3A_439 : i32 to vector<16xi32>
        %add3A_441 = arith.addi %broadcast_in_dim3A_437, %add3A_440 : vector<16xi32>
        %broadcast_in_dim3A_442 = arith.constant 0 : i32
        %broadcast_in_dim3A_443 = vector.broadcast %broadcast_in_dim3A_442 : i32 to vector<16xi32>
        %slice3A_444 = vector.extract_strided_slice %and3A_28 {offsets = [11], sizes = [1], strides = [1]} : vector<16xi32> to vector<1xi32>
        %squeeze3A_445 = vector.extract %slice3A_444[0] : i32 from vector<1xi32>
        %add3A_446 = vector.broadcast %squeeze3A_445 : i32 to vector<16xi32>
        %add3A_447 = arith.addi %broadcast_in_dim3A_443, %add3A_446 : vector<16xi32>
        %gather3A_448 = tpu.vector_load_idx %arg10[%add3A_435, %iota3A, %add3A_447] : memref<32x16x128xf32, #tpu.memory_space<vmem>>[vector<16xi32>, vector<16xi32>, vector<16xi32>], vector<16xf32>,
        tpu.vector_store_idx %arg12[%iota3A, %add3A_441], %gather3A_448 : memref<16x512xf32, #tpu.memory_space<vmem>>[vector<16xi32>, vector<16xi32>], vector<16xf32>,
        %add3A_449 = arith.constant 12 : i32
        %add3A_450 = arith.addi %mul3A_33, %add3A_449 : i32
        %dma_wait3A_451 = arith.constant 0 : i32
        %dma_wait3A_452 = arith.constant 0 : i32
        %dma_wait3A_453 = tpu.memref_slice %arg10[%add3A_450, %dma_wait3A_451, %dma_wait3A_452] : memref<32x16x128xf32, #tpu.memory_space<vmem>> -> memref<1x16x128xf32, #tpu.memory_space<vmem>>
        %dma_wait3A_454 = tpu.memref_squeeze %dma_wait3A_453 : memref<1x16x128xf32, #tpu.memory_space<vmem>> -> memref<16x128xf32, #tpu.memory_space<vmem>>
        %dma_wait3A_455 = arith.constant 0 : i32
        %dma_wait3A_456 = arith.constant 0 : i32
        %dma_wait3A_457 = tpu.memref_slice %arg3[%dma_wait3A_455, %dma_wait3A_456] : memref<16x1000000xf32, #tpu.memory_space<hbm>> -> memref<16x128xf32, #tpu.memory_space<hbm>>
        %dma_wait3A_458 = arith.constant 0 : i32
        %dma_wait3A_459 = arith.constant 0 : i32
        %dma_wait3A_460 = tpu.memref_slice %arg10[%add3A_450, %dma_wait3A_458, %dma_wait3A_459] : memref<32x16x128xf32, #tpu.memory_space<vmem>> -> memref<1x16x128xf32, #tpu.memory_space<vmem>>
        %dma_wait3A_461 = tpu.memref_squeeze %dma_wait3A_460 : memref<1x16x128xf32, #tpu.memory_space<vmem>> -> memref<16x128xf32, #tpu.memory_space<vmem>>
        %dma_wait3A_462 = arith.constant 0 : i32
        %dma_wait3A_463 = arith.constant 0 : i32
        %dma_wait3A_464 = tpu.memref_slice %arg3[%dma_wait3A_462, %dma_wait3A_463] : memref<16x1000000xf32, #tpu.memory_space<hbm>> -> memref<16x128xf32, #tpu.memory_space<hbm>>
        tpu.wait_dma2 semaphore(%arg13 : memref<!tpu.dma_semaphore, #tpu.memory_space<semaphore_mem>>) src(%dma_wait3A_464 : memref<16x128xf32, #tpu.memory_space<hbm>>) dst(%dma_wait3A_461 : memref<16x128xf32, #tpu.memory_space<vmem>>)
        %broadcast_in_dim3A_465 = arith.constant 0 : i32
        %broadcast_in_dim3A_466 = vector.broadcast %broadcast_in_dim3A_465 : i32 to vector<16xi32>
        %add3A_467 = arith.constant 12 : i32
        %add3A_468 = arith.addi %mul3A_33, %add3A_467 : i32
        %add3A_469 = vector.broadcast %add3A_468 : i32 to vector<16xi32>
        %add3A_470 = arith.addi %broadcast_in_dim3A_466, %add3A_469 : vector<16xi32>
        %broadcast_in_dim3A_471 = arith.constant 0 : i32
        %broadcast_in_dim3A_472 = vector.broadcast %broadcast_in_dim3A_471 : i32 to vector<16xi32>
        %add3A_473 = arith.constant 12 : i32
        %add3A_474 = arith.addi %multiple_of3A, %add3A_473 : i32
        %add3A_475 = vector.broadcast %add3A_474 : i32 to vector<16xi32>
        %add3A_476 = arith.addi %broadcast_in_dim3A_472, %add3A_475 : vector<16xi32>
        %broadcast_in_dim3A_477 = arith.constant 0 : i32
        %broadcast_in_dim3A_478 = vector.broadcast %broadcast_in_dim3A_477 : i32 to vector<16xi32>
        %slice3A_479 = vector.extract_strided_slice %and3A_28 {offsets = [12], sizes = [1], strides = [1]} : vector<16xi32> to vector<1xi32>
        %squeeze3A_480 = vector.extract %slice3A_479[0] : i32 from vector<1xi32>
        %add3A_481 = vector.broadcast %squeeze3A_480 : i32 to vector<16xi32>
        %add3A_482 = arith.addi %broadcast_in_dim3A_478, %add3A_481 : vector<16xi32>
        %gather3A_483 = tpu.vector_load_idx %arg10[%add3A_470, %iota3A, %add3A_482] : memref<32x16x128xf32, #tpu.memory_space<vmem>>[vector<16xi32>, vector<16xi32>, vector<16xi32>], vector<16xf32>,
        tpu.vector_store_idx %arg12[%iota3A, %add3A_476], %gather3A_483 : memref<16x512xf32, #tpu.memory_space<vmem>>[vector<16xi32>, vector<16xi32>], vector<16xf32>,
        %add3A_484 = arith.constant 13 : i32
        %add3A_485 = arith.addi %mul3A_33, %add3A_484 : i32
        %dma_wait3A_486 = arith.constant 0 : i32
        %dma_wait3A_487 = arith.constant 0 : i32
        %dma_wait3A_488 = tpu.memref_slice %arg10[%add3A_485, %dma_wait3A_486, %dma_wait3A_487] : memref<32x16x128xf32, #tpu.memory_space<vmem>> -> memref<1x16x128xf32, #tpu.memory_space<vmem>>
        %dma_wait3A_489 = tpu.memref_squeeze %dma_wait3A_488 : memref<1x16x128xf32, #tpu.memory_space<vmem>> -> memref<16x128xf32, #tpu.memory_space<vmem>>
        %dma_wait3A_490 = arith.constant 0 : i32
        %dma_wait3A_491 = arith.constant 0 : i32
        %dma_wait3A_492 = tpu.memref_slice %arg3[%dma_wait3A_490, %dma_wait3A_491] : memref<16x1000000xf32, #tpu.memory_space<hbm>> -> memref<16x128xf32, #tpu.memory_space<hbm>>
        %dma_wait3A_493 = arith.constant 0 : i32
        %dma_wait3A_494 = arith.constant 0 : i32
        %dma_wait3A_495 = tpu.memref_slice %arg10[%add3A_485, %dma_wait3A_493, %dma_wait3A_494] : memref<32x16x128xf32, #tpu.memory_space<vmem>> -> memref<1x16x128xf32, #tpu.memory_space<vmem>>
        %dma_wait3A_496 = tpu.memref_squeeze %dma_wait3A_495 : memref<1x16x128xf32, #tpu.memory_space<vmem>> -> memref<16x128xf32, #tpu.memory_space<vmem>>
        %dma_wait3A_497 = arith.constant 0 : i32
        %dma_wait3A_498 = arith.constant 0 : i32
        %dma_wait3A_499 = tpu.memref_slice %arg3[%dma_wait3A_497, %dma_wait3A_498] : memref<16x1000000xf32, #tpu.memory_space<hbm>> -> memref<16x128xf32, #tpu.memory_space<hbm>>
        tpu.wait_dma2 semaphore(%arg13 : memref<!tpu.dma_semaphore, #tpu.memory_space<semaphore_mem>>) src(%dma_wait3A_499 : memref<16x128xf32, #tpu.memory_space<hbm>>) dst(%dma_wait3A_496 : memref<16x128xf32, #tpu.memory_space<vmem>>)
        %broadcast_in_dim3A_500 = arith.constant 0 : i32
        %broadcast_in_dim3A_501 = vector.broadcast %broadcast_in_dim3A_500 : i32 to vector<16xi32>
        %add3A_502 = arith.constant 13 : i32
        %add3A_503 = arith.addi %mul3A_33, %add3A_502 : i32
        %add3A_504 = vector.broadcast %add3A_503 : i32 to vector<16xi32>
        %add3A_505 = arith.addi %broadcast_in_dim3A_501, %add3A_504 : vector<16xi32>
        %broadcast_in_dim3A_506 = arith.constant 0 : i32
        %broadcast_in_dim3A_507 = vector.broadcast %broadcast_in_dim3A_506 : i32 to vector<16xi32>
        %add3A_508 = arith.constant 13 : i32
        %add3A_509 = arith.addi %multiple_of3A, %add3A_508 : i32
        %add3A_510 = vector.broadcast %add3A_509 : i32 to vector<16xi32>
        %add3A_511 = arith.addi %broadcast_in_dim3A_507, %add3A_510 : vector<16xi32>
        %broadcast_in_dim3A_512 = arith.constant 0 : i32
        %broadcast_in_dim3A_513 = vector.broadcast %broadcast_in_dim3A_512 : i32 to vector<16xi32>
        %slice3A_514 = vector.extract_strided_slice %and3A_28 {offsets = [13], sizes = [1], strides = [1]} : vector<16xi32> to vector<1xi32>
        %squeeze3A_515 = vector.extract %slice3A_514[0] : i32 from vector<1xi32>
        %add3A_516 = vector.broadcast %squeeze3A_515 : i32 to vector<16xi32>
        %add3A_517 = arith.addi %broadcast_in_dim3A_513, %add3A_516 : vector<16xi32>
        %gather3A_518 = tpu.vector_load_idx %arg10[%add3A_505, %iota3A, %add3A_517] : memref<32x16x128xf32, #tpu.memory_space<vmem>>[vector<16xi32>, vector<16xi32>, vector<16xi32>], vector<16xf32>,
        tpu.vector_store_idx %arg12[%iota3A, %add3A_511], %gather3A_518 : memref<16x512xf32, #tpu.memory_space<vmem>>[vector<16xi32>, vector<16xi32>], vector<16xf32>,
        %add3A_519 = arith.constant 14 : i32
        %add3A_520 = arith.addi %mul3A_33, %add3A_519 : i32
        %dma_wait3A_521 = arith.constant 0 : i32
        %dma_wait3A_522 = arith.constant 0 : i32
        %dma_wait3A_523 = tpu.memref_slice %arg10[%add3A_520, %dma_wait3A_521, %dma_wait3A_522] : memref<32x16x128xf32, #tpu.memory_space<vmem>> -> memref<1x16x128xf32, #tpu.memory_space<vmem>>
        %dma_wait3A_524 = tpu.memref_squeeze %dma_wait3A_523 : memref<1x16x128xf32, #tpu.memory_space<vmem>> -> memref<16x128xf32, #tpu.memory_space<vmem>>
        %dma_wait3A_525 = arith.constant 0 : i32
        %dma_wait3A_526 = arith.constant 0 : i32
        %dma_wait3A_527 = tpu.memref_slice %arg3[%dma_wait3A_525, %dma_wait3A_526] : memref<16x1000000xf32, #tpu.memory_space<hbm>> -> memref<16x128xf32, #tpu.memory_space<hbm>>
        %dma_wait3A_528 = arith.constant 0 : i32
        %dma_wait3A_529 = arith.constant 0 : i32
        %dma_wait3A_530 = tpu.memref_slice %arg10[%add3A_520, %dma_wait3A_528, %dma_wait3A_529] : memref<32x16x128xf32, #tpu.memory_space<vmem>> -> memref<1x16x128xf32, #tpu.memory_space<vmem>>
        %dma_wait3A_531 = tpu.memref_squeeze %dma_wait3A_530 : memref<1x16x128xf32, #tpu.memory_space<vmem>> -> memref<16x128xf32, #tpu.memory_space<vmem>>
        %dma_wait3A_532 = arith.constant 0 : i32
        %dma_wait3A_533 = arith.constant 0 : i32
        %dma_wait3A_534 = tpu.memref_slice %arg3[%dma_wait3A_532, %dma_wait3A_533] : memref<16x1000000xf32, #tpu.memory_space<hbm>> -> memref<16x128xf32, #tpu.memory_space<hbm>>
        tpu.wait_dma2 semaphore(%arg13 : memref<!tpu.dma_semaphore, #tpu.memory_space<semaphore_mem>>) src(%dma_wait3A_534 : memref<16x128xf32, #tpu.memory_space<hbm>>) dst(%dma_wait3A_531 : memref<16x128xf32, #tpu.memory_space<vmem>>)
        %broadcast_in_dim3A_535 = arith.constant 0 : i32
        %broadcast_in_dim3A_536 = vector.broadcast %broadcast_in_dim3A_535 : i32 to vector<16xi32>
        %add3A_537 = arith.constant 14 : i32
        %add3A_538 = arith.addi %mul3A_33, %add3A_537 : i32
        %add3A_539 = vector.broadcast %add3A_538 : i32 to vector<16xi32>
        %add3A_540 = arith.addi %broadcast_in_dim3A_536, %add3A_539 : vector<16xi32>
        %broadcast_in_dim3A_541 = arith.constant 0 : i32
        %broadcast_in_dim3A_542 = vector.broadcast %broadcast_in_dim3A_541 : i32 to vector<16xi32>
        %add3A_543 = arith.constant 14 : i32
        %add3A_544 = arith.addi %multiple_of3A, %add3A_543 : i32
        %add3A_545 = vector.broadcast %add3A_544 : i32 to vector<16xi32>
        %add3A_546 = arith.addi %broadcast_in_dim3A_542, %add3A_545 : vector<16xi32>
        %broadcast_in_dim3A_547 = arith.constant 0 : i32
        %broadcast_in_dim3A_548 = vector.broadcast %broadcast_in_dim3A_547 : i32 to vector<16xi32>
        %slice3A_549 = vector.extract_strided_slice %and3A_28 {offsets = [14], sizes = [1], strides = [1]} : vector<16xi32> to vector<1xi32>
        %squeeze3A_550 = vector.extract %slice3A_549[0] : i32 from vector<1xi32>
        %add3A_551 = vector.broadcast %squeeze3A_550 : i32 to vector<16xi32>
        %add3A_552 = arith.addi %broadcast_in_dim3A_548, %add3A_551 : vector<16xi32>
        %gather3A_553 = tpu.vector_load_idx %arg10[%add3A_540, %iota3A, %add3A_552] : memref<32x16x128xf32, #tpu.memory_space<vmem>>[vector<16xi32>, vector<16xi32>, vector<16xi32>], vector<16xf32>,
        tpu.vector_store_idx %arg12[%iota3A, %add3A_546], %gather3A_553 : memref<16x512xf32, #tpu.memory_space<vmem>>[vector<16xi32>, vector<16xi32>], vector<16xf32>,
        %add3A_554 = arith.constant 15 : i32
        %add3A_555 = arith.addi %mul3A_33, %add3A_554 : i32
        %dma_wait3A_556 = arith.constant 0 : i32
        %dma_wait3A_557 = arith.constant 0 : i32
        %dma_wait3A_558 = tpu.memref_slice %arg10[%add3A_555, %dma_wait3A_556, %dma_wait3A_557] : memref<32x16x128xf32, #tpu.memory_space<vmem>> -> memref<1x16x128xf32, #tpu.memory_space<vmem>>
        %dma_wait3A_559 = tpu.memref_squeeze %dma_wait3A_558 : memref<1x16x128xf32, #tpu.memory_space<vmem>> -> memref<16x128xf32, #tpu.memory_space<vmem>>
        %dma_wait3A_560 = arith.constant 0 : i32
        %dma_wait3A_561 = arith.constant 0 : i32
        %dma_wait3A_562 = tpu.memref_slice %arg3[%dma_wait3A_560, %dma_wait3A_561] : memref<16x1000000xf32, #tpu.memory_space<hbm>> -> memref<16x128xf32, #tpu.memory_space<hbm>>
        %dma_wait3A_563 = arith.constant 0 : i32
        %dma_wait3A_564 = arith.constant 0 : i32
        %dma_wait3A_565 = tpu.memref_slice %arg10[%add3A_555, %dma_wait3A_563, %dma_wait3A_564] : memref<32x16x128xf32, #tpu.memory_space<vmem>> -> memref<1x16x128xf32, #tpu.memory_space<vmem>>
        %dma_wait3A_566 = tpu.memref_squeeze %dma_wait3A_565 : memref<1x16x128xf32, #tpu.memory_space<vmem>> -> memref<16x128xf32, #tpu.memory_space<vmem>>
        %dma_wait3A_567 = arith.constant 0 : i32
        %dma_wait3A_568 = arith.constant 0 : i32
        %dma_wait3A_569 = tpu.memref_slice %arg3[%dma_wait3A_567, %dma_wait3A_568] : memref<16x1000000xf32, #tpu.memory_space<hbm>> -> memref<16x128xf32, #tpu.memory_space<hbm>>
        tpu.wait_dma2 semaphore(%arg13 : memref<!tpu.dma_semaphore, #tpu.memory_space<semaphore_mem>>) src(%dma_wait3A_569 : memref<16x128xf32, #tpu.memory_space<hbm>>) dst(%dma_wait3A_566 : memref<16x128xf32, #tpu.memory_space<vmem>>)
        %broadcast_in_dim3A_570 = arith.constant 0 : i32
        %broadcast_in_dim3A_571 = vector.broadcast %broadcast_in_dim3A_570 : i32 to vector<16xi32>
        %add3A_572 = arith.constant 15 : i32
        %add3A_573 = arith.addi %mul3A_33, %add3A_572 : i32
        %add3A_574 = vector.broadcast %add3A_573 : i32 to vector<16xi32>
        %add3A_575 = arith.addi %broadcast_in_dim3A_571, %add3A_574 : vector<16xi32>
        %broadcast_in_dim3A_576 = arith.constant 0 : i32
        %broadcast_in_dim3A_577 = vector.broadcast %broadcast_in_dim3A_576 : i32 to vector<16xi32>
        %add3A_578 = arith.constant 15 : i32
        %add3A_579 = arith.addi %multiple_of3A, %add3A_578 : i32
        %add3A_580 = vector.broadcast %add3A_579 : i32 to vector<16xi32>
        %add3A_581 = arith.addi %broadcast_in_dim3A_577, %add3A_580 : vector<16xi32>
        %broadcast_in_dim3A_582 = arith.constant 0 : i32
        %broadcast_in_dim3A_583 = vector.broadcast %broadcast_in_dim3A_582 : i32 to vector<16xi32>
        %slice3A_584 = vector.extract_strided_slice %and3A_28 {offsets = [15], sizes = [1], strides = [1]} : vector<16xi32> to vector<1xi32>
        %squeeze3A_585 = vector.extract %slice3A_584[0] : i32 from vector<1xi32>
        %add3A_586 = vector.broadcast %squeeze3A_585 : i32 to vector<16xi32>
        %add3A_587 = arith.addi %broadcast_in_dim3A_583, %add3A_586 : vector<16xi32>
        %gather3A_588 = tpu.vector_load_idx %arg10[%add3A_575, %iota3A, %add3A_587] : memref<32x16x128xf32, #tpu.memory_space<vmem>>[vector<16xi32>, vector<16xi32>, vector<16xi32>], vector<16xf32>,
        tpu.vector_store_idx %arg12[%iota3A, %add3A_581], %gather3A_588 : memref<16x512xf32, #tpu.memory_space<vmem>>[vector<16xi32>, vector<16xi32>], vector<16xf32>,
      } else {
      }
    }
    %scan3A_11 = arith.constant 33 : i32
    "tpu.region"() ({
      %run_scoped3A = tpu.sem_alloc : memref<!tpu.dma_semaphore, #tpu.memory_space<semaphore_mem>>
      %dma_start3A = arith.constant 0 : i32
      %dma_start3A_12 = tpu.memref_slice %arg6[%dma_start3A, %mul3A_2] : memref<16x16384xf32, #tpu.memory_space<hbm>> -> memref<16x512xf32, #tpu.memory_space<hbm>>
      %dma_start3A_13 = arith.constant 0 : i32
      %dma_start3A_14 = tpu.memref_slice %arg6[%dma_start3A_13, %mul3A_2] : memref<16x16384xf32, #tpu.memory_space<hbm>> -> memref<16x512xf32, #tpu.memory_space<hbm>>
      tpu.enqueue_dma source(%arg11 : memref<16x512xf32, #tpu.memory_space<vmem>>) target(%dma_start3A_14 : memref<16x512xf32, #tpu.memory_space<hbm>>) target_semaphore(%run_scoped3A : memref<!tpu.dma_semaphore, #tpu.memory_space<semaphore_mem>>)
      %dma_wait3A = arith.constant 0 : i32
      %dma_wait3A_15 = tpu.memref_slice %arg6[%dma_wait3A, %mul3A_2] : memref<16x16384xf32, #tpu.memory_space<hbm>> -> memref<16x512xf32, #tpu.memory_space<hbm>>
      %dma_wait3A_16 = arith.constant 0 : i32
      %dma_wait3A_17 = tpu.memref_slice %arg6[%dma_wait3A_16, %mul3A_2] : memref<16x16384xf32, #tpu.memory_space<hbm>> -> memref<16x512xf32, #tpu.memory_space<hbm>>
      tpu.wait_dma2 semaphore(%run_scoped3A : memref<!tpu.dma_semaphore, #tpu.memory_space<semaphore_mem>>) src(%arg11 : memref<16x512xf32, #tpu.memory_space<vmem>>) dst(%dma_wait3A_17 : memref<16x512xf32, #tpu.memory_space<hbm>>)
      tpu.yield
    }) : () -> ()
    "tpu.region"() ({
      %run_scoped3A = tpu.sem_alloc : memref<!tpu.dma_semaphore, #tpu.memory_space<semaphore_mem>>
      %dma_start3A = arith.constant 0 : i32
      %dma_start3A_12 = tpu.memref_slice %arg7[%dma_start3A, %mul3A_2] : memref<16x16384xf32, #tpu.memory_space<hbm>> -> memref<16x512xf32, #tpu.memory_space<hbm>>
      %dma_start3A_13 = arith.constant 0 : i32
      %dma_start3A_14 = tpu.memref_slice %arg7[%dma_start3A_13, %mul3A_2] : memref<16x16384xf32, #tpu.memory_space<hbm>> -> memref<16x512xf32, #tpu.memory_space<hbm>>
      tpu.enqueue_dma source(%arg12 : memref<16x512xf32, #tpu.memory_space<vmem>>) target(%dma_start3A_14 : memref<16x512xf32, #tpu.memory_space<hbm>>) target_semaphore(%run_scoped3A : memref<!tpu.dma_semaphore, #tpu.memory_space<semaphore_mem>>)
      %dma_wait3A = arith.constant 0 : i32
      %dma_wait3A_15 = tpu.memref_slice %arg7[%dma_wait3A, %mul3A_2] : memref<16x16384xf32, #tpu.memory_space<hbm>> -> memref<16x512xf32, #tpu.memory_space<hbm>>
      %dma_wait3A_16 = arith.constant 0 : i32
      %dma_wait3A_17 = tpu.memref_slice %arg7[%dma_wait3A_16, %mul3A_2] : memref<16x16384xf32, #tpu.memory_space<hbm>> -> memref<16x512xf32, #tpu.memory_space<hbm>>
      tpu.wait_dma2 semaphore(%run_scoped3A : memref<!tpu.dma_semaphore, #tpu.memory_space<semaphore_mem>>) src(%arg12 : memref<16x512xf32, #tpu.memory_space<vmem>>) dst(%dma_wait3A_17 : memref<16x512xf32, #tpu.memory_space<hbm>>)
      tpu.yield
    }) : () -> ()
    return
  }
}

module attributes {stable_mosaic.version = 14 : i64} {
  func.func @_mlp_body(%arg0: i32, %arg1: memref<16x2048xf32, #tpu.memory_space<vmem>>, %arg2: memref<16x2048xf32, #tpu.memory_space<vmem>>, %arg3: memref<32x16xf32, #tpu.memory_space<vmem>>, %arg4: memref<32x16xf32, #tpu.memory_space<vmem>>, %arg5: memref<32x1xf32, #tpu.memory_space<vmem>>, %arg6: memref<32x32xf32, #tpu.memory_space<vmem>>, %arg7: memref<32x1xf32, #tpu.memory_space<vmem>>, %arg8: memref<32x32xf32, #tpu.memory_space<vmem>>, %arg9: memref<32x1xf32, #tpu.memory_space<vmem>>, %arg10: memref<1x32xf32, #tpu.memory_space<vmem>>, %arg11: memref<1x1xf32, #tpu.memory_space<vmem>>, %arg12: memref<1x2048xf32, #tpu.memory_space<vmem>>) attributes {dimension_semantics = [#tpu.dimension_semantics<parallel>], iteration_bounds = array<i64: 8>, scalar_prefetch = 0 : i64, scratch_operands = 0 : i64, tpu.core_type = #tpu.core_type<tc>, window_params = [{transform_indices = @transform_0, window_bounds = array<i64: 16, 2048>}, {transform_indices = @transform_1, window_bounds = array<i64: 16, 2048>}, {pipeline_mode = #tpu.pipeline_mode<synchronous>, transform_indices = @transform_2, window_bounds = array<i64: 32, 16>}, {pipeline_mode = #tpu.pipeline_mode<synchronous>, transform_indices = @transform_3, window_bounds = array<i64: 32, 16>}, {pipeline_mode = #tpu.pipeline_mode<synchronous>, transform_indices = @transform_4, window_bounds = array<i64: 32, 1>}, {pipeline_mode = #tpu.pipeline_mode<synchronous>, transform_indices = @transform_5, window_bounds = array<i64: 32, 32>}, {pipeline_mode = #tpu.pipeline_mode<synchronous>, transform_indices = @transform_6, window_bounds = array<i64: 32, 1>}, {pipeline_mode = #tpu.pipeline_mode<synchronous>, transform_indices = @transform_7, window_bounds = array<i64: 32, 32>}, {pipeline_mode = #tpu.pipeline_mode<synchronous>, transform_indices = @transform_8, window_bounds = array<i64: 32, 1>}, {pipeline_mode = #tpu.pipeline_mode<synchronous>, transform_indices = @transform_9, window_bounds = array<i64: 1, 32>}, {pipeline_mode = #tpu.pipeline_mode<synchronous>, transform_indices = @transform_10, window_bounds = array<i64: 1, 1>}, {transform_indices = @transform_11, window_bounds = array<i64: 1, 2048>}]} {
    %get3A = arith.constant 0 : index
    %get3A_0 = arith.constant 0 : index
    %get3A_1 = vector.load %arg3[%get3A, %get3A_0] : memref<32x16xf32, #tpu.memory_space<vmem>>, vector<32x16xf32>
    %get3A_2 = arith.constant 0 : index
    %get3A_3 = arith.constant 0 : index
    %get3A_4 = vector.load %arg1[%get3A_2, %get3A_3] : memref<16x2048xf32, #tpu.memory_space<vmem>>, vector<16x2048xf32>
    %dot_general3A = arith.constant dense<0.000000e+00> : vector<32x2048xf32>
    %dot_general3A_5 = tpu.matmul %get3A_1, %get3A_4, %dot_general3A {dimension_numbers = #tpu.dot_dimension_numbers<[1], [0], [0], [1], [0, 0, 1, 1], [], []>, precision = #tpu.contract_precision<fp32>, transpose_lhs_hint = false} : vector<32x16xf32>, vector<16x2048xf32>, vector<32x2048xf32> -> vector<32x2048xf32>
    %get3A_6 = arith.constant 0 : index
    %get3A_7 = arith.constant 0 : index
    %get3A_8 = vector.load %arg4[%get3A_6, %get3A_7] : memref<32x16xf32, #tpu.memory_space<vmem>>, vector<32x16xf32>
    %get3A_9 = arith.constant 0 : index
    %get3A_10 = arith.constant 0 : index
    %get3A_11 = vector.load %arg2[%get3A_9, %get3A_10] : memref<16x2048xf32, #tpu.memory_space<vmem>>, vector<16x2048xf32>
    %dot_general3A_12 = arith.constant dense<0.000000e+00> : vector<32x2048xf32>
    %dot_general3A_13 = tpu.matmul %get3A_8, %get3A_11, %dot_general3A_12 {dimension_numbers = #tpu.dot_dimension_numbers<[1], [0], [0], [1], [0, 0, 1, 1], [], []>, precision = #tpu.contract_precision<fp32>, transpose_lhs_hint = false} : vector<32x16xf32>, vector<16x2048xf32>, vector<32x2048xf32> -> vector<32x2048xf32>
    %add3A = arith.addf %dot_general3A_5, %dot_general3A_13 : vector<32x2048xf32>
    %get3A_14 = arith.constant 0 : index
    %get3A_15 = arith.constant 0 : index
    %get3A_16 = vector.load %arg5[%get3A_14, %get3A_15] : memref<32x1xf32, #tpu.memory_space<vmem>>, vector<32x1xf32>
    %add3A_17 = vector.broadcast %get3A_16 : vector<32x1xf32> to vector<32x2048xf32>
    %add3A_18 = arith.addf %add3A, %add3A_17 : vector<32x2048xf32>
    %max3A = arith.constant 0.000000e+00 : f32
    %max3A_19 = vector.broadcast %max3A : f32 to vector<32x2048xf32>
    %max3A_20 = arith.maximumf %add3A_18, %max3A_19 : vector<32x2048xf32>
    %get3A_21 = arith.constant 0 : index
    %get3A_22 = arith.constant 0 : index
    %get3A_23 = vector.load %arg6[%get3A_21, %get3A_22] : memref<32x32xf32, #tpu.memory_space<vmem>>, vector<32x32xf32>
    %dot_general3A_24 = arith.constant dense<0.000000e+00> : vector<32x2048xf32>
    %dot_general3A_25 = tpu.matmul %get3A_23, %max3A_20, %dot_general3A_24 {dimension_numbers = #tpu.dot_dimension_numbers<[1], [0], [0], [1], [0, 0, 1, 1], [], []>, precision = #tpu.contract_precision<fp32>, transpose_lhs_hint = false} : vector<32x32xf32>, vector<32x2048xf32>, vector<32x2048xf32> -> vector<32x2048xf32>
    %get3A_26 = arith.constant 0 : index
    %get3A_27 = arith.constant 0 : index
    %get3A_28 = vector.load %arg7[%get3A_26, %get3A_27] : memref<32x1xf32, #tpu.memory_space<vmem>>, vector<32x1xf32>
    %add3A_29 = vector.broadcast %get3A_28 : vector<32x1xf32> to vector<32x2048xf32>
    %add3A_30 = arith.addf %dot_general3A_25, %add3A_29 : vector<32x2048xf32>
    %max3A_31 = arith.constant 0.000000e+00 : f32
    %max3A_32 = vector.broadcast %max3A_31 : f32 to vector<32x2048xf32>
    %max3A_33 = arith.maximumf %add3A_30, %max3A_32 : vector<32x2048xf32>
    %get3A_34 = arith.constant 0 : index
    %get3A_35 = arith.constant 0 : index
    %get3A_36 = vector.load %arg8[%get3A_34, %get3A_35] : memref<32x32xf32, #tpu.memory_space<vmem>>, vector<32x32xf32>
    %dot_general3A_37 = arith.constant dense<0.000000e+00> : vector<32x2048xf32>
    %dot_general3A_38 = tpu.matmul %get3A_36, %max3A_33, %dot_general3A_37 {dimension_numbers = #tpu.dot_dimension_numbers<[1], [0], [0], [1], [0, 0, 1, 1], [], []>, precision = #tpu.contract_precision<fp32>, transpose_lhs_hint = false} : vector<32x32xf32>, vector<32x2048xf32>, vector<32x2048xf32> -> vector<32x2048xf32>
    %get3A_39 = arith.constant 0 : index
    %get3A_40 = arith.constant 0 : index
    %get3A_41 = vector.load %arg9[%get3A_39, %get3A_40] : memref<32x1xf32, #tpu.memory_space<vmem>>, vector<32x1xf32>
    %add3A_42 = vector.broadcast %get3A_41 : vector<32x1xf32> to vector<32x2048xf32>
    %add3A_43 = arith.addf %dot_general3A_38, %add3A_42 : vector<32x2048xf32>
    %max3A_44 = arith.constant 0.000000e+00 : f32
    %max3A_45 = vector.broadcast %max3A_44 : f32 to vector<32x2048xf32>
    %max3A_46 = arith.maximumf %add3A_43, %max3A_45 : vector<32x2048xf32>
    %get3A_47 = arith.constant 0 : index
    %get3A_48 = arith.constant 0 : index
    %get3A_49 = vector.load %arg10[%get3A_47, %get3A_48] : memref<1x32xf32, #tpu.memory_space<vmem>>, vector<1x32xf32>
    %dot_general3A_50 = arith.constant dense<0.000000e+00> : vector<1x2048xf32>
    %dot_general3A_51 = tpu.matmul %get3A_49, %max3A_46, %dot_general3A_50 {dimension_numbers = #tpu.dot_dimension_numbers<[1], [0], [0], [1], [0, 0, 1, 1], [], []>, precision = #tpu.contract_precision<fp32>, transpose_lhs_hint = false} : vector<1x32xf32>, vector<32x2048xf32>, vector<1x2048xf32> -> vector<1x2048xf32>
    %get3A_52 = arith.constant 0 : index
    %get3A_53 = arith.constant 0 : index
    %get3A_54 = vector.load %arg11[%get3A_52, %get3A_53] : memref<1x1xf32, #tpu.memory_space<vmem>>, vector<1x1xf32>
    %add3A_55 = vector.broadcast %get3A_54 : vector<1x1xf32> to vector<1x2048xf32>
    %add3A_56 = arith.addf %dot_general3A_51, %add3A_55 : vector<1x2048xf32>
    %logistic3A = arith.negf %add3A_56 : vector<1x2048xf32>
    %logistic3A_57 = math.exp %logistic3A : vector<1x2048xf32>
    %logistic3A_58 = arith.constant 1.000000e+00 : f32
    %logistic3A_59 = vector.broadcast %logistic3A_58 : f32 to vector<1x2048xf32>
    %logistic3A_60 = arith.addf %logistic3A_59, %logistic3A_57 : vector<1x2048xf32>
    %logistic3A_61 = arith.divf %logistic3A_59, %logistic3A_60 : vector<1x2048xf32>
    %swap3A = arith.constant 0 : index
    %swap3A_62 = arith.constant 0 : index
    %swap3A_63 = vector.load %arg12[%swap3A, %swap3A_62] : memref<1x2048xf32, #tpu.memory_space<vmem>>, vector<1x2048xf32>
    tpu.vector_store %arg12[%swap3A, %swap3A_62], %logistic3A_61 {strides = array<i32>} : memref<1x2048xf32, #tpu.memory_space<vmem>>, vector<1x2048xf32>,
    return
  }
  func.func @transform_0(%arg0: i32) -> (i32, i32) {
    %c0_i32 = arith.constant 0 : i32
    %c0_i32_0 = arith.constant 0 : i32
    return %c0_i32, %arg0 : i32, i32
  }
  func.func @transform_1(%arg0: i32) -> (i32, i32) {
    %c0_i32 = arith.constant 0 : i32
    %c0_i32_0 = arith.constant 0 : i32
    return %c0_i32, %arg0 : i32, i32
  }
  func.func @transform_2(%arg0: i32) -> (i32, i32) {
    %c0_i32 = arith.constant 0 : i32
    %c0_i32_0 = arith.constant 0 : i32
    %c0_i32_1 = arith.constant 0 : i32
    return %c0_i32, %c0_i32_0 : i32, i32
  }
  func.func @transform_3(%arg0: i32) -> (i32, i32) {
    %c0_i32 = arith.constant 0 : i32
    %c0_i32_0 = arith.constant 0 : i32
    %c0_i32_1 = arith.constant 0 : i32
    return %c0_i32, %c0_i32_0 : i32, i32
  }
  func.func @transform_4(%arg0: i32) -> (i32, i32) {
    %c0_i32 = arith.constant 0 : i32
    %c0_i32_0 = arith.constant 0 : i32
    %c0_i32_1 = arith.constant 0 : i32
    return %c0_i32, %c0_i32_0 : i32, i32
  }
  func.func @transform_5(%arg0: i32) -> (i32, i32) {
    %c0_i32 = arith.constant 0 : i32
    %c0_i32_0 = arith.constant 0 : i32
    %c0_i32_1 = arith.constant 0 : i32
    return %c0_i32, %c0_i32_0 : i32, i32
  }
  func.func @transform_6(%arg0: i32) -> (i32, i32) {
    %c0_i32 = arith.constant 0 : i32
    %c0_i32_0 = arith.constant 0 : i32
    %c0_i32_1 = arith.constant 0 : i32
    return %c0_i32, %c0_i32_0 : i32, i32
  }
  func.func @transform_7(%arg0: i32) -> (i32, i32) {
    %c0_i32 = arith.constant 0 : i32
    %c0_i32_0 = arith.constant 0 : i32
    %c0_i32_1 = arith.constant 0 : i32
    return %c0_i32, %c0_i32_0 : i32, i32
  }
  func.func @transform_8(%arg0: i32) -> (i32, i32) {
    %c0_i32 = arith.constant 0 : i32
    %c0_i32_0 = arith.constant 0 : i32
    %c0_i32_1 = arith.constant 0 : i32
    return %c0_i32, %c0_i32_0 : i32, i32
  }
  func.func @transform_9(%arg0: i32) -> (i32, i32) {
    %c0_i32 = arith.constant 0 : i32
    %c0_i32_0 = arith.constant 0 : i32
    %c0_i32_1 = arith.constant 0 : i32
    return %c0_i32, %c0_i32_0 : i32, i32
  }
  func.func @transform_10(%arg0: i32) -> (i32, i32) {
    %c0_i32 = arith.constant 0 : i32
    %c0_i32_0 = arith.constant 0 : i32
    %c0_i32_1 = arith.constant 0 : i32
    return %c0_i32, %c0_i32_0 : i32, i32
  }
  func.func @transform_11(%arg0: i32) -> (i32, i32) {
    %c0_i32 = arith.constant 0 : i32
    %c0_i32_0 = arith.constant 0 : i32
    return %c0_i32, %arg0 : i32, i32
  }
}

</mosaic_0001>

<sc_bundles>
// kernel: kernel.4.cloned.1.call-start
scs
__scs_entry_jumppad:
0x0: {  	(pc) =	sbr.rel $0x88, $3  }
0x1: {  	(tag) =	ssettag $0x0;
	lr =	simm.s32 $0x1  }
0x2: {  	[smem:$0x3F95] =	sst lr;
	_ =	strace $0xD0000000  }
0x3: {  	_ = 	snop  }
0x4: {  	_ = 	snop  }
0x5: {  	_ = 	snop  }
0x6: {  	_ = 	snop  }
0x7: {  	_ = 	snop  }
__scs_overlays_trampoline_lowered:
0x8: {  	[smem:$0x3FA4] =	sst s0  }
0x9: {  	[smem:$0x3FA5] =	sst s1  }
0xa: {  	[smem:$0x3FA6] =	sst s2  }
0xb: {  	[smem:$0x3FA7] =	sst s3  }
0xc: {  	[smem:$0x3FA8] =	sst s4  }
0xd: {  	[smem:$0x3FA9] =	sst s5  }
0xe: {  	[smem:$0x3FAA] =	sst s6  }
0xf: {  	[smem:$0x3FAB] =	sst s7  }
0x10: {  	[smem:$0x3FAC] =	sst s8  }
0x11: {  	[smem:$0x3FAD] =	sst s9;
	s0 =	simm.s32 @!p0 $0x0  }
0x12: {  	s1 =	sld [smem:$0x3F93];
	s0 =	simm.s32 @p0 $0x1  }
0x13: {  	[smem:$0x3FAE] =	sst s0;
	s0 =	simm.s32 @!p1 $0x0  }
0x14: {  	s2 =	sld [smem:$0x3F92];
	s0 =	simm.s32 @p1 $0x1  }
0x15: {  	[smem:$0x3FAF] =	sst s0;
	s0 =	simm.s32 @!p2 $0x0  }
0x16: {  	s3 =	sld [smem:$0x3FDB];
	s0 =	simm.s32 @p2 $0x1  }
0x17: {  	s4 =	simm.s32 $0x1BF5;
	[smem:$0x3FB1] =	sst s0  }
0x18: {  	s0 =	sld [smem:$0x3F94];
	_ =	swait.ge [sflag:s4], $0x0  }
0x19: {  	s7 =	sld [smem:$0x3F95]  }
0x1a: {  	s8 =	sadd.s32 $0xFFFFE003, lr  }
0x1b: {  	s9 =	sadd.s32 $0xFFFFFEF7, lr;
	s5 =	simm.s32 $0xFFFFFFFF;
	p2 =	slt.u32 s8, $0xFFFFF086  }
0x1c: {  	p1 =	slt.u32 s9, $0xF7A;
	s5 =	simm.s32 @!p2 $0x0  }
0x1d: {  	s5 =	simm.s32 @p1 $0x1;
	p0 =	seq.s32 s7, s2  }
0x1e: {  	s7 =	smul.u32 @!p0 $0xF7A, s2;
	p2 =	seq.s32 @!p0 s5, $0x0  }
0x1f: {  	s9 =	smul.u32 $0xF7A, s1;
	s8 =	simm.s32 @!p0 $0x1BF5;
	p2 =	por !p2, p0  }
0x20: {  	[sflag:s8] =	ssyncset.s32 @!p0 $0xFFFFF086;
	s6 =	sadd.s32 @!p0 s3, s7;
	s7 =	simm.s32 @!p0 $0x108  }
0x21: {  	s3 =	sadd.s32 s3, s9;
	s6 =	sadd.s32 @!p0 $0x88, s6;
	s7 =	simm.s32 @p2 $0x1082  }
0x22: {  	[simem:s7], [sflag:s8] =	dma.local @!p0 [hbm:s6], $0xF7A  }
0x23: {  	s9 =	sor.u32 $0xD0000000, s2;
	s6 =	simm.s32 $0x108;
	_ =	swait.ge @!p0 [sflag:s8], $0x0  }
0x24: {  	s3 =	sadd.s32 $0x88, s3;
	s6 =	simm.s32 @!p1 $0x1082;
	[sflag:s4] =	ssyncset.s32 $0xFFFFF086  }
0x25: {  	[simem:s6], [sflag:s4] =	dma.local [hbm:s3], $0xF7A  }
0x26: {  	[smem:$0x3F95] =	sst s1;
	(tag) =	ssettag s2;
	_ =	strace s9  }
0x27: {  	s1 =	sld [smem:$0x3FA5]  }
0x28: {  	s2 =	sld [smem:$0x3FA6]  }
0x29: {  	s4 =	sld [smem:$0x3FA8]  }
0x2a: {  	p0 =	seq.s32 s5, $0x0;
	s5 =	sld [smem:$0x3FA9]  }
0x2b: {  	s6 =	sld [smem:$0x3FAA]  }
0x2c: {  	s7 =	sld [smem:$0x3FAB]  }
0x2d: {  	s3 =	simm.s32 $0x108;
	s8 =	sld [smem:$0x3FAC]  }
0x2e: {  	s3 =	simm.s32 @!p0 $0x1082;
	s9 =	sld [smem:$0x3FAD]  }
0x2f: {  	lr =	sadd.s32 s0, s3;
	s0 =	sld [smem:$0x3FA4]  }
0x30: {  	s3 =	sld [smem:$0x3FA7]  }
0x31: {  	[smem:$0x3FB0] =	sst s10  }
0x32: {  	s10 =	sld [smem:$0x3FAE];
	_ =	sdelay $0x3  }
0x33: {  	p0 =	seq.s32 s10, $0x1;
	s10 =	sld [smem:$0x3FB0];
	_ =	sdelay $0x3  }
0x34: {  	[smem:$0x3FB0] =	sst s10  }
0x35: {  	s10 =	sld [smem:$0x3FAF];
	_ =	sdelay $0x3  }
0x36: {  	p1 =	seq.s32 s10, $0x1;
	s10 =	sld [smem:$0x3FB0];
	_ =	sdelay $0x3  }
0x37: {  	[smem:$0x3FB0] =	sst s10  }
0x38: {  	s10 =	sld [smem:$0x3FB1]  }
0x39: {  	_ = 	snop;
	(pc) =	sbr.ind lr, $3  }
0x3a: {  	_ = 	snop  }
0x3b: {  	_ = 	snop  }
0x3c: {  	p2 =	seq.s32 s10, $0x1;
	s10 =	sld [smem:$0x3FB0]  }
0x3d: {  	_ =	shalt  }
0x3e: {  	_ =	shalt  }
0x3f: {  	_ =	shalt  }
0x40: {  	_ =	shalt  }
0x41: {  	_ =	shalt  }
0x42: {  	_ =	shalt  }
0x43: {  	_ =	shalt  }
0x44: {  	_ =	shalt  }
0x45: {  	_ =	shalt  }
0x46: {  	_ =	shalt  }
0x47: {  	_ =	shalt  }
0x48: {  	_ =	shalt  }
0x49: {  	_ =	shalt  }
0x4a: {  	_ =	shalt  }
0x4b: {  	_ =	shalt  }
0x4c: {  	_ =	shalt  }
0x4d: {  	_ =	shalt  }
0x4e: {  	_ =	shalt  }
0x4f: {  	_ =	shalt  }
0x50: {  	_ =	shalt  }
0x51: {  	_ =	shalt  }
0x52: {  	_ =	shalt  }
0x53: {  	_ =	shalt  }
0x54: {  	_ =	shalt  }
0x55: {  	_ =	shalt  }
0x56: {  	_ =	shalt  }
0x57: {  	_ =	shalt  }
0x58: {  	_ =	shalt  }
0x59: {  	_ =	shalt  }
0x5a: {  	_ =	shalt  }
0x5b: {  	_ =	shalt  }
0x5c: {  	_ =	shalt  }
0x5d: {  	_ =	shalt  }
0x5e: {  	_ =	shalt  }
0x5f: {  	_ =	shalt  }
0x60: {  	_ =	shalt  }
0x61: {  	_ =	shalt  }
0x62: {  	_ =	shalt  }
0x63: {  	_ =	shalt  }
0x64: {  	_ =	shalt  }
0x65: {  	_ =	shalt  }
0x66: {  	_ =	shalt  }
0x67: {  	_ =	shalt  }
0x68: {  	_ =	shalt  }
0x69: {  	_ =	shalt  }
0x6a: {  	_ =	shalt  }
0x6b: {  	_ =	shalt  }
0x6c: {  	_ =	shalt  }
0x6d: {  	_ =	shalt  }
0x6e: {  	_ =	shalt  }
0x6f: {  	_ =	shalt  }
0x70: {  	_ =	shalt  }
0x71: {  	_ =	shalt  }
0x72: {  	_ =	shalt  }
0x73: {  	_ =	shalt  }
0x74: {  	_ =	shalt  }
0x75: {  	_ =	shalt  }
0x76: {  	_ =	shalt  }
0x77: {  	_ =	shalt  }
0x78: {  	_ =	shalt  }
0x79: {  	_ =	shalt  }
0x7a: {  	_ =	shalt  }
0x7b: {  	_ =	shalt  }
0x7c: {  	_ =	shalt  }
0x7d: {  	_ =	shalt  }
0x7e: {  	_ =	shalt  }
0x7f: {  	_ =	shalt  }
0x80: {  	_ =	shalt  }
0x81: {  	_ =	shalt  }
0x82: {  	_ =	shalt  }
0x83: {  	_ =	shalt  }
0x84: {  	_ =	shalt  }
0x85: {  	_ =	shalt  }
0x86: {  	_ =	shalt  }
0x87: {  	_ =	shalt  }
.Lfunc_end0:
.L_simem_size_0:
called_computation_lowered:
.L_overlay_start_0:
0x88: {  	s2 =	sld [smem:$0x3FD9]  }
0x89: {  	s3 =	sld [smem:$0x3FFE];
	_ =	sdelay $0x1  }
0x8a: {  	s1 =	srdreg.scid  }
0x8b: {  	s0 =	sand.u32 $0x1, s1  }
0x8c: {  	s17 =	sshll.u32 s0, $0xA;
	s2 =	sadd.s32 s3, s2  }
0x8d: {  	s2 =	sadd.s32 s2, s17  }
0x8e: {  	[smem:$0x3FBC] =	sst s2  }
0x8f: {  	_ = 	snop  }
0x90: {  	s2 =	sld [smem:$0x3FC9]  }
0x91: {  	s18 =	sld [smem:$0x3FC8]  }
0x92: {  	s4 =	sld [smem:$0x3FC7]  }
0x93: {  	s5 =	sld [smem:$0x3FC6];
	(tm) =	ssettm $0x1  }
0x94: {  	s6 =	sld [smem:$0x3FFB];
	_ =	sdelay $0x3  }
0x95: {  	_ =	strace s6  }
0x96: {  	s6 =	sld [smem:$0x3FFC];
	_ =	sdelay $0x3  }
0x97: {  	_ =	strace s6  }
0x98: {  	s6 =	sld [smem:$0x3FFD];
	_ =	sdelay $0x3  }
0x99: {  	_ =	strace s6  }
0x9a: {  	_ =	strace $0x8FFFFFFF  }
0x9b: {  	s19 =	sld [smem:$0x3FDB];
	_ =	sdelay $0x1  }
0x9c: {  	s7 =	simm.s32 $_scs_section_size  }
0x9d: {  	s8 =	simm.s32 $_size__tile_overlayer_lowered;
	s9 =	simm.s32 $_tile_overlayer_lowered  }
0x9e: {  	s22 =	simm.s32 $0x1BFF;
	s21 =	sshll.u32 s9, $0x1;
	s6 =	sadd.s32 s7, s19  }
0x9f: {  	s10 =	simm.s32 $0x0;
	s20 =	sshll.u32 s8, $0x1;
	s8 =	sadd.s32 s21, s6  }
0xa0: {  	[timem:s10], [sflag:s22] =	dma.local [hbm:s8], s20  }
0xa1: {  	_ =	swait.ge [sflag:s22], s20  }
0xa2: {  	s7 =	ssub.s32 $0x0, s20;
	[sflag:s22] =	ssyncset.done $0x0  }
0xa3: {  	[sflag:s22] =	ssyncadd.s32 s7;
	_ =	sdelay $0x1  }
0xa4: {  	s23 =	simm.s32 $0x1B8B  }
0xa5: {  	_ =	swait.ge [sflag:s23], $0x1  }
0xa6: {  	[sflag:s23] =	ssyncset.done $0x0  }
0xa7: {  	s25 =	simm.s32 $0x1B8E;
	s24 =	sld [smem:$0x3FFE];
	[sflag:s23] =	ssyncadd.s32 $0xFFFFFFFF  }
0xa8: {  	s26 =	simm.s32 $execute0_lowered;
	[smem:$0x3FD2] =	sst s25  }
0xa9: {  	s8 =	sshll.u32 s26, $0x1;
	_ =	strace $0x80000046;
	[dreg:$0x1] =	wrdreg $0xFFFFFFFF  }
0xaa: {  	s28 =	simm.s32 $_size_execute0_lowered;
	s6 =	sadd.s32 s6, s8;
	[dreg:$0x0] =	wrdreg $0x0  }
0xab: {  	s8 =	sshll.u32 s28, $0x1;
	[dreg:$0x2] =	wrdreg s6  }
0xac: {  	[dreg:$0x3] =	wrdreg s8  }
0xad: {  	[dreg:$0x4] =	wrdreg $0xC0  }
0xae: {  	_ =	task [dreg:s10], $0x5FFFF  }
0xaf: {  	[dreg:$0x1] =	wrdreg $0xFFFFFFFF  }
0xb0: {  	[dreg:$0x0] =	wrdreg $0x60  }
0xb1: {  	[dreg:$0x2] =	wrdreg s4  }
0xb2: {  	[dreg:$0x3] =	wrdreg s5  }
0xb3: {  	[dreg:$0x4] =	wrdreg s2  }
0xb4: {  	[dreg:$0x5] =	wrdreg s18  }
0xb5: {  	[dreg:$0x6] =	wrdreg s24  }
0xb6: {  	[dreg:$0x7] =	wrdreg $0x9  }
0xb7: {  	_ =	task.clear_ibuf [dreg:s10], $0x8FFFF;
	_ =	strace $0x90000046  }
0xb8: {  	s29 =	simm.s32 $0x9;
	_ =	strace $0x80000048  }
0xb9: {  	_ =	swait.ge [sflag:s29], $0x1  }
0xba: {  	[sflag:s29] =	ssyncadd.s32 $0xFFFFFFFF  }
0xbb: {  	_ =	strace $0x90000048  }
0xbc: {  	_ =	sfence  }
0xbd: {  	s30 =	sld [smem:$0x0];
	_ =	sdelay $0x2  }
0xbe: {  	s31 =	sshll.u32 s1, $0xD;
	s1 =	sshrl.u32 s1, $0x2  }
0xbf: {  	s3 =	sand.u32 $0x4000, s31;
	s1 =	sadd.s32 s1, s30  }
0xc0: {  	s0 =	sor.u32 s3, s0;
	s1 =	sshll.u32 s1, $0x11  }
0xc1: {  	s0 =	sor.u32 s1, s0  }
0xc2: {  	s0 =	sadd.s32 $0x8F2B, s0  }
0xc3: {  	[sflag:s0] =	ssyncadd.remote.s32 $0x1  }
0xc4: {  	_ =	sfence.sel $0xFFFF  }
0xc5: {  	[dreg:$0x0] =	wrdreg $0xFFFFFFFF;
	(pc) =	sbr.abs _section_cstart, $3  }
0xc6: {  	[dreg:$0x1] =	wrdreg $0xFFFFFFFF  }
0xc7: {  	_ =	task.clear_ibuf [dreg:s10], $0x2FFFF;
	_ =	strace $0x9FFFFFFF  }
0xc8: {  	(tm) =	ssettm $0x7FFFFFFF  }
0xc9: {  	_ =	shalt  }
tec
execute0_lowered:
.L_overlay_start_1:
0x0: {  	(tag) =	ssettag $0x1  }
0x1: {  	v0 =	vimm.s32 $0x1380;
	vm0 =	vcmask $0x300  }
0x2: {  	s0 =	rddreg [dreg:$0x0];
	vm14 =	vcmask $0x704;
	v0 =	vsel vm0, $0x0, v0  }
0x3: {  	s1 =	rddreg [dreg:$0x1];
	vm15 =	vcmask $0xB08;
	v0 =	vsel vm14, $0x80, v0  }
0x4: {  	s5 =	rddreg [dreg:$0x2];
	vm4 =	vcmask $0xF0C;
	v0 =	vsel vm15, $0x100, v0  }
0x5: {  	s6 =	rddreg [dreg:$0x3];
	vm5 =	vcmask $0x1310;
	v0 =	vsel vm4, $0x180, v0  }
0x6: {  	s7 =	rddreg [dreg:$0x4];
	vm6 =	vcmask $0x1714;
	v0 =	vsel vm5, $0x200, v0  }
0x7: {  	s2 =	rddreg [dreg:$0x5];
	s8 =	srdreg.scid;
	vm7 =	vcmask $0x1B18;
	s4 =	simm.s32 $0x0;
	v0 =	vsel vm6, $0x280, v0  }
0x8: {  	s3 =	stileid.u32;
	vm8 =	vcmask $0x1F1C;
	s12 =	simm.s32 $0x1000;
	s13 =	simm.s32 $0x20000;
	v0 =	vsel vm7, $0x300, v0  }
0x9: {  	vm9 =	vcmask $0x2320;
	s14 =	simm.s32 $0x10400;
	s15 =	simm.s32 $0x12400;
	s16 =	simm.s32 $0x1;
	v0 =	vsel vm8, $0x380, v0  }
0xa: {  	vm10 =	vcmask $0x2724;
	s17 =	simm.s32 $0x400;
	s18 =	simm.s32 $0x0;
	s8 =	sand.u32 $0x1, s8;
	v0 =	vsel vm9, $0x1000, v0  }
0xb: {  	vm11 =	vcmask $0x2B28;
	[smem:$0x7FF] =	sst s4;
	s9 =	sshll.u32 s3, $0xA;
	s10 =	sshll.u32 s8, $0x9;
	v0 =	vsel vm10, $0x1080, v0  }
.Ltmp0:
0xc: {  	vm12 =	vcmask $0x2F2C;
	s8 =	ssub.s32 $0x2, s8;
	s9 =	sor.u32 s10, s9;
	v0 =	vsel vm11, $0x1100, v0;
	(pc) =	sbr.rel .LBB2_1-.Ltmp0, $4  }
0xd: {  	vm13 =	vcmask $0x3330;
	s31 =	sshrl.u32 s8, $0x1;
	s10 =	sadd.s32 s9, s7;
	s9 =	sshrl.u32 s9, $0x3;
	v0 =	vsel vm12, $0x1180, v0  }
0xe: {  	_ =	strace $0x80000047;
	vm14 =	vcmask $0x3734;
	s11 =	ssub.s32 s8, s31;
	s5 =	sadd.s32 s5, s9;
	v0 =	vsel vm13, $0x1200, v0  }
0xf: {  	v1 =	vlaneseq.u32;
	vm15 =	vcmask $0x3B38;
	s6 =	sadd.s32 s6, s9;
	s7 =	sadd.s32 $0x1C00, s10;
	s8 =	sadd.s32 $0x9C00, s10;
	v2 =	vsel vm14, $0x1280, v0  }
0x10: {  	s9 =	smax.u32 s11, $0x1;
	s10 =	simm.s32 $0x2;
	s11 =	simm.s32 $0x200;
	v0 =	vmul.u32 $0x80, v1;
	v1 =	vsel vm15, $0x1300, v2  }
.LBB2_9:
0x11: {  	[hbm4b:s7+s12] =	stream.strided.scatter [tilespmem:s14], [sflag:$0x2], $0x2000, s13, s12, $0x38;
	[tilespmem:$0x14400] =	vst v63  }
0x12: {  	s18 =	sadd.s32 $0x1, s18;
	_ =	swait.ge [sflag:s10], $0x2000  }
0x13: {  	p0 =	sne.s32 s18, s9;
	[sflag:s10] =	ssyncset.done $0x0  }
.Ltmp1:
0x14: {  	[sflag:s10] =	ssyncadd.s32 $0xFFFFE000;
	(pc) =	sbr.rel @!p0 .LBB2_10-.Ltmp1, $4  }
0x15: {  	[hbm4b:s8+s12] =	stream.strided.scatter [tilespmem:s15], [sflag:$0x2], $0x2000, s13, s12, $0x38;
	[tilespmem:$0x14400] =	vst v63  }
0x16: {  	_ =	swait.ge [sflag:s10], $0x2000  }
0x17: {  	[sflag:s10] =	ssyncset.done $0x0  }
0x18: {  	[sflag:s10] =	ssyncadd.s32 $0xFFFFE000  }
.LBB2_1:
0x19: {  	[tilespmem:s4], [sflag:$0x2] =	stream.linear.gather [hbm4b:s5+s4], $0x200, $0x38;
	[tilespmem:$0x14400] =	vst v63  }
0x1a: {  	_ =	swait.ge [sflag:s10], $0x200  }
0x1b: {  	[sflag:s10] =	ssyncset.done $0x0  }
.Ltmp2:
0x1c: {  	[sflag:s10] =	ssyncadd.s32 $0xFFFFFE00;
	(pc) =	sbr.rel .LBB2_2-.Ltmp2, $4  }
0x1d: {  	[tilespmem:s11], [sflag:$0x2] =	stream.linear.gather [hbm4b:s6+s4], $0x200, $0x38;
	[tilespmem:$0x14400] =	vst v63  }
0x1e: {  	_ =	swait.ge [sflag:s10], $0x200  }
0x1f: {  	s19 =	simm.s32 $0xFFFFFFF0;
	[sflag:s10] =	ssyncset.done $0x0  }
0x20: {  	s20 =	simm.s32 $0x0;
	s21 =	simm.s32 $0x0;
	[sflag:s10] =	ssyncadd.s32 $0xFFFFFE00  }
.LBB2_4:
0x21: {  	s19 =	sadd.s32 $0x10, s19  }
0x22: {  	p0 =	sne.s32 s19, $0x200  }
.Ltmp3:
0x23: {  	_ = 	snop;
	(pc) =	sbr.rel @!p0 .LBB2_5-.Ltmp3, $2  }
0x24: {  	_ =	sdelay $0x2  }
0x25: {  	s21 =	sadd.s32 $0x20000, s21;
	s20 =	sadd.s32 $0x10, s20  }
.LBB2_2:
0x26: {  	p0 =	seq.s32 s19, $0x1F0  }
0x27: {  	v2 =	vld @!p0 [tilespmem:s20+$0x0];
	_ =	sdelay $0x4  }
0x28: {  	(v2sf) =	vpush @!p0 v2, $0x0;
	_ =	sdelay $0x3  }
0x29: {  	(v2sf) =	vpush @!p0 v2, $0x1;
	_ =	sdelay $0x3  }
0x2a: {  	(v2sf) =	vpush @!p0 v2, $0x2;
	_ =	sdelay $0x3  }
0x2b: {  	(v2sf) =	vpush @!p0 v2, $0x3;
	_ =	sdelay $0x2  }
0x2c: {  	s22 =	sshrl.u32 @!p0 s21, $0x2;
	s24 =	simm.s32 @!p0 $0x7A1400;
	s23 =	spop @!p0 (v2sf)  }
0x2d: {  	s22 =	sand.u32 @!p0 $0x8000, s22;
	(v2sf) =	vpush @!p0 v2, $0x4;
	s23 =	sand.u32 @!p0 $0xFFFFF80, s23  }
0x2e: {  	s25 =	sor.u32 @!p0 $0x400, s22;
	s26 =	sadd.s32 @!p0 s0, s23;
	s23 =	simm.s32 @!p0 $0x400  }
0x2f: {  	[tilespmem:s25], [sflag:$0x1] =	stream.strided.gather @!p0 [hbm4b:s26+s23], $0x800, s24, s23, $0x38;
	[tilespmem:$0x14400] =	vst v63  }
0x30: {  	s25 =	spop @!p0 (v2sf)  }
0x31: {  	(v2sf) =	vpush @!p0 v2, $0x5;
	s25 =	sand.u32 @!p0 $0xFFFFF80, s25  }
0x32: {  	s26 =	sor.u32 @!p0 $0xC00, s22;
	s25 =	sadd.s32 @!p0 s0, s25  }
0x33: {  	[tilespmem:s26], [sflag:$0x1] =	stream.strided.gather @!p0 [hbm4b:s25+s23], $0x800, s24, s23, $0x38;
	[tilespmem:$0x14400] =	vst v63  }
0x34: {  	s25 =	spop @!p0 (v2sf)  }
0x35: {  	(v2sf) =	vpush @!p0 v2, $0x6;
	s25 =	sand.u32 @!p0 $0xFFFFF80, s25  }
0x36: {  	s26 =	sor.u32 @!p0 $0x1400, s22;
	s25 =	sadd.s32 @!p0 s0, s25  }
0x37: {  	[tilespmem:s26], [sflag:$0x1] =	stream.strided.gather @!p0 [hbm4b:s25+s23], $0x800, s24, s23, $0x38;
	[tilespmem:$0x14400] =	vst v63  }
0x38: {  	s25 =	spop @!p0 (v2sf)  }
0x39: {  	(v2sf) =	vpush @!p0 v2, $0x7;
	s25 =	sand.u32 @!p0 $0xFFFFF80, s25  }
0x3a: {  	s26 =	sor.u32 @!p0 $0x1C00, s22;
	s25 =	sadd.s32 @!p0 s0, s25  }
0x3b: {  	[tilespmem:s26], [sflag:$0x1] =	stream.strided.gather @!p0 [hbm4b:s25+s23], $0x800, s24, s23, $0x38;
	[tilespmem:$0x14400] =	vst v63  }
0x3c: {  	s25 =	spop @!p0 (v2sf)  }
0x3d: {  	(v2sf) =	vpush @!p0 v2, $0x8;
	s25 =	sand.u32 @!p0 $0xFFFFF80, s25  }
0x3e: {  	s26 =	sor.u32 @!p0 $0x2400, s22;
	s25 =	sadd.s32 @!p0 s0, s25  }
0x3f: {  	[tilespmem:s26], [sflag:$0x1] =	stream.strided.gather @!p0 [hbm4b:s25+s23], $0x800, s24, s23, $0x38;
	[tilespmem:$0x14400] =	vst v63  }
0x40: {  	s25 =	spop @!p0 (v2sf)  }
0x41: {  	(v2sf) =	vpush @!p0 v2, $0x9;
	s25 =	sand.u32 @!p0 $0xFFFFF80, s25  }
0x42: {  	s26 =	sor.u32 @!p0 $0x2C00, s22;
	s25 =	sadd.s32 @!p0 s0, s25  }
0x43: {  	[tilespmem:s26], [sflag:$0x1] =	stream.strided.gather @!p0 [hbm4b:s25+s23], $0x800, s24, s23, $0x38;
	[tilespmem:$0x14400] =	vst v63  }
0x44: {  	s25 =	spop @!p0 (v2sf)  }
0x45: {  	(v2sf) =	vpush @!p0 v2, $0xA;
	s25 =	sand.u32 @!p0 $0xFFFFF80, s25  }
0x46: {  	s26 =	sor.u32 @!p0 $0x3400, s22;
	s25 =	sadd.s32 @!p0 s0, s25  }
0x47: {  	[tilespmem:s26], [sflag:$0x1] =	stream.strided.gather @!p0 [hbm4b:s25+s23], $0x800, s24, s23, $0x38;
	[tilespmem:$0x14400] =	vst v63  }
0x48: {  	s25 =	spop @!p0 (v2sf)  }
0x49: {  	(v2sf) =	vpush @!p0 v2, $0xB;
	s25 =	sand.u32 @!p0 $0xFFFFF80, s25  }
0x4a: {  	s26 =	sor.u32 @!p0 $0x3C00, s22;
	s25 =	sadd.s32 @!p0 s0, s25  }
0x4b: {  	[tilespmem:s26], [sflag:$0x1] =	stream.strided.gather @!p0 [hbm4b:s25+s23], $0x800, s24, s23, $0x38;
	[tilespmem:$0x14400] =	vst v63  }
0x4c: {  	s25 =	spop @!p0 (v2sf)  }
0x4d: {  	(v2sf) =	vpush @!p0 v2, $0xC;
	s25 =	sand.u32 @!p0 $0xFFFFF80, s25  }
0x4e: {  	s26 =	sor.u32 @!p0 $0x4400, s22;
	s25 =	sadd.s32 @!p0 s0, s25  }
0x4f: {  	[tilespmem:s26], [sflag:$0x1] =	stream.strided.gather @!p0 [hbm4b:s25+s23], $0x800, s24, s23, $0x38;
	[tilespmem:$0x14400] =	vst v63  }
0x50: {  	s25 =	spop @!p0 (v2sf)  }
0x51: {  	(v2sf) =	vpush @!p0 v2, $0xD;
	s25 =	sand.u32 @!p0 $0xFFFFF80, s25  }
0x52: {  	s26 =	sor.u32 @!p0 $0x4C00, s22;
	s25 =	sadd.s32 @!p0 s0, s25  }
0x53: {  	[tilespmem:s26], [sflag:$0x1] =	stream.strided.gather @!p0 [hbm4b:s25+s23], $0x800, s24, s23, $0x38;
	[tilespmem:$0x14400] =	vst v63  }
0x54: {  	s25 =	spop @!p0 (v2sf)  }
0x55: {  	(v2sf) =	vpush @!p0 v2, $0xE;
	s25 =	sand.u32 @!p0 $0xFFFFF80, s25  }
0x56: {  	s26 =	sor.u32 @!p0 $0x5400, s22;
	s25 =	sadd.s32 @!p0 s0, s25  }
0x57: {  	[tilespmem:s26], [sflag:$0x1] =	stream.strided.gather @!p0 [hbm4b:s25+s23], $0x800, s24, s23, $0x38;
	[tilespmem:$0x14400] =	vst v63  }
0x58: {  	s25 =	spop @!p0 (v2sf)  }
0x59: {  	(v2sf) =	vpush @!p0 v2, $0xF;
	s25 =	sand.u32 @!p0 $0xFFFFF80, s25  }
0x5a: {  	s26 =	sor.u32 @!p0 $0x5C00, s22;
	s25 =	sadd.s32 @!p0 s0, s25  }
0x5b: {  	[tilespmem:s26], [sflag:$0x1] =	stream.strided.gather @!p0 [hbm4b:s25+s23], $0x800, s24, s23, $0x38;
	[tilespmem:$0x14400] =	vst v63  }
0x5c: {  	s25 =	spop @!p0 (v2sf)  }
0x5d: {  	s25 =	sand.u32 @!p0 $0xFFFFF80, s25  }
0x5e: {  	s26 =	sor.u32 @!p0 $0x6400, s22;
	s25 =	sadd.s32 @!p0 s0, s25  }
0x5f: {  	[tilespmem:s26], [sflag:$0x1] =	stream.strided.gather @!p0 [hbm4b:s25+s23], $0x800, s24, s23, $0x38;
	[tilespmem:$0x14400] =	vst v63  }
0x60: {  	s25 =	spop @!p0 (v2sf)  }
0x61: {  	s25 =	sand.u32 @!p0 $0xFFFFF80, s25  }
0x62: {  	s26 =	sor.u32 @!p0 $0x6C00, s22;
	s25 =	sadd.s32 @!p0 s0, s25  }
0x63: {  	[tilespmem:s26], [sflag:$0x1] =	stream.strided.gather @!p0 [hbm4b:s25+s23], $0x800, s24, s23, $0x38;
	[tilespmem:$0x14400] =	vst v63  }
0x64: {  	s25 =	spop @!p0 (v2sf)  }
0x65: {  	s25 =	sand.u32 @!p0 $0xFFFFF80, s25  }
0x66: {  	s26 =	sor.u32 @!p0 $0x7400, s22;
	s25 =	sadd.s32 @!p0 s0, s25  }
0x67: {  	[tilespmem:s26], [sflag:$0x1] =	stream.strided.gather @!p0 [hbm4b:s25+s23], $0x800, s24, s23, $0x38;
	[tilespmem:$0x14400] =	vst v63  }
0x68: {  	s25 =	spop @!p0 (v2sf)  }
0x69: {  	s25 =	sand.u32 @!p0 $0xFFFFF80, s25  }
0x6a: {  	p1 =	seq.s32 @!p0 s19, $0xFFFFFFF0;
	s22 =	sor.u32 @!p0 $0x7C00, s22;
	s25 =	sadd.s32 @!p0 s0, s25  }
0x6b: {  	[tilespmem:s22], [sflag:$0x1] =	stream.strided.gather @!p0 [hbm4b:s25+s23], $0x800, s24, s23, $0x38;
	[tilespmem:$0x14400] =	vst v63  }
0x6c: {  	p0 =	por p0, !p1  }
.Ltmp4:
0x6d: {  	_ = 	snop;
	(pc) =	sbr.rel @!p0 .LBB2_4-.Ltmp4, $1  }
0x6e: {  	_ =	sdelay $0x3  }
0x6f: {  	v2 =	vld [tilespmem:s20+$0xFFFFFFF0];
	_ =	sdelay $0x3  }
0x70: {  	s22 =	sshll.u32 s19, $0xB  }
0x71: {  	s22 =	sand.u32 $0x8000, s22;
	v2 =	vand.u32 $0x7F, v2  }
0x72: {  	v3 =	vor.u32 s22, v2  }
0x73: {  	v3 =	vbroadcast v3, $0x0;
	_ =	sdelay $0x1  }
0x74: {  	v3 =	vor.u32 v0, v3  }
0x75: {  	v4 =	vmov s19  }
0x76: {  	_ =	swait.ge [sflag:s16], $0x800;
	v5 =	vshll.u32 v4, $0x3  }
0x77: {  	[sflag:s16] =	ssyncset.done $0x0;
	v4 =	vand.u32 $0x70, v4;
	v5 =	vand.u32 $0xFFFFFC00, v5  }
0x78: {  	[sflag:s16] =	ssyncadd.s32 $0xFFFFF800;
	v4 =	vor.u32 v4, v5  }
0x79: {  	v4 =	vadd.s32 v1, v4;
	v3 =	vld.idx.msk [tilespmem:v3+s17+$0x0], $0xffff  }
0x7a: {  	v21 =	vbroadcast v2, $0x1  }
0x7b: {  	s23 =	sor.u32 $0x800, s22  }
0x7c: {  	v5 =	vor.u32 s23, v21  }
0x7d: {  	s24 =	sadd.s32 $0x1, s19;
	v5 =	vor.u32 v0, v5  }
0x7e: {  	[tilespmem:v4+s14+$0x0] =	vst.idx.msk $0xffff, v3;
	v3 =	vmov s24  }
0x7f: {  	_ =	swait.ge [sflag:s16], $0x800;
	v22 =	vshll.u32 v3, $0x3  }
0x80: {  	v3 =	vand.u32 $0x71, v3;
	[sflag:s16] =	ssyncset.done $0x0;
	v4 =	vand.u32 $0xFFFFFC00, v22  }
0x81: {  	[sflag:s16] =	ssyncadd.s32 $0xFFFFF800;
	v3 =	vor.u32 v3, v4  }
0x82: {  	v23 =	vld.idx.msk [tilespmem:v5+s17+$0x0], $0xffff;
	v3 =	vadd.s32 v1, v3  }
0x83: {  	v24 =	vbroadcast v2, $0x2  }
0x84: {  	s25 =	sor.u32 $0x1000, s22  }
0x85: {  	v5 =	vor.u32 s25, v24  }
0x86: {  	s26 =	sadd.s32 $0x2, s19;
	v5 =	vor.u32 v0, v5  }
0x87: {  	[tilespmem:v3+s14+$0x0] =	vst.idx.msk $0xffff, v23;
	v3 =	vmov s26  }
0x88: {  	_ =	swait.ge [sflag:s16], $0x800;
	v25 =	vshll.u32 v3, $0x3  }
0x89: {  	v3 =	vand.u32 $0x72, v3;
	[sflag:s16] =	ssyncset.done $0x0;
	v4 =	vand.u32 $0xFFFFFC00, v25  }
0x8a: {  	[sflag:s16] =	ssyncadd.s32 $0xFFFFF800;
	v3 =	vor.u32 v3, v4  }
0x8b: {  	v26 =	vld.idx.msk [tilespmem:v5+s17+$0x0], $0xffff;
	v3 =	vadd.s32 v1, v3  }
0x8c: {  	v27 =	vbroadcast v2, $0x3  }
0x8d: {  	s28 =	sor.u32 $0x1800, s22  }
0x8e: {  	v5 =	vor.u32 s28, v27  }
0x8f: {  	s29 =	sadd.s32 $0x3, s19;
	v5 =	vor.u32 v0, v5  }
0x90: {  	[tilespmem:v3+s14+$0x0] =	vst.idx.msk $0xffff, v26;
	v3 =	vmov s29  }
0x91: {  	_ =	swait.ge [sflag:s16], $0x800;
	v28 =	vshll.u32 v3, $0x3  }
0x92: {  	v3 =	vand.u32 $0x73, v3;
	[sflag:s16] =	ssyncset.done $0x0;
	v4 =	vand.u32 $0xFFFFFC00, v28  }
0x93: {  	[sflag:s16] =	ssyncadd.s32 $0xFFFFF800;
	v3 =	vor.u32 v3, v4  }
0x94: {  	v29 =	vld.idx.msk [tilespmem:v5+s17+$0x0], $0xffff;
	v3 =	vadd.s32 v1, v3  }
0x95: {  	v30 =	vbroadcast v2, $0x4  }
0x96: {  	s30 =	sor.u32 $0x2000, s22  }
0x97: {  	v5 =	vor.u32 s30, v30  }
0x98: {  	s31 =	sadd.s32 $0x4, s19;
	v5 =	vor.u32 v0, v5  }
0x99: {  	[tilespmem:v3+s14+$0x0] =	vst.idx.msk $0xffff, v29;
	v3 =	vmov s31  }
0x9a: {  	_ =	swait.ge [sflag:s16], $0x800;
	v31 =	vshll.u32 v3, $0x3  }
0x9b: {  	v3 =	vand.u32 $0x74, v3;
	[sflag:s16] =	ssyncset.done $0x0;
	v4 =	vand.u32 $0xFFFFFC00, v31  }
0x9c: {  	[sflag:s16] =	ssyncadd.s32 $0xFFFFF800;
	v3 =	vor.u32 v3, v4  }
0x9d: {  	v32 =	vld.idx.msk [tilespmem:v5+s17+$0x0], $0xffff;
	v3 =	vadd.s32 v1, v3  }
0x9e: {  	v33 =	vbroadcast v2, $0x5  }
0x9f: {  	s24 =	sor.u32 $0x2800, s22  }
0xa0: {  	v5 =	vor.u32 s24, v33  }
0xa1: {  	s25 =	sadd.s32 $0x5, s19;
	v5 =	vor.u32 v0, v5  }
0xa2: {  	[tilespmem:v3+s14+$0x0] =	vst.idx.msk $0xffff, v32;
	v3 =	vmov s25  }
0xa3: {  	_ =	swait.ge [sflag:s16], $0x800;
	v34 =	vshll.u32 v3, $0x3  }
0xa4: {  	v3 =	vand.u32 $0x75, v3;
	[sflag:s16] =	ssyncset.done $0x0;
	v4 =	vand.u32 $0xFFFFFC00, v34  }
0xa5: {  	[sflag:s16] =	ssyncadd.s32 $0xFFFFF800;
	v3 =	vor.u32 v3, v4  }
0xa6: {  	v35 =	vld.idx.msk [tilespmem:v5+s17+$0x0], $0xffff;
	v3 =	vadd.s32 v1, v3  }
0xa7: {  	v36 =	vbroadcast v2, $0x6  }
0xa8: {  	s26 =	sor.u32 $0x3000, s22  }
0xa9: {  	v5 =	vor.u32 s26, v36  }
0xaa: {  	s28 =	sadd.s32 $0x6, s19;
	v5 =	vor.u32 v0, v5  }
0xab: {  	[tilespmem:v3+s14+$0x0] =	vst.idx.msk $0xffff, v35;
	v3 =	vmov s28  }
0xac: {  	_ =	swait.ge [sflag:s16], $0x800;
	v37 =	vshll.u32 v3, $0x3  }
0xad: {  	v3 =	vand.u32 $0x76, v3;
	[sflag:s16] =	ssyncset.done $0x0;
	v4 =	vand.u32 $0xFFFFFC00, v37  }
0xae: {  	[sflag:s16] =	ssyncadd.s32 $0xFFFFF800;
	v3 =	vor.u32 v3, v4  }
0xaf: {  	v38 =	vld.idx.msk [tilespmem:v5+s17+$0x0], $0xffff;
	v3 =	vadd.s32 v1, v3  }
0xb0: {  	v39 =	vbroadcast v2, $0x7  }
0xb1: {  	s29 =	sor.u32 $0x3800, s22  }
0xb2: {  	v5 =	vor.u32 s29, v39  }
0xb3: {  	s30 =	sadd.s32 $0x7, s19;
	v5 =	vor.u32 v0, v5  }
0xb4: {  	[tilespmem:v3+s14+$0x0] =	vst.idx.msk $0xffff, v38;
	v3 =	vmov s30  }
0xb5: {  	_ =	swait.ge [sflag:s16], $0x800;
	v40 =	vshll.u32 v3, $0x3  }
0xb6: {  	v3 =	vand.u32 $0x77, v3;
	[sflag:s16] =	ssyncset.done $0x0;
	v4 =	vand.u32 $0xFFFFFC00, v40  }
0xb7: {  	[sflag:s16] =	ssyncadd.s32 $0xFFFFF800;
	v3 =	vor.u32 v3, v4  }
0xb8: {  	v41 =	vld.idx.msk [tilespmem:v5+s17+$0x0], $0xffff;
	v3 =	vadd.s32 v1, v3  }
0xb9: {  	v42 =	vbroadcast v2, $0x8  }
0xba: {  	s31 =	sor.u32 $0x4000, s22  }
0xbb: {  	v5 =	vor.u32 s31, v42  }
0xbc: {  	s24 =	sadd.s32 $0x8, s19;
	v5 =	vor.u32 v0, v5  }
0xbd: {  	[tilespmem:v3+s14+$0x0] =	vst.idx.msk $0xffff, v41;
	v3 =	vmov s24  }
0xbe: {  	_ =	swait.ge [sflag:s16], $0x800;
	v43 =	vshll.u32 v3, $0x3  }
0xbf: {  	v3 =	vand.u32 $0x78, v3;
	[sflag:s16] =	ssyncset.done $0x0;
	v4 =	vand.u32 $0xFFFFFC00, v43  }
0xc0: {  	[sflag:s16] =	ssyncadd.s32 $0xFFFFF800;
	v3 =	vor.u32 v3, v4  }
0xc1: {  	v44 =	vld.idx.msk [tilespmem:v5+s17+$0x0], $0xffff;
	v3 =	vadd.s32 v1, v3  }
0xc2: {  	v45 =	vbroadcast v2, $0x9  }
0xc3: {  	s25 =	sor.u32 $0x4800, s22  }
0xc4: {  	v5 =	vor.u32 s25, v45  }
0xc5: {  	s26 =	sadd.s32 $0x9, s19;
	v5 =	vor.u32 v0, v5  }
0xc6: {  	[tilespmem:v3+s14+$0x0] =	vst.idx.msk $0xffff, v44;
	v3 =	vmov s26  }
0xc7: {  	_ =	swait.ge [sflag:s16], $0x800;
	v46 =	vshll.u32 v3, $0x3  }
0xc8: {  	v3 =	vand.u32 $0x79, v3;
	[sflag:s16] =	ssyncset.done $0x0;
	v4 =	vand.u32 $0xFFFFFC00, v46  }
0xc9: {  	[sflag:s16] =	ssyncadd.s32 $0xFFFFF800;
	v3 =	vor.u32 v3, v4  }
0xca: {  	v47 =	vld.idx.msk [tilespmem:v5+s17+$0x0], $0xffff;
	v3 =	vadd.s32 v1, v3  }
0xcb: {  	v48 =	vbroadcast v2, $0xA  }
0xcc: {  	s28 =	sor.u32 $0x5000, s22  }
0xcd: {  	v5 =	vor.u32 s28, v48  }
0xce: {  	s29 =	sadd.s32 $0xA, s19;
	v5 =	vor.u32 v0, v5  }
0xcf: {  	[tilespmem:v3+s14+$0x0] =	vst.idx.msk $0xffff, v47;
	v3 =	vmov s29  }
0xd0: {  	_ =	swait.ge [sflag:s16], $0x800;
	v49 =	vshll.u32 v3, $0x3  }
0xd1: {  	v3 =	vand.u32 $0x7A, v3;
	[sflag:s16] =	ssyncset.done $0x0;
	v4 =	vand.u32 $0xFFFFFC00, v49  }
0xd2: {  	[sflag:s16] =	ssyncadd.s32 $0xFFFFF800;
	v3 =	vor.u32 v3, v4  }
0xd3: {  	v50 =	vld.idx.msk [tilespmem:v5+s17+$0x0], $0xffff;
	v3 =	vadd.s32 v1, v3  }
0xd4: {  	v51 =	vbroadcast v2, $0xB  }
0xd5: {  	s30 =	sor.u32 $0x5800, s22  }
0xd6: {  	v5 =	vor.u32 s30, v51  }
0xd7: {  	s31 =	sadd.s32 $0xB, s19;
	v5 =	vor.u32 v0, v5  }
0xd8: {  	[tilespmem:v3+s14+$0x0] =	vst.idx.msk $0xffff, v50;
	v3 =	vmov s31  }
0xd9: {  	_ =	swait.ge [sflag:s16], $0x800;
	v52 =	vshll.u32 v3, $0x3  }
0xda: {  	v3 =	vand.u32 $0x7B, v3;
	[sflag:s16] =	ssyncset.done $0x0;
	v4 =	vand.u32 $0xFFFFFC00, v52  }
0xdb: {  	[sflag:s16] =	ssyncadd.s32 $0xFFFFF800;
	v3 =	vor.u32 v3, v4  }
0xdc: {  	v53 =	vld.idx.msk [tilespmem:v5+s17+$0x0], $0xffff;
	v3 =	vadd.s32 v1, v3  }
0xdd: {  	v54 =	vbroadcast v2, $0xC  }
0xde: {  	s24 =	sor.u32 $0x6000, s22  }
0xdf: {  	v5 =	vor.u32 s24, v54  }
0xe0: {  	s25 =	sadd.s32 $0xC, s19;
	v5 =	vor.u32 v0, v5  }
0xe1: {  	[tilespmem:v3+s14+$0x0] =	vst.idx.msk $0xffff, v53;
	v3 =	vmov s25  }
0xe2: {  	_ =	swait.ge [sflag:s16], $0x800;
	v55 =	vshll.u32 v3, $0x3  }
0xe3: {  	v3 =	vand.u32 $0x7C, v3;
	[sflag:s16] =	ssyncset.done $0x0;
	v4 =	vand.u32 $0xFFFFFC00, v55  }
0xe4: {  	[sflag:s16] =	ssyncadd.s32 $0xFFFFF800;
	v3 =	vor.u32 v3, v4  }
0xe5: {  	v56 =	vld.idx.msk [tilespmem:v5+s17+$0x0], $0xffff;
	v3 =	vadd.s32 v1, v3  }
0xe6: {  	v57 =	vbroadcast v2, $0xD  }
0xe7: {  	s26 =	sor.u32 $0x6800, s22  }
0xe8: {  	v5 =	vor.u32 s26, v57  }
0xe9: {  	s28 =	sadd.s32 $0xD, s19;
	v5 =	vor.u32 v0, v5  }
0xea: {  	[tilespmem:v3+s14+$0x0] =	vst.idx.msk $0xffff, v56;
	v3 =	vmov s28  }
0xeb: {  	_ =	swait.ge [sflag:s16], $0x800;
	v58 =	vshll.u32 v3, $0x3  }
0xec: {  	v3 =	vand.u32 $0x7D, v3;
	[sflag:s16] =	ssyncset.done $0x0;
	v4 =	vand.u32 $0xFFFFFC00, v58  }
0xed: {  	[sflag:s16] =	ssyncadd.s32 $0xFFFFF800;
	v3 =	vor.u32 v3, v4  }
0xee: {  	v59 =	vld.idx.msk [tilespmem:v5+s17+$0x0], $0xffff;
	v3 =	vadd.s32 v1, v3  }
0xef: {  	v60 =	vbroadcast v2, $0xE  }
0xf0: {  	s29 =	sor.u32 $0x7000, s22  }
0xf1: {  	v5 =	vor.u32 s29, v60  }
0xf2: {  	s30 =	sadd.s32 $0xE, s19;
	v5 =	vor.u32 v0, v5  }
0xf3: {  	[tilespmem:v3+s14+$0x0] =	vst.idx.msk $0xffff, v59;
	v3 =	vmov s30  }
0xf4: {  	_ =	swait.ge [sflag:s16], $0x800;
	v61 =	vshll.u32 v3, $0x3  }
0xf5: {  	v3 =	vand.u32 $0x7E, v3;
	[sflag:s16] =	ssyncset.done $0x0;
	v4 =	vand.u32 $0xFFFFFC00, v61  }
0xf6: {  	[sflag:s16] =	ssyncadd.s32 $0xFFFFF800;
	v3 =	vor.u32 v3, v4  }
0xf7: {  	v62 =	vld.idx.msk [tilespmem:v5+s17+$0x0], $0xffff;
	v3 =	vadd.s32 v1, v3  }
0xf8: {  	v2 =	vbroadcast v2, $0xF  }
0xf9: {  	s22 =	sor.u32 $0x7800, s22  }
0xfa: {  	v2 =	vor.u32 s22, v2  }
0xfb: {  	v2 =	vor.u32 v0, v2;
	s31 =	sadd.s32 $0xF, s19  }
0xfc: {  	[tilespmem:v3+s14+$0x0] =	vst.idx.msk $0xffff, v62;
	v3 =	vmov s31  }
0xfd: {  	_ =	swait.ge [sflag:s16], $0x800;
	v63 =	vshll.u32 v3, $0x3  }
0xfe: {  	v3 =	vand.u32 $0x7F, v3;
	[sflag:s16] =	ssyncset.done $0x0;
	v4 =	vand.u32 $0xFFFFFC00, v63  }
0xff: {  	[sflag:s16] =	ssyncadd.s32 $0xFFFFF800;
	v3 =	vor.u32 v3, v4  }
0x100: {  	v2 =	vld.idx.msk [tilespmem:v2+s17+$0x0], $0xffff;
	v3 =	vadd.s32 v1, v3  }
.Ltmp5:
0x101: {  	_ = 	snop;
	(pc) =	sbr.rel .LBB2_4-.Ltmp5, $2  }
0x102: {  	_ =	sdelay $0x2  }
0x103: {  	[tilespmem:v3+s14+$0x0] =	vst.idx.msk $0xffff, v2  }
.LBB2_5:
.Ltmp6:
0x104: {  	(pc) =	sbr.rel .LBB2_6-.Ltmp6, $2  }
0x105: {  	_ =	sdelay $0x2  }
0x106: {  	s19 =	simm.s32 $0xFFFFFFF0;
	s20 =	simm.s32 $0x0;
	s21 =	simm.s32 $0x200  }
.LBB2_8:
0x107: {  	s19 =	sadd.s32 $0x10, s19  }
0x108: {  	p0 =	sne.s32 s19, $0x200  }
.Ltmp7:
0x109: {  	_ = 	snop;
	(pc) =	sbr.rel @!p0 .LBB2_9-.Ltmp7, $2  }
0x10a: {  	_ =	sdelay $0x2  }
0x10b: {  	s20 =	sadd.s32 $0x20000, s20;
	s21 =	sadd.s32 $0x10, s21  }
.LBB2_6:
0x10c: {  	p0 =	seq.s32 s19, $0x1F0  }
0x10d: {  	v2 =	vld @!p0 [tilespmem:s21+$0x0];
	_ =	sdelay $0x4  }
0x10e: {  	(v2sf) =	vpush @!p0 v2, $0x0;
	_ =	sdelay $0x3  }
0x10f: {  	(v2sf) =	vpush @!p0 v2, $0x1;
	_ =	sdelay $0x3  }
0x110: {  	(v2sf) =	vpush @!p0 v2, $0x2;
	_ =	sdelay $0x3  }
0x111: {  	(v2sf) =	vpush @!p0 v2, $0x3;
	_ =	sdelay $0x2  }
0x112: {  	s22 =	sshrl.u32 @!p0 s20, $0x2;
	s24 =	simm.s32 @!p0 $0x7A1400;
	s23 =	spop @!p0 (v2sf)  }
0x113: {  	s22 =	sand.u32 @!p0 $0x8000, s22;
	(v2sf) =	vpush @!p0 v2, $0x4;
	s23 =	sand.u32 @!p0 $0xFFFFF80, s23  }
0x114: {  	s25 =	sor.u32 @!p0 $0x400, s22;
	s26 =	sadd.s32 @!p0 s1, s23;
	s23 =	simm.s32 @!p0 $0x400  }
0x115: {  	[tilespmem:s25], [sflag:$0x1] =	stream.strided.gather @!p0 [hbm4b:s26+s23], $0x800, s24, s23, $0x38;
	[tilespmem:$0x14400] =	vst v63  }
0x116: {  	s25 =	spop @!p0 (v2sf)  }
0x117: {  	(v2sf) =	vpush @!p0 v2, $0x5;
	s25 =	sand.u32 @!p0 $0xFFFFF80, s25  }
0x118: {  	s26 =	sor.u32 @!p0 $0xC00, s22;
	s25 =	sadd.s32 @!p0 s1, s25  }
0x119: {  	[tilespmem:s26], [sflag:$0x1] =	stream.strided.gather @!p0 [hbm4b:s25+s23], $0x800, s24, s23, $0x38;
	[tilespmem:$0x14400] =	vst v63  }
0x11a: {  	s25 =	spop @!p0 (v2sf)  }
0x11b: {  	(v2sf) =	vpush @!p0 v2, $0x6;
	s25 =	sand.u32 @!p0 $0xFFFFF80, s25  }
0x11c: {  	s26 =	sor.u32 @!p0 $0x1400, s22;
	s25 =	sadd.s32 @!p0 s1, s25  }
0x11d: {  	[tilespmem:s26], [sflag:$0x1] =	stream.strided.gather @!p0 [hbm4b:s25+s23], $0x800, s24, s23, $0x38;
	[tilespmem:$0x14400] =	vst v63  }
0x11e: {  	s25 =	spop @!p0 (v2sf)  }
0x11f: {  	(v2sf) =	vpush @!p0 v2, $0x7;
	s25 =	sand.u32 @!p0 $0xFFFFF80, s25  }
0x120: {  	s26 =	sor.u32 @!p0 $0x1C00, s22;
	s25 =	sadd.s32 @!p0 s1, s25  }
0x121: {  	[tilespmem:s26], [sflag:$0x1] =	stream.strided.gather @!p0 [hbm4b:s25+s23], $0x800, s24, s23, $0x38;
	[tilespmem:$0x14400] =	vst v63  }
0x122: {  	s25 =	spop @!p0 (v2sf)  }
0x123: {  	(v2sf) =	vpush @!p0 v2, $0x8;
	s25 =	sand.u32 @!p0 $0xFFFFF80, s25  }
0x124: {  	s26 =	sor.u32 @!p0 $0x2400, s22;
	s25 =	sadd.s32 @!p0 s1, s25  }
0x125: {  	[tilespmem:s26], [sflag:$0x1] =	stream.strided.gather @!p0 [hbm4b:s25+s23], $0x800, s24, s23, $0x38;
	[tilespmem:$0x14400] =	vst v63  }
0x126: {  	s25 =	spop @!p0 (v2sf)  }
0x127: {  	(v2sf) =	vpush @!p0 v2, $0x9;
	s25 =	sand.u32 @!p0 $0xFFFFF80, s25  }
0x128: {  	s26 =	sor.u32 @!p0 $0x2C00, s22;
	s25 =	sadd.s32 @!p0 s1, s25  }
0x129: {  	[tilespmem:s26], [sflag:$0x1] =	stream.strided.gather @!p0 [hbm4b:s25+s23], $0x800, s24, s23, $0x38;
	[tilespmem:$0x14400] =	vst v63  }
0x12a: {  	s25 =	spop @!p0 (v2sf)  }
0x12b: {  	(v2sf) =	vpush @!p0 v2, $0xA;
	s25 =	sand.u32 @!p0 $0xFFFFF80, s25  }
0x12c: {  	s26 =	sor.u32 @!p0 $0x3400, s22;
	s25 =	sadd.s32 @!p0 s1, s25  }
0x12d: {  	[tilespmem:s26], [sflag:$0x1] =	stream.strided.gather @!p0 [hbm4b:s25+s23], $0x800, s24, s23, $0x38;
	[tilespmem:$0x14400] =	vst v63  }
0x12e: {  	s25 =	spop @!p0 (v2sf)  }
0x12f: {  	(v2sf) =	vpush @!p0 v2, $0xB;
	s25 =	sand.u32 @!p0 $0xFFFFF80, s25  }
0x130: {  	s26 =	sor.u32 @!p0 $0x3C00, s22;
	s25 =	sadd.s32 @!p0 s1, s25  }
0x131: {  	[tilespmem:s26], [sflag:$0x1] =	stream.strided.gather @!p0 [hbm4b:s25+s23], $0x800, s24, s23, $0x38;
	[tilespmem:$0x14400] =	vst v63  }
0x132: {  	s25 =	spop @!p0 (v2sf)  }
0x133: {  	(v2sf) =	vpush @!p0 v2, $0xC;
	s25 =	sand.u32 @!p0 $0xFFFFF80, s25  }
0x134: {  	s26 =	sor.u32 @!p0 $0x4400, s22;
	s25 =	sadd.s32 @!p0 s1, s25  }
0x135: {  	[tilespmem:s26], [sflag:$0x1] =	stream.strided.gather @!p0 [hbm4b:s25+s23], $0x800, s24, s23, $0x38;
	[tilespmem:$0x14400] =	vst v63  }
0x136: {  	s25 =	spop @!p0 (v2sf)  }
0x137: {  	(v2sf) =	vpush @!p0 v2, $0xD;
	s25 =	sand.u32 @!p0 $0xFFFFF80, s25  }
0x138: {  	s26 =	sor.u32 @!p0 $0x4C00, s22;
	s25 =	sadd.s32 @!p0 s1, s25  }
0x139: {  	[tilespmem:s26], [sflag:$0x1] =	stream.strided.gather @!p0 [hbm4b:s25+s23], $0x800, s24, s23, $0x38;
	[tilespmem:$0x14400] =	vst v63  }
0x13a: {  	s25 =	spop @!p0 (v2sf)  }
0x13b: {  	(v2sf) =	vpush @!p0 v2, $0xE;
	s25 =	sand.u32 @!p0 $0xFFFFF80, s25  }
0x13c: {  	s26 =	sor.u32 @!p0 $0x5400, s22;
	s25 =	sadd.s32 @!p0 s1, s25  }
0x13d: {  	[tilespmem:s26], [sflag:$0x1] =	stream.strided.gather @!p0 [hbm4b:s25+s23], $0x800, s24, s23, $0x38;
	[tilespmem:$0x14400] =	vst v63  }
0x13e: {  	s25 =	spop @!p0 (v2sf)  }
0x13f: {  	(v2sf) =	vpush @!p0 v2, $0xF;
	s25 =	sand.u32 @!p0 $0xFFFFF80, s25  }
0x140: {  	s26 =	sor.u32 @!p0 $0x5C00, s22;
	s25 =	sadd.s32 @!p0 s1, s25  }
0x141: {  	[tilespmem:s26], [sflag:$0x1] =	stream.strided.gather @!p0 [hbm4b:s25+s23], $0x800, s24, s23, $0x38;
	[tilespmem:$0x14400] =	vst v63  }
0x142: {  	s25 =	spop @!p0 (v2sf)  }
0x143: {  	s25 =	sand.u32 @!p0 $0xFFFFF80, s25  }
0x144: {  	s26 =	sor.u32 @!p0 $0x6400, s22;
	s25 =	sadd.s32 @!p0 s1, s25  }
0x145: {  	[tilespmem:s26], [sflag:$0x1] =	stream.strided.gather @!p0 [hbm4b:s25+s23], $0x800, s24, s23, $0x38;
	[tilespmem:$0x14400] =	vst v63  }
0x146: {  	s25 =	spop @!p0 (v2sf)  }
0x147: {  	s25 =	sand.u32 @!p0 $0xFFFFF80, s25  }
0x148: {  	s26 =	sor.u32 @!p0 $0x6C00, s22;
	s25 =	sadd.s32 @!p0 s1, s25  }
0x149: {  	[tilespmem:s26], [sflag:$0x1] =	stream.strided.gather @!p0 [hbm4b:s25+s23], $0x800, s24, s23, $0x38;
	[tilespmem:$0x14400] =	vst v63  }
0x14a: {  	s25 =	spop @!p0 (v2sf)  }
0x14b: {  	s25 =	sand.u32 @!p0 $0xFFFFF80, s25  }
0x14c: {  	s26 =	sor.u32 @!p0 $0x7400, s22;
	s25 =	sadd.s32 @!p0 s1, s25  }
0x14d: {  	[tilespmem:s26], [sflag:$0x1] =	stream.strided.gather @!p0 [hbm4b:s25+s23], $0x800, s24, s23, $0x38;
	[tilespmem:$0x14400] =	vst v63  }
0x14e: {  	s25 =	spop @!p0 (v2sf)  }
0x14f: {  	s25 =	sand.u32 @!p0 $0xFFFFF80, s25  }
0x150: {  	p1 =	seq.s32 @!p0 s19, $0xFFFFFFF0;
	s22 =	sor.u32 @!p0 $0x7C00, s22;
	s25 =	sadd.s32 @!p0 s1, s25  }
0x151: {  	[tilespmem:s22], [sflag:$0x1] =	stream.strided.gather @!p0 [hbm4b:s25+s23], $0x800, s24, s23, $0x38;
	[tilespmem:$0x14400] =	vst v63  }
0x152: {  	p0 =	por p0, !p1  }
.Ltmp8:
0x153: {  	_ = 	snop;
	(pc) =	sbr.rel @!p0 .LBB2_8-.Ltmp8, $1  }
0x154: {  	_ =	sdelay $0x3  }
0x155: {  	v2 =	vld [tilespmem:s21+$0xFFFFFFF0];
	_ =	sdelay $0x3  }
0x156: {  	s22 =	sshll.u32 s19, $0xB  }
0x157: {  	s22 =	sand.u32 $0x8000, s22;
	v2 =	vand.u32 $0x7F, v2  }
0x158: {  	v3 =	vor.u32 s22, v2  }
0x159: {  	v3 =	vbroadcast v3, $0x0;
	_ =	sdelay $0x1  }
0x15a: {  	v3 =	vor.u32 v0, v3  }
0x15b: {  	v4 =	vmov s19  }
0x15c: {  	_ =	swait.ge [sflag:s16], $0x800;
	v5 =	vshll.u32 v4, $0x3  }
0x15d: {  	[sflag:s16] =	ssyncset.done $0x0;
	v4 =	vand.u32 $0x70, v4;
	v5 =	vand.u32 $0xFFFFFC00, v5  }
0x15e: {  	[sflag:s16] =	ssyncadd.s32 $0xFFFFF800;
	v4 =	vor.u32 v4, v5  }
0x15f: {  	v4 =	vadd.s32 v1, v4;
	v3 =	vld.idx.msk [tilespmem:v3+s17+$0x0], $0xffff  }
0x160: {  	v21 =	vbroadcast v2, $0x1  }
0x161: {  	s23 =	sor.u32 $0x800, s22  }
0x162: {  	v5 =	vor.u32 s23, v21  }
0x163: {  	s24 =	sadd.s32 $0x1, s19;
	v5 =	vor.u32 v0, v5  }
0x164: {  	[tilespmem:v4+s15+$0x0] =	vst.idx.msk $0xffff, v3;
	v3 =	vmov s24  }
0x165: {  	_ =	swait.ge [sflag:s16], $0x800;
	v22 =	vshll.u32 v3, $0x3  }
0x166: {  	v3 =	vand.u32 $0x71, v3;
	[sflag:s16] =	ssyncset.done $0x0;
	v4 =	vand.u32 $0xFFFFFC00, v22  }
0x167: {  	[sflag:s16] =	ssyncadd.s32 $0xFFFFF800;
	v3 =	vor.u32 v3, v4  }
0x168: {  	v23 =	vld.idx.msk [tilespmem:v5+s17+$0x0], $0xffff;
	v3 =	vadd.s32 v1, v3  }
0x169: {  	v24 =	vbroadcast v2, $0x2  }
0x16a: {  	s25 =	sor.u32 $0x1000, s22  }
0x16b: {  	v5 =	vor.u32 s25, v24  }
0x16c: {  	s26 =	sadd.s32 $0x2, s19;
	v5 =	vor.u32 v0, v5  }
0x16d: {  	[tilespmem:v3+s15+$0x0] =	vst.idx.msk $0xffff, v23;
	v3 =	vmov s26  }
0x16e: {  	_ =	swait.ge [sflag:s16], $0x800;
	v25 =	vshll.u32 v3, $0x3  }
0x16f: {  	v3 =	vand.u32 $0x72, v3;
	[sflag:s16] =	ssyncset.done $0x0;
	v4 =	vand.u32 $0xFFFFFC00, v25  }
0x170: {  	[sflag:s16] =	ssyncadd.s32 $0xFFFFF800;
	v3 =	vor.u32 v3, v4  }
0x171: {  	v26 =	vld.idx.msk [tilespmem:v5+s17+$0x0], $0xffff;
	v3 =	vadd.s32 v1, v3  }
0x172: {  	v27 =	vbroadcast v2, $0x3  }
0x173: {  	s28 =	sor.u32 $0x1800, s22  }
0x174: {  	v5 =	vor.u32 s28, v27  }
0x175: {  	s29 =	sadd.s32 $0x3, s19;
	v5 =	vor.u32 v0, v5  }
0x176: {  	[tilespmem:v3+s15+$0x0] =	vst.idx.msk $0xffff, v26;
	v3 =	vmov s29  }
0x177: {  	_ =	swait.ge [sflag:s16], $0x800;
	v28 =	vshll.u32 v3, $0x3  }
0x178: {  	v3 =	vand.u32 $0x73, v3;
	[sflag:s16] =	ssyncset.done $0x0;
	v4 =	vand.u32 $0xFFFFFC00, v28  }
0x179: {  	[sflag:s16] =	ssyncadd.s32 $0xFFFFF800;
	v3 =	vor.u32 v3, v4  }
0x17a: {  	v29 =	vld.idx.msk [tilespmem:v5+s17+$0x0], $0xffff;
	v3 =	vadd.s32 v1, v3  }
0x17b: {  	v30 =	vbroadcast v2, $0x4  }
0x17c: {  	s30 =	sor.u32 $0x2000, s22  }
0x17d: {  	v5 =	vor.u32 s30, v30  }
0x17e: {  	s31 =	sadd.s32 $0x4, s19;
	v5 =	vor.u32 v0, v5  }
0x17f: {  	[tilespmem:v3+s15+$0x0] =	vst.idx.msk $0xffff, v29;
	v3 =	vmov s31  }
0x180: {  	_ =	swait.ge [sflag:s16], $0x800;
	v31 =	vshll.u32 v3, $0x3  }
0x181: {  	v3 =	vand.u32 $0x74, v3;
	[sflag:s16] =	ssyncset.done $0x0;
	v4 =	vand.u32 $0xFFFFFC00, v31  }
0x182: {  	[sflag:s16] =	ssyncadd.s32 $0xFFFFF800;
	v3 =	vor.u32 v3, v4  }
0x183: {  	v32 =	vld.idx.msk [tilespmem:v5+s17+$0x0], $0xffff;
	v3 =	vadd.s32 v1, v3  }
0x184: {  	v33 =	vbroadcast v2, $0x5  }
0x185: {  	s24 =	sor.u32 $0x2800, s22  }
0x186: {  	v5 =	vor.u32 s24, v33  }
0x187: {  	s25 =	sadd.s32 $0x5, s19;
	v5 =	vor.u32 v0, v5  }
0x188: {  	[tilespmem:v3+s15+$0x0] =	vst.idx.msk $0xffff, v32;
	v3 =	vmov s25  }
0x189: {  	_ =	swait.ge [sflag:s16], $0x800;
	v34 =	vshll.u32 v3, $0x3  }
0x18a: {  	v3 =	vand.u32 $0x75, v3;
	[sflag:s16] =	ssyncset.done $0x0;
	v4 =	vand.u32 $0xFFFFFC00, v34  }
0x18b: {  	[sflag:s16] =	ssyncadd.s32 $0xFFFFF800;
	v3 =	vor.u32 v3, v4  }
0x18c: {  	v35 =	vld.idx.msk [tilespmem:v5+s17+$0x0], $0xffff;
	v3 =	vadd.s32 v1, v3  }
0x18d: {  	v36 =	vbroadcast v2, $0x6  }
0x18e: {  	s26 =	sor.u32 $0x3000, s22  }
0x18f: {  	v5 =	vor.u32 s26, v36  }
0x190: {  	s28 =	sadd.s32 $0x6, s19;
	v5 =	vor.u32 v0, v5  }
0x191: {  	[tilespmem:v3+s15+$0x0] =	vst.idx.msk $0xffff, v35;
	v3 =	vmov s28  }
0x192: {  	_ =	swait.ge [sflag:s16], $0x800;
	v37 =	vshll.u32 v3, $0x3  }
0x193: {  	v3 =	vand.u32 $0x76, v3;
	[sflag:s16] =	ssyncset.done $0x0;
	v4 =	vand.u32 $0xFFFFFC00, v37  }
0x194: {  	[sflag:s16] =	ssyncadd.s32 $0xFFFFF800;
	v3 =	vor.u32 v3, v4  }
0x195: {  	v38 =	vld.idx.msk [tilespmem:v5+s17+$0x0], $0xffff;
	v3 =	vadd.s32 v1, v3  }
0x196: {  	v39 =	vbroadcast v2, $0x7  }
0x197: {  	s29 =	sor.u32 $0x3800, s22  }
0x198: {  	v5 =	vor.u32 s29, v39  }
0x199: {  	s30 =	sadd.s32 $0x7, s19;
	v5 =	vor.u32 v0, v5  }
0x19a: {  	[tilespmem:v3+s15+$0x0] =	vst.idx.msk $0xffff, v38;
	v3 =	vmov s30  }
0x19b: {  	_ =	swait.ge [sflag:s16], $0x800;
	v40 =	vshll.u32 v3, $0x3  }
0x19c: {  	v3 =	vand.u32 $0x77, v3;
	[sflag:s16] =	ssyncset.done $0x0;
	v4 =	vand.u32 $0xFFFFFC00, v40  }
0x19d: {  	[sflag:s16] =	ssyncadd.s32 $0xFFFFF800;
	v3 =	vor.u32 v3, v4  }
0x19e: {  	v41 =	vld.idx.msk [tilespmem:v5+s17+$0x0], $0xffff;
	v3 =	vadd.s32 v1, v3  }
0x19f: {  	v42 =	vbroadcast v2, $0x8  }
0x1a0: {  	s31 =	sor.u32 $0x4000, s22  }
0x1a1: {  	v5 =	vor.u32 s31, v42  }
0x1a2: {  	s24 =	sadd.s32 $0x8, s19;
	v5 =	vor.u32 v0, v5  }
0x1a3: {  	[tilespmem:v3+s15+$0x0] =	vst.idx.msk $0xffff, v41;
	v3 =	vmov s24  }
0x1a4: {  	_ =	swait.ge [sflag:s16], $0x800;
	v43 =	vshll.u32 v3, $0x3  }
0x1a5: {  	v3 =	vand.u32 $0x78, v3;
	[sflag:s16] =	ssyncset.done $0x0;
	v4 =	vand.u32 $0xFFFFFC00, v43  }
0x1a6: {  	[sflag:s16] =	ssyncadd.s32 $0xFFFFF800;
	v3 =	vor.u32 v3, v4  }
0x1a7: {  	v44 =	vld.idx.msk [tilespmem:v5+s17+$0x0], $0xffff;
	v3 =	vadd.s32 v1, v3  }
0x1a8: {  	v45 =	vbroadcast v2, $0x9  }
0x1a9: {  	s25 =	sor.u32 $0x4800, s22  }
0x1aa: {  	v5 =	vor.u32 s25, v45  }
0x1ab: {  	s26 =	sadd.s32 $0x9, s19;
	v5 =	vor.u32 v0, v5  }
0x1ac: {  	[tilespmem:v3+s15+$0x0] =	vst.idx.msk $0xffff, v44;
	v3 =	vmov s26  }
0x1ad: {  	_ =	swait.ge [sflag:s16], $0x800;
	v46 =	vshll.u32 v3, $0x3  }
0x1ae: {  	v3 =	vand.u32 $0x79, v3;
	[sflag:s16] =	ssyncset.done $0x0;
	v4 =	vand.u32 $0xFFFFFC00, v46  }
0x1af: {  	[sflag:s16] =	ssyncadd.s32 $0xFFFFF800;
	v3 =	vor.u32 v3, v4  }
0x1b0: {  	v47 =	vld.idx.msk [tilespmem:v5+s17+$0x0], $0xffff;
	v3 =	vadd.s32 v1, v3  }
0x1b1: {  	v48 =	vbroadcast v2, $0xA  }
0x1b2: {  	s28 =	sor.u32 $0x5000, s22  }
0x1b3: {  	v5 =	vor.u32 s28, v48  }
0x1b4: {  	s29 =	sadd.s32 $0xA, s19;
	v5 =	vor.u32 v0, v5  }
0x1b5: {  	[tilespmem:v3+s15+$0x0] =	vst.idx.msk $0xffff, v47;
	v3 =	vmov s29  }
0x1b6: {  	_ =	swait.ge [sflag:s16], $0x800;
	v49 =	vshll.u32 v3, $0x3  }
0x1b7: {  	v3 =	vand.u32 $0x7A, v3;
	[sflag:s16] =	ssyncset.done $0x0;
	v4 =	vand.u32 $0xFFFFFC00, v49  }
0x1b8: {  	[sflag:s16] =	ssyncadd.s32 $0xFFFFF800;
	v3 =	vor.u32 v3, v4  }
0x1b9: {  	v50 =	vld.idx.msk [tilespmem:v5+s17+$0x0], $0xffff;
	v3 =	vadd.s32 v1, v3  }
0x1ba: {  	v51 =	vbroadcast v2, $0xB  }
0x1bb: {  	s30 =	sor.u32 $0x5800, s22  }
0x1bc: {  	v5 =	vor.u32 s30, v51  }
0x1bd: {  	s31 =	sadd.s32 $0xB, s19;
	v5 =	vor.u32 v0, v5  }
0x1be: {  	[tilespmem:v3+s15+$0x0] =	vst.idx.msk $0xffff, v50;
	v3 =	vmov s31  }
0x1bf: {  	_ =	swait.ge [sflag:s16], $0x800;
	v52 =	vshll.u32 v3, $0x3  }
0x1c0: {  	v3 =	vand.u32 $0x7B, v3;
	[sflag:s16] =	ssyncset.done $0x0;
	v4 =	vand.u32 $0xFFFFFC00, v52  }
0x1c1: {  	[sflag:s16] =	ssyncadd.s32 $0xFFFFF800;
	v3 =	vor.u32 v3, v4  }
0x1c2: {  	v53 =	vld.idx.msk [tilespmem:v5+s17+$0x0], $0xffff;
	v3 =	vadd.s32 v1, v3  }
0x1c3: {  	v54 =	vbroadcast v2, $0xC  }
0x1c4: {  	s24 =	sor.u32 $0x6000, s22  }
0x1c5: {  	v5 =	vor.u32 s24, v54  }
0x1c6: {  	s25 =	sadd.s32 $0xC, s19;
	v5 =	vor.u32 v0, v5  }
0x1c7: {  	[tilespmem:v3+s15+$0x0] =	vst.idx.msk $0xffff, v53;
	v3 =	vmov s25  }
0x1c8: {  	_ =	swait.ge [sflag:s16], $0x800;
	v55 =	vshll.u32 v3, $0x3  }
0x1c9: {  	v3 =	vand.u32 $0x7C, v3;
	[sflag:s16] =	ssyncset.done $0x0;
	v4 =	vand.u32 $0xFFFFFC00, v55  }
0x1ca: {  	[sflag:s16] =	ssyncadd.s32 $0xFFFFF800;
	v3 =	vor.u32 v3, v4  }
0x1cb: {  	v56 =	vld.idx.msk [tilespmem:v5+s17+$0x0], $0xffff;
	v3 =	vadd.s32 v1, v3  }
0x1cc: {  	v57 =	vbroadcast v2, $0xD  }
0x1cd: {  	s26 =	sor.u32 $0x6800, s22  }
0x1ce: {  	v5 =	vor.u32 s26, v57  }
0x1cf: {  	s28 =	sadd.s32 $0xD, s19;
	v5 =	vor.u32 v0, v5  }
0x1d0: {  	[tilespmem:v3+s15+$0x0] =	vst.idx.msk $0xffff, v56;
	v3 =	vmov s28  }
0x1d1: {  	_ =	swait.ge [sflag:s16], $0x800;
	v58 =	vshll.u32 v3, $0x3  }
0x1d2: {  	v3 =	vand.u32 $0x7D, v3;
	[sflag:s16] =	ssyncset.done $0x0;
	v4 =	vand.u32 $0xFFFFFC00, v58  }
0x1d3: {  	[sflag:s16] =	ssyncadd.s32 $0xFFFFF800;
	v3 =	vor.u32 v3, v4  }
0x1d4: {  	v59 =	vld.idx.msk [tilespmem:v5+s17+$0x0], $0xffff;
	v3 =	vadd.s32 v1, v3  }
0x1d5: {  	v60 =	vbroadcast v2, $0xE  }
0x1d6: {  	s29 =	sor.u32 $0x7000, s22  }
0x1d7: {  	v5 =	vor.u32 s29, v60  }
0x1d8: {  	s30 =	sadd.s32 $0xE, s19;
	v5 =	vor.u32 v0, v5  }
0x1d9: {  	[tilespmem:v3+s15+$0x0] =	vst.idx.msk $0xffff, v59;
	v3 =	vmov s30  }
0x1da: {  	_ =	swait.ge [sflag:s16], $0x800;
	v61 =	vshll.u32 v3, $0x3  }
0x1db: {  	v3 =	vand.u32 $0x7E, v3;
	[sflag:s16] =	ssyncset.done $0x0;
	v4 =	vand.u32 $0xFFFFFC00, v61  }
0x1dc: {  	[sflag:s16] =	ssyncadd.s32 $0xFFFFF800;
	v3 =	vor.u32 v3, v4  }
0x1dd: {  	v62 =	vld.idx.msk [tilespmem:v5+s17+$0x0], $0xffff;
	v3 =	vadd.s32 v1, v3  }
0x1de: {  	v2 =	vbroadcast v2, $0xF  }
0x1df: {  	s22 =	sor.u32 $0x7800, s22  }
0x1e0: {  	v2 =	vor.u32 s22, v2  }
0x1e1: {  	v2 =	vor.u32 v0, v2;
	s31 =	sadd.s32 $0xF, s19  }
0x1e2: {  	[tilespmem:v3+s15+$0x0] =	vst.idx.msk $0xffff, v62;
	v3 =	vmov s31  }
0x1e3: {  	_ =	swait.ge [sflag:s16], $0x800;
	v63 =	vshll.u32 v3, $0x3  }
0x1e4: {  	v3 =	vand.u32 $0x7F, v3;
	[sflag:s16] =	ssyncset.done $0x0;
	v4 =	vand.u32 $0xFFFFFC00, v63  }
0x1e5: {  	[sflag:s16] =	ssyncadd.s32 $0xFFFFF800;
	v3 =	vor.u32 v3, v4  }
0x1e6: {  	v2 =	vld.idx.msk [tilespmem:v2+s17+$0x0], $0xffff;
	v3 =	vadd.s32 v1, v3  }
.Ltmp9:
0x1e7: {  	_ = 	snop;
	(pc) =	sbr.rel .LBB2_8-.Ltmp9, $2  }
0x1e8: {  	_ =	sdelay $0x2  }
0x1e9: {  	[tilespmem:v3+s15+$0x0] =	vst.idx.msk $0xffff, v2  }
.LBB2_10:
0x1ea: {  	_ =	sfence.sel $0x180000  }
0x1eb: {  	[bflag:$0x0] =	sbarrier.arrive $0xFFFF  }
0x1ec: {  	p0 =	sne.s32 s3, $0x0;
	_ =	strace $0x90000047  }
0x1ed: {  	s0 =	sadd.s32 @!p0 $0x100000, s2;
	[bflag:$0x2] =	sbarrier.arrive $0xFFFF  }
0x1ee: {  	[sflag:s0] =	ssyncadd.tile.s32 @!p0 $0x1;
	_ =	shalt  }
.Lfunc_end2:
_tile_overlayer_lowered:
.L_overlay_start_2:
0x1ef: {  	(tag) =	ssettag $0x2  }
0x1f0: {  	s0 =	rddreg [dreg:$0x0];
	s2 =	stileid.u32  }
0x1f1: {  	s1 =	rddreg [dreg:$0x1];
	p0 =	sne.s32 s2, $0x0  }
0x1f2: {  	s3 =	rddreg [dreg:$0x2];
	[bflag:$0x3] =	sbarrier.arrive $0xFFFF;
	s2 =	simm.s32 @!p0 $0x1C02  }
0x1f3: {  	[timem:s3], [sflag:s2] =	dma.local @!p0 [hbm:s0], s1  }
0x1f4: {  	s0 =	simm.s32 @!p0 $0x2  }
0x1f5: {  	_ =	swait.ge @!p0 [sflag:s0], s1  }
0x1f6: {  	s1 =	ssub.s32 @!p0 $0x0, s1;
	[sflag:s0] =	ssyncset.done @!p0 $0x0  }
0x1f7: {  	[sflag:s0] =	ssyncadd.s32 @!p0 s1  }
0x1f8: {  	[bflag:$0x3] =	sbarrier.arrive $0xFFFF  }
0x1f9: {  	_ =	shalt  }

</sc_bundles>
